<compile_context>
chip_gen: v7x
topology: tpu7x:2x2x1
jax: 0.10.2.dev20260603
libtpu: 0.0.44.dev20260713+nightly
codegen_flags: <defaults>
</compile_context>

<pallas_src>
import jax
import jax.numpy as jnp
from jax import lax
from jax.experimental import pallas as pl
from jax.experimental.pallas import tpu as pltpu
from jax.experimental.pallas import tpu_sc as plsc

SEQ = 8192
DM = 1024

_info = plsc.get_sparse_core_info()
_NC = _info.num_cores
_NS = _info.num_subcores
_L = _info.num_lanes
_NW = _NC * _NS
_RPW = SEQ // _NW
_CHUNK = 16
_NSTEP = _RPW // _CHUNK
_NBUF = 3
_VPR = DM // _L


def _body(x_hbm, table_hbm, pe_hbm, out_hbm, *scratch):
    xb = scratch[0:_NBUF]
    tb = scratch[_NBUF:2 * _NBUF]
    idxb = scratch[2 * _NBUF]
    semx = scratch[2 * _NBUF + 1:2 * _NBUF + 1 + _NBUF]
    semt = scratch[2 * _NBUF + 1 + _NBUF:2 * _NBUF + 1 + 2 * _NBUF]
    semo = scratch[2 * _NBUF + 1 + 2 * _NBUF:2 * _NBUF + 1 + 3 * _NBUF]
    sempe = scratch[2 * _NBUF + 1 + 3 * _NBUF]

    wid = lax.axis_index("s") * _NC + lax.axis_index("c")
    base = wid * _RPW

    def issue_x(i):
        b = i % _NBUF
        row = base + i * _CHUNK
        return pltpu.async_copy(x_hbm.at[pl.ds(row, _CHUNK)], xb[b], semx[b])

    def issue_t(i):
        b = i % _NBUF
        return pltpu.async_copy(
            table_hbm.at[idxb.at[pl.ds(i * _CHUNK, _CHUNK)]], tb[b], semt[b])

    def issue_in(i):
        return issue_x(i), issue_t(i)

    pe_cp = pltpu.async_copy(pe_hbm.at[pl.ds(base, _RPW)], idxb, sempe)
    first = [issue_x(j) for j in range(min(_NBUF - 1, _NSTEP))]
    pe_cp.wait()

    pending_in = {}
    pending_out = {}
    for j in range(min(_NBUF - 1, _NSTEP)):
        pending_in[j] = (first[j], issue_t(j))

    for i in range(_NSTEP):
        b = i % _NBUF
        nxt = i + _NBUF - 1
        if nxt < _NSTEP:
            prev = nxt - _NBUF
            if prev >= 0:
                pending_out.pop(prev).wait()
            pending_in[nxt] = issue_in(nxt)
        cx, ct = pending_in.pop(i)
        cx.wait()
        ct.wait()

        xb_b, tb_b = xb[b], tb[b]

        @plsc.parallel_loop(0, _CHUNK * _VPR, step=1, unroll=8)
        def compute(j, xb_b=xb_b, tb_b=tb_b):
            r = lax.shift_right_logical(j, 6)
            c = pl.multiple_of(
                lax.shift_left(lax.bitwise_and(j, _VPR - 1), 4), _L)
            sl = pl.ds(c, _L)
            plsc.addupdate(tb_b.at[r, sl], xb_b[r, sl])
        row = base + i * _CHUNK
        pending_out[i] = pltpu.async_copy(
            tb_b, out_hbm.at[pl.ds(row, _CHUNK)], semo[b])

    for i in sorted(pending_out):
        pending_out.pop(i).wait()


_pe_call = pl.kernel(
    _body,
    out_type=jax.ShapeDtypeStruct((SEQ, DM), jnp.float32),
    mesh=plsc.VectorSubcoreMesh(core_axis_name="c", subcore_axis_name="s"),
    scratch_types=(
        [pltpu.VMEM((_CHUNK, DM), jnp.float32) for _ in range(2 * _NBUF)]
        + [pltpu.VMEM((_RPW,), jnp.int32)]
        + [pltpu.SemaphoreType.DMA for _ in range(3 * _NBUF + 1)]
    ),
)


@jax.jit
def kernel(x, table, pe):
    return _pe_call(x, table, pe)

# --- scband reference (transcript-rebuilt; emitter-appended) ---
"""Pipeline reference for scband-positional-encoding-5600637354593 (READ-ONLY COPY).

The authoritative reference and input builder live on the scoring server;
editing this copy changes nothing except your own understanding.
"""

import jax, jax.numpy as jnp
import numpy as np

TRIAL_LENGTH = 8192
D_MODEL = 1024

def setup_inputs(seed: int = 0) -> dict:
    key = jax.random.key(seed)
    k1, k2 = jax.random.split(key)
    x = jax.random.normal(k1, (TRIAL_LENGTH, D_MODEL), dtype=jnp.float32)
    # learned positional embedding table (eqx.nn.Embedding weight), shape [trial_length, d_model]
    table = jax.random.normal(k2, (TRIAL_LENGTH, D_MODEL), dtype=jnp.float32)
    # stored integer position indices (self.pe when learnable=True)
    pe = jnp.arange(TRIAL_LENGTH, dtype=jnp.int32)
    return {"x": x, "table": table, "pe": pe}

def reference(x, table, pe):
    # learnable=True branch: gather positional embeddings and add.
    seq_len = x.shape[0]
    pos_indices = pe[:seq_len]
    out = x + jnp.take(table, pos_indices, axis=0)
    # key=None -> dropout in inference mode -> identity
    return out

if __name__ == "__main__":
    import jax
    _d = setup_inputs()
    print(jax.jit(kernel)(*tuple(_d.values())))

</pallas_src>

<mosaic_0001>
#map = affine_map<(d0, d1) -> (0, 0)>
#map1 = affine_map<(d0, d1) -> (0)>
module attributes {stable_mosaic.version = 14 : i64} {
  func.func @_body(%arg0: i32, %arg1: i32, %arg2: memref<8192x1024xf32, #tpu.memory_space<hbm>>, %arg3: memref<8192x1024xf32, #tpu.memory_space<hbm>>, %arg4: memref<8192xi32, #tpu.memory_space<hbm>>, %arg5: memref<8192x1024xf32, #tpu.memory_space<hbm>>, %arg6: memref<16x1024xf32, #tpu.memory_space<vmem>>, %arg7: memref<16x1024xf32, #tpu.memory_space<vmem>>, %arg8: memref<16x1024xf32, #tpu.memory_space<vmem>>, %arg9: memref<16x1024xf32, #tpu.memory_space<vmem>>, %arg10: memref<16x1024xf32, #tpu.memory_space<vmem>>, %arg11: memref<16x1024xf32, #tpu.memory_space<vmem>>, %arg12: memref<256xi32, #tpu.memory_space<vmem>>, %arg13: memref<!tpu.dma_semaphore, #tpu.memory_space<semaphore_mem>>, %arg14: memref<!tpu.dma_semaphore, #tpu.memory_space<semaphore_mem>>, %arg15: memref<!tpu.dma_semaphore, #tpu.memory_space<semaphore_mem>>, %arg16: memref<!tpu.dma_semaphore, #tpu.memory_space<semaphore_mem>>, %arg17: memref<!tpu.dma_semaphore, #tpu.memory_space<semaphore_mem>>, %arg18: memref<!tpu.dma_semaphore, #tpu.memory_space<semaphore_mem>>, %arg19: memref<!tpu.dma_semaphore, #tpu.memory_space<semaphore_mem>>, %arg20: memref<!tpu.dma_semaphore, #tpu.memory_space<semaphore_mem>>, %arg21: memref<!tpu.dma_semaphore, #tpu.memory_space<semaphore_mem>>, %arg22: memref<!tpu.dma_semaphore, #tpu.memory_space<semaphore_mem>>) attributes {dimension_semantics = [#tpu.dimension_semantics<core_parallel>, #tpu.dimension_semantics<subcore_parallel>], iteration_bounds = array<i64: 2, 16>, scalar_prefetch = 0 : i64, scratch_operands = 17 : i64, tpu.core_type = #tpu.core_type<sc_vector_subcore>, window_params = [{transform_indices = #map}, {transform_indices = #map}, {transform_indices = #map1}, {transform_indices = #map}]} {
    %mul3A = arith.constant 2 : i32
    %mul3A_0 = arith.muli %arg1, %mul3A : i32
    %add3A = arith.addi %mul3A_0, %arg0 : i32
    %mul3A_1 = arith.constant 256 : i32
    %mul3A_2 = arith.muli %add3A, %mul3A_1 : i32
    %dma_start3A = tpu.memref_slice %arg4[%mul3A_2] : memref<8192xi32, #tpu.memory_space<hbm>> -> memref<256xi32, #tpu.memory_space<hbm>>
    %dma_start3A_3 = tpu.memref_slice %arg4[%mul3A_2] : memref<8192xi32, #tpu.memory_space<hbm>> -> memref<256xi32, #tpu.memory_space<hbm>>
    tpu.enqueue_dma source(%dma_start3A_3 : memref<256xi32, #tpu.memory_space<hbm>>) target(%arg12 : memref<256xi32, #tpu.memory_space<vmem>>) target_semaphore(%arg22 : memref<!tpu.dma_semaphore, #tpu.memory_space<semaphore_mem>>)
    %add3A_4 = arith.constant 0 : i32
    %add3A_5 = arith.addi %mul3A_2, %add3A_4 : i32
    %dma_start3A_6 = arith.constant 0 : i32
    %dma_start3A_7 = tpu.memref_slice %arg2[%add3A_5, %dma_start3A_6] : memref<8192x1024xf32, #tpu.memory_space<hbm>> -> memref<16x1024xf32, #tpu.memory_space<hbm>>
    %dma_start3A_8 = arith.constant 0 : i32
    %dma_start3A_9 = tpu.memref_slice %arg2[%add3A_5, %dma_start3A_8] : memref<8192x1024xf32, #tpu.memory_space<hbm>> -> memref<16x1024xf32, #tpu.memory_space<hbm>>
    tpu.enqueue_dma source(%dma_start3A_9 : memref<16x1024xf32, #tpu.memory_space<hbm>>) target(%arg6 : memref<16x1024xf32, #tpu.memory_space<vmem>>) target_semaphore(%arg13 : memref<!tpu.dma_semaphore, #tpu.memory_space<semaphore_mem>>)
    %add3A_10 = arith.constant 16 : i32
    %add3A_11 = arith.addi %mul3A_2, %add3A_10 : i32
    %dma_start3A_12 = arith.constant 0 : i32
    %dma_start3A_13 = tpu.memref_slice %arg2[%add3A_11, %dma_start3A_12] : memref<8192x1024xf32, #tpu.memory_space<hbm>> -> memref<16x1024xf32, #tpu.memory_space<hbm>>
    %dma_start3A_14 = arith.constant 0 : i32
    %dma_start3A_15 = tpu.memref_slice %arg2[%add3A_11, %dma_start3A_14] : memref<8192x1024xf32, #tpu.memory_space<hbm>> -> memref<16x1024xf32, #tpu.memory_space<hbm>>
    tpu.enqueue_dma source(%dma_start3A_15 : memref<16x1024xf32, #tpu.memory_space<hbm>>) target(%arg7 : memref<16x1024xf32, #tpu.memory_space<vmem>>) target_semaphore(%arg14 : memref<!tpu.dma_semaphore, #tpu.memory_space<semaphore_mem>>)
    %dma_wait3A = tpu.memref_slice %arg4[%mul3A_2] : memref<8192xi32, #tpu.memory_space<hbm>> -> memref<256xi32, #tpu.memory_space<hbm>>
    %dma_wait3A_16 = tpu.memref_slice %arg4[%mul3A_2] : memref<8192xi32, #tpu.memory_space<hbm>> -> memref<256xi32, #tpu.memory_space<hbm>>
    tpu.wait_dma2 semaphore(%arg22 : memref<!tpu.dma_semaphore, #tpu.memory_space<semaphore_mem>>) src(%dma_wait3A_16 : memref<256xi32, #tpu.memory_space<hbm>>) dst(%arg12 : memref<256xi32, #tpu.memory_space<vmem>>)
    %dma_start3A_17 = arith.constant 0 : i32
    %dma_start3A_18 = tpu.memref_slice %arg12[%dma_start3A_17] : memref<256xi32, #tpu.memory_space<vmem>> -> memref<16xi32, #tpu.memory_space<vmem>>
    %dma_start3A_19 = arith.constant 0 : i32
    %dma_start3A_20 = arith.constant 0 : i32
    %dma_start3A_21 = tpu.memref_slice %arg3[%dma_start3A_19, %dma_start3A_20] : memref<8192x1024xf32, #tpu.memory_space<hbm>> -> memref<8192x1024xf32, #tpu.memory_space<hbm>>
    tpu.enqueue_indirect_dma source(%dma_start3A_21 : memref<8192x1024xf32, #tpu.memory_space<hbm>>) target(%arg9 : memref<16x1024xf32, #tpu.memory_space<vmem>>) offsets(%dma_start3A_18 : memref<16xi32, #tpu.memory_space<vmem>>) semaphore(%arg16 : memref<!tpu.dma_semaphore, #tpu.memory_space<semaphore_mem>>)
    %dma_start3A_22 = arith.constant 16 : i32
    %dma_start3A_23 = tpu.memref_slice %arg12[%dma_start3A_22] : memref<256xi32, #tpu.memory_space<vmem>> -> memref<16xi32, #tpu.memory_space<vmem>>
    %dma_start3A_24 = arith.constant 0 : i32
    %dma_start3A_25 = arith.constant 0 : i32
    %dma_start3A_26 = tpu.memref_slice %arg3[%dma_start3A_24, %dma_start3A_25] : memref<8192x1024xf32, #tpu.memory_space<hbm>> -> memref<8192x1024xf32, #tpu.memory_space<hbm>>
    tpu.enqueue_indirect_dma source(%dma_start3A_26 : memref<8192x1024xf32, #tpu.memory_space<hbm>>) target(%arg10 : memref<16x1024xf32, #tpu.memory_space<vmem>>) offsets(%dma_start3A_23 : memref<16xi32, #tpu.memory_space<vmem>>) semaphore(%arg17 : memref<!tpu.dma_semaphore, #tpu.memory_space<semaphore_mem>>)
    %add3A_27 = arith.constant 32 : i32
    %add3A_28 = arith.addi %mul3A_2, %add3A_27 : i32
    %dma_start3A_29 = arith.constant 0 : i32
    %dma_start3A_30 = tpu.memref_slice %arg2[%add3A_28, %dma_start3A_29] : memref<8192x1024xf32, #tpu.memory_space<hbm>> -> memref<16x1024xf32, #tpu.memory_space<hbm>>
    %dma_start3A_31 = arith.constant 0 : i32
    %dma_start3A_32 = tpu.memref_slice %arg2[%add3A_28, %dma_start3A_31] : memref<8192x1024xf32, #tpu.memory_space<hbm>> -> memref<16x1024xf32, #tpu.memory_space<hbm>>
    tpu.enqueue_dma source(%dma_start3A_32 : memref<16x1024xf32, #tpu.memory_space<hbm>>) target(%arg8 : memref<16x1024xf32, #tpu.memory_space<vmem>>) target_semaphore(%arg15 : memref<!tpu.dma_semaphore, #tpu.memory_space<semaphore_mem>>)
    %dma_start3A_33 = arith.constant 32 : i32
    %dma_start3A_34 = tpu.memref_slice %arg12[%dma_start3A_33] : memref<256xi32, #tpu.memory_space<vmem>> -> memref<16xi32, #tpu.memory_space<vmem>>
    %dma_start3A_35 = arith.constant 0 : i32
    %dma_start3A_36 = arith.constant 0 : i32
    %dma_start3A_37 = tpu.memref_slice %arg3[%dma_start3A_35, %dma_start3A_36] : memref<8192x1024xf32, #tpu.memory_space<hbm>> -> memref<8192x1024xf32, #tpu.memory_space<hbm>>
    tpu.enqueue_indirect_dma source(%dma_start3A_37 : memref<8192x1024xf32, #tpu.memory_space<hbm>>) target(%arg11 : memref<16x1024xf32, #tpu.memory_space<vmem>>) offsets(%dma_start3A_34 : memref<16xi32, #tpu.memory_space<vmem>>) semaphore(%arg18 : memref<!tpu.dma_semaphore, #tpu.memory_space<semaphore_mem>>)
    %dma_wait3A_38 = arith.constant 0 : i32
    %dma_wait3A_39 = tpu.memref_slice %arg2[%add3A_5, %dma_wait3A_38] : memref<8192x1024xf32, #tpu.memory_space<hbm>> -> memref<16x1024xf32, #tpu.memory_space<hbm>>
    %dma_wait3A_40 = arith.constant 0 : i32
    %dma_wait3A_41 = tpu.memref_slice %arg2[%add3A_5, %dma_wait3A_40] : memref<8192x1024xf32, #tpu.memory_space<hbm>> -> memref<16x1024xf32, #tpu.memory_space<hbm>>
    tpu.wait_dma2 semaphore(%arg13 : memref<!tpu.dma_semaphore, #tpu.memory_space<semaphore_mem>>) src(%dma_wait3A_41 : memref<16x1024xf32, #tpu.memory_space<hbm>>) dst(%arg6 : memref<16x1024xf32, #tpu.memory_space<vmem>>)
    %dma_wait3A_42 = arith.constant 0 : i32
    %dma_wait3A_43 = tpu.memref_slice %arg12[%dma_wait3A_42] : memref<256xi32, #tpu.memory_space<vmem>> -> memref<16xi32, #tpu.memory_space<vmem>>
    %dma_wait3A_44 = arith.constant 0 : i32
    %dma_wait3A_45 = arith.constant 0 : i32
    %dma_wait3A_46 = tpu.memref_slice %arg3[%dma_wait3A_44, %dma_wait3A_45] : memref<8192x1024xf32, #tpu.memory_space<hbm>> -> memref<8192x1024xf32, #tpu.memory_space<hbm>>
    tpu.wait_indirect_dma semaphore(%arg16 : memref<!tpu.dma_semaphore, #tpu.memory_space<semaphore_mem>>) src(%dma_wait3A_46 : memref<8192x1024xf32, #tpu.memory_space<hbm>>) dst(%arg9 : memref<16x1024xf32, #tpu.memory_space<vmem>>)
    %parallel_loop3A = arith.constant 0 : i32
    %parallel_loop3A_47 = arith.constant 1024 : i32
    %parallel_loop3A_48 = arith.constant 1 : i32
    scf.for %parallel_loop3A_532 = %parallel_loop3A to %parallel_loop3A_47 step %parallel_loop3A_48  : i32 {
      %parallel_loop3A_533 = arith.constant 6 : i32
      %parallel_loop3A_534 = arith.shrui %parallel_loop3A_532, %parallel_loop3A_533 : i32
      %parallel_loop3A_535 = arith.constant 63 : i32
      %parallel_loop3A_536 = arith.andi %parallel_loop3A_532, %parallel_loop3A_535 : i32
      %parallel_loop3A_537 = arith.constant 4 : i32
      %parallel_loop3A_538 = arith.shli %parallel_loop3A_536, %parallel_loop3A_537 : i32
      %parallel_loop3A_539 = tpu.assume_multiple %parallel_loop3A_538, 16 : i32
      %parallel_loop3A_540 = arith.index_cast %parallel_loop3A_534 : i32 to index
      %parallel_loop3A_541 = arith.index_cast %parallel_loop3A_539 : i32 to index
      %parallel_loop3A_542 = tpu.vector_load %arg6[%parallel_loop3A_540, %parallel_loop3A_541] {strides = array<i32>} : memref<16x1024xf32, #tpu.memory_space<vmem>>, vector<1x16xf32>,
      %parallel_loop3A_543 = vector.shape_cast %parallel_loop3A_542 : vector<1x16xf32> to vector<16xf32>
      %parallel_loop3A_544 = arith.index_cast %parallel_loop3A_534 : i32 to index
      %parallel_loop3A_545 = arith.index_cast %parallel_loop3A_539 : i32 to index
      %parallel_loop3A_546 = tpu.vector_load %arg9[%parallel_loop3A_544, %parallel_loop3A_545] {strides = array<i32>} : memref<16x1024xf32, #tpu.memory_space<vmem>>, vector<1x16xf32>,
      %parallel_loop3A_547 = vector.shape_cast %parallel_loop3A_546 : vector<1x16xf32> to vector<16xf32>
      %parallel_loop3A_548 = vector.shape_cast %parallel_loop3A_543 : vector<16xf32> to vector<1x16xf32>
      tpu.vector_store %arg9[%parallel_loop3A_544, %parallel_loop3A_545], %parallel_loop3A_548 {add = true, strides = array<i32>} : memref<16x1024xf32, #tpu.memory_space<vmem>>, vector<1x16xf32>,
    } {sc.loop_unroll_factor = 8 : i64, sc.parallel_access}
    %add3A_49 = arith.constant 0 : i32
    %add3A_50 = arith.addi %mul3A_2, %add3A_49 : i32
    %dma_start3A_51 = arith.constant 0 : i32
    %dma_start3A_52 = tpu.memref_slice %arg5[%add3A_50, %dma_start3A_51] : memref<8192x1024xf32, #tpu.memory_space<hbm>> -> memref<16x1024xf32, #tpu.memory_space<hbm>>
    %dma_start3A_53 = arith.constant 0 : i32
    %dma_start3A_54 = tpu.memref_slice %arg5[%add3A_50, %dma_start3A_53] : memref<8192x1024xf32, #tpu.memory_space<hbm>> -> memref<16x1024xf32, #tpu.memory_space<hbm>>
    tpu.enqueue_dma source(%arg9 : memref<16x1024xf32, #tpu.memory_space<vmem>>) target(%dma_start3A_54 : memref<16x1024xf32, #tpu.memory_space<hbm>>) target_semaphore(%arg19 : memref<!tpu.dma_semaphore, #tpu.memory_space<semaphore_mem>>)
    %dma_wait3A_55 = arith.constant 0 : i32
    %dma_wait3A_56 = tpu.memref_slice %arg5[%add3A_50, %dma_wait3A_55] : memref<8192x1024xf32, #tpu.memory_space<hbm>> -> memref<16x1024xf32, #tpu.memory_space<hbm>>
    %dma_wait3A_57 = arith.constant 0 : i32
    %dma_wait3A_58 = tpu.memref_slice %arg5[%add3A_50, %dma_wait3A_57] : memref<8192x1024xf32, #tpu.memory_space<hbm>> -> memref<16x1024xf32, #tpu.memory_space<hbm>>
    tpu.wait_dma2 semaphore(%arg19 : memref<!tpu.dma_semaphore, #tpu.memory_space<semaphore_mem>>) src(%arg9 : memref<16x1024xf32, #tpu.memory_space<vmem>>) dst(%dma_wait3A_58 : memref<16x1024xf32, #tpu.memory_space<hbm>>)
    %add3A_59 = arith.constant 48 : i32
    %add3A_60 = arith.addi %mul3A_2, %add3A_59 : i32
    %dma_start3A_61 = arith.constant 0 : i32
    %dma_start3A_62 = tpu.memref_slice %arg2[%add3A_60, %dma_start3A_61] : memref<8192x1024xf32, #tpu.memory_space<hbm>> -> memref<16x1024xf32, #tpu.memory_space<hbm>>
    %dma_start3A_63 = arith.constant 0 : i32
    %dma_start3A_64 = tpu.memref_slice %arg2[%add3A_60, %dma_start3A_63] : memref<8192x1024xf32, #tpu.memory_space<hbm>> -> memref<16x1024xf32, #tpu.memory_space<hbm>>
    tpu.enqueue_dma source(%dma_start3A_64 : memref<16x1024xf32, #tpu.memory_space<hbm>>) target(%arg6 : memref<16x1024xf32, #tpu.memory_space<vmem>>) target_semaphore(%arg13 : memref<!tpu.dma_semaphore, #tpu.memory_space<semaphore_mem>>)
    %dma_start3A_65 = arith.constant 48 : i32
    %dma_start3A_66 = tpu.memref_slice %arg12[%dma_start3A_65] : memref<256xi32, #tpu.memory_space<vmem>> -> memref<16xi32, #tpu.memory_space<vmem>>
    %dma_start3A_67 = arith.constant 0 : i32
    %dma_start3A_68 = arith.constant 0 : i32
    %dma_start3A_69 = tpu.memref_slice %arg3[%dma_start3A_67, %dma_start3A_68] : memref<8192x1024xf32, #tpu.memory_space<hbm>> -> memref<8192x1024xf32, #tpu.memory_space<hbm>>
    tpu.enqueue_indirect_dma source(%dma_start3A_69 : memref<8192x1024xf32, #tpu.memory_space<hbm>>) target(%arg9 : memref<16x1024xf32, #tpu.memory_space<vmem>>) offsets(%dma_start3A_66 : memref<16xi32, #tpu.memory_space<vmem>>) semaphore(%arg16 : memref<!tpu.dma_semaphore, #tpu.memory_space<semaphore_mem>>)
    %dma_wait3A_70 = arith.constant 0 : i32
    %dma_wait3A_71 = tpu.memref_slice %arg2[%add3A_11, %dma_wait3A_70] : memref<8192x1024xf32, #tpu.memory_space<hbm>> -> memref<16x1024xf32, #tpu.memory_space<hbm>>
    %dma_wait3A_72 = arith.constant 0 : i32
    %dma_wait3A_73 = tpu.memref_slice %arg2[%add3A_11, %dma_wait3A_72] : memref<8192x1024xf32, #tpu.memory_space<hbm>> -> memref<16x1024xf32, #tpu.memory_space<hbm>>
    tpu.wait_dma2 semaphore(%arg14 : memref<!tpu.dma_semaphore, #tpu.memory_space<semaphore_mem>>) src(%dma_wait3A_73 : memref<16x1024xf32, #tpu.memory_space<hbm>>) dst(%arg7 : memref<16x1024xf32, #tpu.memory_space<vmem>>)
    %dma_wait3A_74 = arith.constant 16 : i32
    %dma_wait3A_75 = tpu.memref_slice %arg12[%dma_wait3A_74] : memref<256xi32, #tpu.memory_space<vmem>> -> memref<16xi32, #tpu.memory_space<vmem>>
    %dma_wait3A_76 = arith.constant 0 : i32
    %dma_wait3A_77 = arith.constant 0 : i32
    %dma_wait3A_78 = tpu.memref_slice %arg3[%dma_wait3A_76, %dma_wait3A_77] : memref<8192x1024xf32, #tpu.memory_space<hbm>> -> memref<8192x1024xf32, #tpu.memory_space<hbm>>
    tpu.wait_indirect_dma semaphore(%arg17 : memref<!tpu.dma_semaphore, #tpu.memory_space<semaphore_mem>>) src(%dma_wait3A_78 : memref<8192x1024xf32, #tpu.memory_space<hbm>>) dst(%arg10 : memref<16x1024xf32, #tpu.memory_space<vmem>>)
    %parallel_loop3A_79 = arith.constant 0 : i32
    %parallel_loop3A_80 = arith.constant 1024 : i32
    %parallel_loop3A_81 = arith.constant 1 : i32
    scf.for %parallel_loop3A_532 = %parallel_loop3A_79 to %parallel_loop3A_80 step %parallel_loop3A_81  : i32 {
      %parallel_loop3A_533 = arith.constant 6 : i32
      %parallel_loop3A_534 = arith.shrui %parallel_loop3A_532, %parallel_loop3A_533 : i32
      %parallel_loop3A_535 = arith.constant 63 : i32
      %parallel_loop3A_536 = arith.andi %parallel_loop3A_532, %parallel_loop3A_535 : i32
      %parallel_loop3A_537 = arith.constant 4 : i32
      %parallel_loop3A_538 = arith.shli %parallel_loop3A_536, %parallel_loop3A_537 : i32
      %parallel_loop3A_539 = tpu.assume_multiple %parallel_loop3A_538, 16 : i32
      %parallel_loop3A_540 = arith.index_cast %parallel_loop3A_534 : i32 to index
      %parallel_loop3A_541 = arith.index_cast %parallel_loop3A_539 : i32 to index
      %parallel_loop3A_542 = tpu.vector_load %arg7[%parallel_loop3A_540, %parallel_loop3A_541] {strides = array<i32>} : memref<16x1024xf32, #tpu.memory_space<vmem>>, vector<1x16xf32>,
      %parallel_loop3A_543 = vector.shape_cast %parallel_loop3A_542 : vector<1x16xf32> to vector<16xf32>
      %parallel_loop3A_544 = arith.index_cast %parallel_loop3A_534 : i32 to index
      %parallel_loop3A_545 = arith.index_cast %parallel_loop3A_539 : i32 to index
      %parallel_loop3A_546 = tpu.vector_load %arg10[%parallel_loop3A_544, %parallel_loop3A_545] {strides = array<i32>} : memref<16x1024xf32, #tpu.memory_space<vmem>>, vector<1x16xf32>,
      %parallel_loop3A_547 = vector.shape_cast %parallel_loop3A_546 : vector<1x16xf32> to vector<16xf32>
      %parallel_loop3A_548 = vector.shape_cast %parallel_loop3A_543 : vector<16xf32> to vector<1x16xf32>
      tpu.vector_store %arg10[%parallel_loop3A_544, %parallel_loop3A_545], %parallel_loop3A_548 {add = true, strides = array<i32>} : memref<16x1024xf32, #tpu.memory_space<vmem>>, vector<1x16xf32>,
    } {sc.loop_unroll_factor = 8 : i64, sc.parallel_access}
    %add3A_82 = arith.constant 16 : i32
    %add3A_83 = arith.addi %mul3A_2, %add3A_82 : i32
    %dma_start3A_84 = arith.constant 0 : i32
    %dma_start3A_85 = tpu.memref_slice %arg5[%add3A_83, %dma_start3A_84] : memref<8192x1024xf32, #tpu.memory_space<hbm>> -> memref<16x1024xf32, #tpu.memory_space<hbm>>
    %dma_start3A_86 = arith.constant 0 : i32
    %dma_start3A_87 = tpu.memref_slice %arg5[%add3A_83, %dma_start3A_86] : memref<8192x1024xf32, #tpu.memory_space<hbm>> -> memref<16x1024xf32, #tpu.memory_space<hbm>>
    tpu.enqueue_dma source(%arg10 : memref<16x1024xf32, #tpu.memory_space<vmem>>) target(%dma_start3A_87 : memref<16x1024xf32, #tpu.memory_space<hbm>>) target_semaphore(%arg20 : memref<!tpu.dma_semaphore, #tpu.memory_space<semaphore_mem>>)
    %dma_wait3A_88 = arith.constant 0 : i32
    %dma_wait3A_89 = tpu.memref_slice %arg5[%add3A_83, %dma_wait3A_88] : memref<8192x1024xf32, #tpu.memory_space<hbm>> -> memref<16x1024xf32, #tpu.memory_space<hbm>>
    %dma_wait3A_90 = arith.constant 0 : i32
    %dma_wait3A_91 = tpu.memref_slice %arg5[%add3A_83, %dma_wait3A_90] : memref<8192x1024xf32, #tpu.memory_space<hbm>> -> memref<16x1024xf32, #tpu.memory_space<hbm>>
    tpu.wait_dma2 semaphore(%arg20 : memref<!tpu.dma_semaphore, #tpu.memory_space<semaphore_mem>>) src(%arg10 : memref<16x1024xf32, #tpu.memory_space<vmem>>) dst(%dma_wait3A_91 : memref<16x1024xf32, #tpu.memory_space<hbm>>)
    %add3A_92 = arith.constant 64 : i32
    %add3A_93 = arith.addi %mul3A_2, %add3A_92 : i32
    %dma_start3A_94 = arith.constant 0 : i32
    %dma_start3A_95 = tpu.memref_slice %arg2[%add3A_93, %dma_start3A_94] : memref<8192x1024xf32, #tpu.memory_space<hbm>> -> memref<16x1024xf32, #tpu.memory_space<hbm>>
    %dma_start3A_96 = arith.constant 0 : i32
    %dma_start3A_97 = tpu.memref_slice %arg2[%add3A_93, %dma_start3A_96] : memref<8192x1024xf32, #tpu.memory_space<hbm>> -> memref<16x1024xf32, #tpu.memory_space<hbm>>
    tpu.enqueue_dma source(%dma_start3A_97 : memref<16x1024xf32, #tpu.memory_space<hbm>>) target(%arg7 : memref<16x1024xf32, #tpu.memory_space<vmem>>) target_semaphore(%arg14 : memref<!tpu.dma_semaphore, #tpu.memory_space<semaphore_mem>>)
    %dma_start3A_98 = arith.constant 64 : i32
    %dma_start3A_99 = tpu.memref_slice %arg12[%dma_start3A_98] : memref<256xi32, #tpu.memory_space<vmem>> -> memref<16xi32, #tpu.memory_space<vmem>>
    %dma_start3A_100 = arith.constant 0 : i32
    %dma_start3A_101 = arith.constant 0 : i32
    %dma_start3A_102 = tpu.memref_slice %arg3[%dma_start3A_100, %dma_start3A_101] : memref<8192x1024xf32, #tpu.memory_space<hbm>> -> memref<8192x1024xf32, #tpu.memory_space<hbm>>
    tpu.enqueue_indirect_dma source(%dma_start3A_102 : memref<8192x1024xf32, #tpu.memory_space<hbm>>) target(%arg10 : memref<16x1024xf32, #tpu.memory_space<vmem>>) offsets(%dma_start3A_99 : memref<16xi32, #tpu.memory_space<vmem>>) semaphore(%arg17 : memref<!tpu.dma_semaphore, #tpu.memory_space<semaphore_mem>>)
    %dma_wait3A_103 = arith.constant 0 : i32
    %dma_wait3A_104 = tpu.memref_slice %arg2[%add3A_28, %dma_wait3A_103] : memref<8192x1024xf32, #tpu.memory_space<hbm>> -> memref<16x1024xf32, #tpu.memory_space<hbm>>
    %dma_wait3A_105 = arith.constant 0 : i32
    %dma_wait3A_106 = tpu.memref_slice %arg2[%add3A_28, %dma_wait3A_105] : memref<8192x1024xf32, #tpu.memory_space<hbm>> -> memref<16x1024xf32, #tpu.memory_space<hbm>>
    tpu.wait_dma2 semaphore(%arg15 : memref<!tpu.dma_semaphore, #tpu.memory_space<semaphore_mem>>) src(%dma_wait3A_106 : memref<16x1024xf32, #tpu.memory_space<hbm>>) dst(%arg8 : memref<16x1024xf32, #tpu.memory_space<vmem>>)
    %dma_wait3A_107 = arith.constant 32 : i32
    %dma_wait3A_108 = tpu.memref_slice %arg12[%dma_wait3A_107] : memref<256xi32, #tpu.memory_space<vmem>> -> memref<16xi32, #tpu.memory_space<vmem>>
    %dma_wait3A_109 = arith.constant 0 : i32
    %dma_wait3A_110 = arith.constant 0 : i32
    %dma_wait3A_111 = tpu.memref_slice %arg3[%dma_wait3A_109, %dma_wait3A_110] : memref<8192x1024xf32, #tpu.memory_space<hbm>> -> memref<8192x1024xf32, #tpu.memory_space<hbm>>
    tpu.wait_indirect_dma semaphore(%arg18 : memref<!tpu.dma_semaphore, #tpu.memory_space<semaphore_mem>>) src(%dma_wait3A_111 : memref<8192x1024xf32, #tpu.memory_space<hbm>>) dst(%arg11 : memref<16x1024xf32, #tpu.memory_space<vmem>>)
    %parallel_loop3A_112 = arith.constant 0 : i32
    %parallel_loop3A_113 = arith.constant 1024 : i32
    %parallel_loop3A_114 = arith.constant 1 : i32
    scf.for %parallel_loop3A_532 = %parallel_loop3A_112 to %parallel_loop3A_113 step %parallel_loop3A_114  : i32 {
      %parallel_loop3A_533 = arith.constant 6 : i32
      %parallel_loop3A_534 = arith.shrui %parallel_loop3A_532, %parallel_loop3A_533 : i32
      %parallel_loop3A_535 = arith.constant 63 : i32
      %parallel_loop3A_536 = arith.andi %parallel_loop3A_532, %parallel_loop3A_535 : i32
      %parallel_loop3A_537 = arith.constant 4 : i32
      %parallel_loop3A_538 = arith.shli %parallel_loop3A_536, %parallel_loop3A_537 : i32
      %parallel_loop3A_539 = tpu.assume_multiple %parallel_loop3A_538, 16 : i32
      %parallel_loop3A_540 = arith.index_cast %parallel_loop3A_534 : i32 to index
      %parallel_loop3A_541 = arith.index_cast %parallel_loop3A_539 : i32 to index
      %parallel_loop3A_542 = tpu.vector_load %arg8[%parallel_loop3A_540, %parallel_loop3A_541] {strides = array<i32>} : memref<16x1024xf32, #tpu.memory_space<vmem>>, vector<1x16xf32>,
      %parallel_loop3A_543 = vector.shape_cast %parallel_loop3A_542 : vector<1x16xf32> to vector<16xf32>
      %parallel_loop3A_544 = arith.index_cast %parallel_loop3A_534 : i32 to index
      %parallel_loop3A_545 = arith.index_cast %parallel_loop3A_539 : i32 to index
      %parallel_loop3A_546 = tpu.vector_load %arg11[%parallel_loop3A_544, %parallel_loop3A_545] {strides = array<i32>} : memref<16x1024xf32, #tpu.memory_space<vmem>>, vector<1x16xf32>,
      %parallel_loop3A_547 = vector.shape_cast %parallel_loop3A_546 : vector<1x16xf32> to vector<16xf32>
      %parallel_loop3A_548 = vector.shape_cast %parallel_loop3A_543 : vector<16xf32> to vector<1x16xf32>
      tpu.vector_store %arg11[%parallel_loop3A_544, %parallel_loop3A_545], %parallel_loop3A_548 {add = true, strides = array<i32>} : memref<16x1024xf32, #tpu.memory_space<vmem>>, vector<1x16xf32>,
    } {sc.loop_unroll_factor = 8 : i64, sc.parallel_access}
    %add3A_115 = arith.constant 32 : i32
    %add3A_116 = arith.addi %mul3A_2, %add3A_115 : i32
    %dma_start3A_117 = arith.constant 0 : i32
    %dma_start3A_118 = tpu.memref_slice %arg5[%add3A_116, %dma_start3A_117] : memref<8192x1024xf32, #tpu.memory_space<hbm>> -> memref<16x1024xf32, #tpu.memory_space<hbm>>
    %dma_start3A_119 = arith.constant 0 : i32
    %dma_start3A_120 = tpu.memref_slice %arg5[%add3A_116, %dma_start3A_119] : memref<8192x1024xf32, #tpu.memory_space<hbm>> -> memref<16x1024xf32, #tpu.memory_space<hbm>>
    tpu.enqueue_dma source(%arg11 : memref<16x1024xf32, #tpu.memory_space<vmem>>) target(%dma_start3A_120 : memref<16x1024xf32, #tpu.memory_space<hbm>>) target_semaphore(%arg21 : memref<!tpu.dma_semaphore, #tpu.memory_space<semaphore_mem>>)
    %dma_wait3A_121 = arith.constant 0 : i32
    %dma_wait3A_122 = tpu.memref_slice %arg5[%add3A_116, %dma_wait3A_121] : memref<8192x1024xf32, #tpu.memory_space<hbm>> -> memref<16x1024xf32, #tpu.memory_space<hbm>>
    %dma_wait3A_123 = arith.constant 0 : i32
    %dma_wait3A_124 = tpu.memref_slice %arg5[%add3A_116, %dma_wait3A_123] : memref<8192x1024xf32, #tpu.memory_space<hbm>> -> memref<16x1024xf32, #tpu.memory_space<hbm>>
    tpu.wait_dma2 semaphore(%arg21 : memref<!tpu.dma_semaphore, #tpu.memory_space<semaphore_mem>>) src(%arg11 : memref<16x1024xf32, #tpu.memory_space<vmem>>) dst(%dma_wait3A_124 : memref<16x1024xf32, #tpu.memory_space<hbm>>)
    %add3A_125 = arith.constant 80 : i32
    %add3A_126 = arith.addi %mul3A_2, %add3A_125 : i32
    %dma_start3A_127 = arith.constant 0 : i32
    %dma_start3A_128 = tpu.memref_slice %arg2[%add3A_126, %dma_start3A_127] : memref<8192x1024xf32, #tpu.memory_space<hbm>> -> memref<16x1024xf32, #tpu.memory_space<hbm>>
    %dma_start3A_129 = arith.constant 0 : i32
    %dma_start3A_130 = tpu.memref_slice %arg2[%add3A_126, %dma_start3A_129] : memref<8192x1024xf32, #tpu.memory_space<hbm>> -> memref<16x1024xf32, #tpu.memory_space<hbm>>
    tpu.enqueue_dma source(%dma_start3A_130 : memref<16x1024xf32, #tpu.memory_space<hbm>>) target(%arg8 : memref<16x1024xf32, #tpu.memory_space<vmem>>) target_semaphore(%arg15 : memref<!tpu.dma_semaphore, #tpu.memory_space<semaphore_mem>>)
    %dma_start3A_131 = arith.constant 80 : i32
    %dma_start3A_132 = tpu.memref_slice %arg12[%dma_start3A_131] : memref<256xi32, #tpu.memory_space<vmem>> -> memref<16xi32, #tpu.memory_space<vmem>>
    %dma_start3A_133 = arith.constant 0 : i32
    %dma_start3A_134 = arith.constant 0 : i32
    %dma_start3A_135 = tpu.memref_slice %arg3[%dma_start3A_133, %dma_start3A_134] : memref<8192x1024xf32, #tpu.memory_space<hbm>> -> memref<8192x1024xf32, #tpu.memory_space<hbm>>
    tpu.enqueue_indirect_dma source(%dma_start3A_135 : memref<8192x1024xf32, #tpu.memory_space<hbm>>) target(%arg11 : memref<16x1024xf32, #tpu.memory_space<vmem>>) offsets(%dma_start3A_132 : memref<16xi32, #tpu.memory_space<vmem>>) semaphore(%arg18 : memref<!tpu.dma_semaphore, #tpu.memory_space<semaphore_mem>>)
    %dma_wait3A_136 = arith.constant 0 : i32
    %dma_wait3A_137 = tpu.memref_slice %arg2[%add3A_60, %dma_wait3A_136] : memref<8192x1024xf32, #tpu.memory_space<hbm>> -> memref<16x1024xf32, #tpu.memory_space<hbm>>
    %dma_wait3A_138 = arith.constant 0 : i32
    %dma_wait3A_139 = tpu.memref_slice %arg2[%add3A_60, %dma_wait3A_138] : memref<8192x1024xf32, #tpu.memory_space<hbm>> -> memref<16x1024xf32, #tpu.memory_space<hbm>>
    tpu.wait_dma2 semaphore(%arg13 : memref<!tpu.dma_semaphore, #tpu.memory_space<semaphore_mem>>) src(%dma_wait3A_139 : memref<16x1024xf32, #tpu.memory_space<hbm>>) dst(%arg6 : memref<16x1024xf32, #tpu.memory_space<vmem>>)
    %dma_wait3A_140 = arith.constant 48 : i32
    %dma_wait3A_141 = tpu.memref_slice %arg12[%dma_wait3A_140] : memref<256xi32, #tpu.memory_space<vmem>> -> memref<16xi32, #tpu.memory_space<vmem>>
    %dma_wait3A_142 = arith.constant 0 : i32
    %dma_wait3A_143 = arith.constant 0 : i32
    %dma_wait3A_144 = tpu.memref_slice %arg3[%dma_wait3A_142, %dma_wait3A_143] : memref<8192x1024xf32, #tpu.memory_space<hbm>> -> memref<8192x1024xf32, #tpu.memory_space<hbm>>
    tpu.wait_indirect_dma semaphore(%arg16 : memref<!tpu.dma_semaphore, #tpu.memory_space<semaphore_mem>>) src(%dma_wait3A_144 : memref<8192x1024xf32, #tpu.memory_space<hbm>>) dst(%arg9 : memref<16x1024xf32, #tpu.memory_space<vmem>>)
    %parallel_loop3A_145 = arith.constant 0 : i32
    %parallel_loop3A_146 = arith.constant 1024 : i32
    %parallel_loop3A_147 = arith.constant 1 : i32
    scf.for %parallel_loop3A_532 = %parallel_loop3A_145 to %parallel_loop3A_146 step %parallel_loop3A_147  : i32 {
      %parallel_loop3A_533 = arith.constant 6 : i32
      %parallel_loop3A_534 = arith.shrui %parallel_loop3A_532, %parallel_loop3A_533 : i32
      %parallel_loop3A_535 = arith.constant 63 : i32
      %parallel_loop3A_536 = arith.andi %parallel_loop3A_532, %parallel_loop3A_535 : i32
      %parallel_loop3A_537 = arith.constant 4 : i32
      %parallel_loop3A_538 = arith.shli %parallel_loop3A_536, %parallel_loop3A_537 : i32
      %parallel_loop3A_539 = tpu.assume_multiple %parallel_loop3A_538, 16 : i32
      %parallel_loop3A_540 = arith.index_cast %parallel_loop3A_534 : i32 to index
      %parallel_loop3A_541 = arith.index_cast %parallel_loop3A_539 : i32 to index
      %parallel_loop3A_542 = tpu.vector_load %arg6[%parallel_loop3A_540, %parallel_loop3A_541] {strides = array<i32>} : memref<16x1024xf32, #tpu.memory_space<vmem>>, vector<1x16xf32>,
      %parallel_loop3A_543 = vector.shape_cast %parallel_loop3A_542 : vector<1x16xf32> to vector<16xf32>
      %parallel_loop3A_544 = arith.index_cast %parallel_loop3A_534 : i32 to index
      %parallel_loop3A_545 = arith.index_cast %parallel_loop3A_539 : i32 to index
      %parallel_loop3A_546 = tpu.vector_load %arg9[%parallel_loop3A_544, %parallel_loop3A_545] {strides = array<i32>} : memref<16x1024xf32, #tpu.memory_space<vmem>>, vector<1x16xf32>,
      %parallel_loop3A_547 = vector.shape_cast %parallel_loop3A_546 : vector<1x16xf32> to vector<16xf32>
      %parallel_loop3A_548 = vector.shape_cast %parallel_loop3A_543 : vector<16xf32> to vector<1x16xf32>
      tpu.vector_store %arg9[%parallel_loop3A_544, %parallel_loop3A_545], %parallel_loop3A_548 {add = true, strides = array<i32>} : memref<16x1024xf32, #tpu.memory_space<vmem>>, vector<1x16xf32>,
    } {sc.loop_unroll_factor = 8 : i64, sc.parallel_access}
    %add3A_148 = arith.constant 48 : i32
    %add3A_149 = arith.addi %mul3A_2, %add3A_148 : i32
    %dma_start3A_150 = arith.constant 0 : i32
    %dma_start3A_151 = tpu.memref_slice %arg5[%add3A_149, %dma_start3A_150] : memref<8192x1024xf32, #tpu.memory_space<hbm>> -> memref<16x1024xf32, #tpu.memory_space<hbm>>
    %dma_start3A_152 = arith.constant 0 : i32
    %dma_start3A_153 = tpu.memref_slice %arg5[%add3A_149, %dma_start3A_152] : memref<8192x1024xf32, #tpu.memory_space<hbm>> -> memref<16x1024xf32, #tpu.memory_space<hbm>>
    tpu.enqueue_dma source(%arg9 : memref<16x1024xf32, #tpu.memory_space<vmem>>) target(%dma_start3A_153 : memref<16x1024xf32, #tpu.memory_space<hbm>>) target_semaphore(%arg19 : memref<!tpu.dma_semaphore, #tpu.memory_space<semaphore_mem>>)
    %dma_wait3A_154 = arith.constant 0 : i32
    %dma_wait3A_155 = tpu.memref_slice %arg5[%add3A_149, %dma_wait3A_154] : memref<8192x1024xf32, #tpu.memory_space<hbm>> -> memref<16x1024xf32, #tpu.memory_space<hbm>>
    %dma_wait3A_156 = arith.constant 0 : i32
    %dma_wait3A_157 = tpu.memref_slice %arg5[%add3A_149, %dma_wait3A_156] : memref<8192x1024xf32, #tpu.memory_space<hbm>> -> memref<16x1024xf32, #tpu.memory_space<hbm>>
    tpu.wait_dma2 semaphore(%arg19 : memref<!tpu.dma_semaphore, #tpu.memory_space<semaphore_mem>>) src(%arg9 : memref<16x1024xf32, #tpu.memory_space<vmem>>) dst(%dma_wait3A_157 : memref<16x1024xf32, #tpu.memory_space<hbm>>)
    %add3A_158 = arith.constant 96 : i32
    %add3A_159 = arith.addi %mul3A_2, %add3A_158 : i32
    %dma_start3A_160 = arith.constant 0 : i32
    %dma_start3A_161 = tpu.memref_slice %arg2[%add3A_159, %dma_start3A_160] : memref<8192x1024xf32, #tpu.memory_space<hbm>> -> memref<16x1024xf32, #tpu.memory_space<hbm>>
    %dma_start3A_162 = arith.constant 0 : i32
    %dma_start3A_163 = tpu.memref_slice %arg2[%add3A_159, %dma_start3A_162] : memref<8192x1024xf32, #tpu.memory_space<hbm>> -> memref<16x1024xf32, #tpu.memory_space<hbm>>
    tpu.enqueue_dma source(%dma_start3A_163 : memref<16x1024xf32, #tpu.memory_space<hbm>>) target(%arg6 : memref<16x1024xf32, #tpu.memory_space<vmem>>) target_semaphore(%arg13 : memref<!tpu.dma_semaphore, #tpu.memory_space<semaphore_mem>>)
    %dma_start3A_164 = arith.constant 96 : i32
    %dma_start3A_165 = tpu.memref_slice %arg12[%dma_start3A_164] : memref<256xi32, #tpu.memory_space<vmem>> -> memref<16xi32, #tpu.memory_space<vmem>>
    %dma_start3A_166 = arith.constant 0 : i32
    %dma_start3A_167 = arith.constant 0 : i32
    %dma_start3A_168 = tpu.memref_slice %arg3[%dma_start3A_166, %dma_start3A_167] : memref<8192x1024xf32, #tpu.memory_space<hbm>> -> memref<8192x1024xf32, #tpu.memory_space<hbm>>
    tpu.enqueue_indirect_dma source(%dma_start3A_168 : memref<8192x1024xf32, #tpu.memory_space<hbm>>) target(%arg9 : memref<16x1024xf32, #tpu.memory_space<vmem>>) offsets(%dma_start3A_165 : memref<16xi32, #tpu.memory_space<vmem>>) semaphore(%arg16 : memref<!tpu.dma_semaphore, #tpu.memory_space<semaphore_mem>>)
    %dma_wait3A_169 = arith.constant 0 : i32
    %dma_wait3A_170 = tpu.memref_slice %arg2[%add3A_93, %dma_wait3A_169] : memref<8192x1024xf32, #tpu.memory_space<hbm>> -> memref<16x1024xf32, #tpu.memory_space<hbm>>
    %dma_wait3A_171 = arith.constant 0 : i32
    %dma_wait3A_172 = tpu.memref_slice %arg2[%add3A_93, %dma_wait3A_171] : memref<8192x1024xf32, #tpu.memory_space<hbm>> -> memref<16x1024xf32, #tpu.memory_space<hbm>>
    tpu.wait_dma2 semaphore(%arg14 : memref<!tpu.dma_semaphore, #tpu.memory_space<semaphore_mem>>) src(%dma_wait3A_172 : memref<16x1024xf32, #tpu.memory_space<hbm>>) dst(%arg7 : memref<16x1024xf32, #tpu.memory_space<vmem>>)
    %dma_wait3A_173 = arith.constant 64 : i32
    %dma_wait3A_174 = tpu.memref_slice %arg12[%dma_wait3A_173] : memref<256xi32, #tpu.memory_space<vmem>> -> memref<16xi32, #tpu.memory_space<vmem>>
    %dma_wait3A_175 = arith.constant 0 : i32
    %dma_wait3A_176 = arith.constant 0 : i32
    %dma_wait3A_177 = tpu.memref_slice %arg3[%dma_wait3A_175, %dma_wait3A_176] : memref<8192x1024xf32, #tpu.memory_space<hbm>> -> memref<8192x1024xf32, #tpu.memory_space<hbm>>
    tpu.wait_indirect_dma semaphore(%arg17 : memref<!tpu.dma_semaphore, #tpu.memory_space<semaphore_mem>>) src(%dma_wait3A_177 : memref<8192x1024xf32, #tpu.memory_space<hbm>>) dst(%arg10 : memref<16x1024xf32, #tpu.memory_space<vmem>>)
    %parallel_loop3A_178 = arith.constant 0 : i32
    %parallel_loop3A_179 = arith.constant 1024 : i32
    %parallel_loop3A_180 = arith.constant 1 : i32
    scf.for %parallel_loop3A_532 = %parallel_loop3A_178 to %parallel_loop3A_179 step %parallel_loop3A_180  : i32 {
      %parallel_loop3A_533 = arith.constant 6 : i32
      %parallel_loop3A_534 = arith.shrui %parallel_loop3A_532, %parallel_loop3A_533 : i32
      %parallel_loop3A_535 = arith.constant 63 : i32
      %parallel_loop3A_536 = arith.andi %parallel_loop3A_532, %parallel_loop3A_535 : i32
      %parallel_loop3A_537 = arith.constant 4 : i32
      %parallel_loop3A_538 = arith.shli %parallel_loop3A_536, %parallel_loop3A_537 : i32
      %parallel_loop3A_539 = tpu.assume_multiple %parallel_loop3A_538, 16 : i32
      %parallel_loop3A_540 = arith.index_cast %parallel_loop3A_534 : i32 to index
      %parallel_loop3A_541 = arith.index_cast %parallel_loop3A_539 : i32 to index
      %parallel_loop3A_542 = tpu.vector_load %arg7[%parallel_loop3A_540, %parallel_loop3A_541] {strides = array<i32>} : memref<16x1024xf32, #tpu.memory_space<vmem>>, vector<1x16xf32>,
      %parallel_loop3A_543 = vector.shape_cast %parallel_loop3A_542 : vector<1x16xf32> to vector<16xf32>
      %parallel_loop3A_544 = arith.index_cast %parallel_loop3A_534 : i32 to index
      %parallel_loop3A_545 = arith.index_cast %parallel_loop3A_539 : i32 to index
      %parallel_loop3A_546 = tpu.vector_load %arg10[%parallel_loop3A_544, %parallel_loop3A_545] {strides = array<i32>} : memref<16x1024xf32, #tpu.memory_space<vmem>>, vector<1x16xf32>,
      %parallel_loop3A_547 = vector.shape_cast %parallel_loop3A_546 : vector<1x16xf32> to vector<16xf32>
      %parallel_loop3A_548 = vector.shape_cast %parallel_loop3A_543 : vector<16xf32> to vector<1x16xf32>
      tpu.vector_store %arg10[%parallel_loop3A_544, %parallel_loop3A_545], %parallel_loop3A_548 {add = true, strides = array<i32>} : memref<16x1024xf32, #tpu.memory_space<vmem>>, vector<1x16xf32>,
    } {sc.loop_unroll_factor = 8 : i64, sc.parallel_access}
    %add3A_181 = arith.constant 64 : i32
    %add3A_182 = arith.addi %mul3A_2, %add3A_181 : i32
    %dma_start3A_183 = arith.constant 0 : i32
    %dma_start3A_184 = tpu.memref_slice %arg5[%add3A_182, %dma_start3A_183] : memref<8192x1024xf32, #tpu.memory_space<hbm>> -> memref<16x1024xf32, #tpu.memory_space<hbm>>
    %dma_start3A_185 = arith.constant 0 : i32
    %dma_start3A_186 = tpu.memref_slice %arg5[%add3A_182, %dma_start3A_185] : memref<8192x1024xf32, #tpu.memory_space<hbm>> -> memref<16x1024xf32, #tpu.memory_space<hbm>>
    tpu.enqueue_dma source(%arg10 : memref<16x1024xf32, #tpu.memory_space<vmem>>) target(%dma_start3A_186 : memref<16x1024xf32, #tpu.memory_space<hbm>>) target_semaphore(%arg20 : memref<!tpu.dma_semaphore, #tpu.memory_space<semaphore_mem>>)
    %dma_wait3A_187 = arith.constant 0 : i32
    %dma_wait3A_188 = tpu.memref_slice %arg5[%add3A_182, %dma_wait3A_187] : memref<8192x1024xf32, #tpu.memory_space<hbm>> -> memref<16x1024xf32, #tpu.memory_space<hbm>>
    %dma_wait3A_189 = arith.constant 0 : i32
    %dma_wait3A_190 = tpu.memref_slice %arg5[%add3A_182, %dma_wait3A_189] : memref<8192x1024xf32, #tpu.memory_space<hbm>> -> memref<16x1024xf32, #tpu.memory_space<hbm>>
    tpu.wait_dma2 semaphore(%arg20 : memref<!tpu.dma_semaphore, #tpu.memory_space<semaphore_mem>>) src(%arg10 : memref<16x1024xf32, #tpu.memory_space<vmem>>) dst(%dma_wait3A_190 : memref<16x1024xf32, #tpu.memory_space<hbm>>)
    %add3A_191 = arith.constant 112 : i32
    %add3A_192 = arith.addi %mul3A_2, %add3A_191 : i32
    %dma_start3A_193 = arith.constant 0 : i32
    %dma_start3A_194 = tpu.memref_slice %arg2[%add3A_192, %dma_start3A_193] : memref<8192x1024xf32, #tpu.memory_space<hbm>> -> memref<16x1024xf32, #tpu.memory_space<hbm>>
    %dma_start3A_195 = arith.constant 0 : i32
    %dma_start3A_196 = tpu.memref_slice %arg2[%add3A_192, %dma_start3A_195] : memref<8192x1024xf32, #tpu.memory_space<hbm>> -> memref<16x1024xf32, #tpu.memory_space<hbm>>
    tpu.enqueue_dma source(%dma_start3A_196 : memref<16x1024xf32, #tpu.memory_space<hbm>>) target(%arg7 : memref<16x1024xf32, #tpu.memory_space<vmem>>) target_semaphore(%arg14 : memref<!tpu.dma_semaphore, #tpu.memory_space<semaphore_mem>>)
    %dma_start3A_197 = arith.constant 112 : i32
    %dma_start3A_198 = tpu.memref_slice %arg12[%dma_start3A_197] : memref<256xi32, #tpu.memory_space<vmem>> -> memref<16xi32, #tpu.memory_space<vmem>>
    %dma_start3A_199 = arith.constant 0 : i32
    %dma_start3A_200 = arith.constant 0 : i32
    %dma_start3A_201 = tpu.memref_slice %arg3[%dma_start3A_199, %dma_start3A_200] : memref<8192x1024xf32, #tpu.memory_space<hbm>> -> memref<8192x1024xf32, #tpu.memory_space<hbm>>
    tpu.enqueue_indirect_dma source(%dma_start3A_201 : memref<8192x1024xf32, #tpu.memory_space<hbm>>) target(%arg10 : memref<16x1024xf32, #tpu.memory_space<vmem>>) offsets(%dma_start3A_198 : memref<16xi32, #tpu.memory_space<vmem>>) semaphore(%arg17 : memref<!tpu.dma_semaphore, #tpu.memory_space<semaphore_mem>>)
    %dma_wait3A_202 = arith.constant 0 : i32
    %dma_wait3A_203 = tpu.memref_slice %arg2[%add3A_126, %dma_wait3A_202] : memref<8192x1024xf32, #tpu.memory_space<hbm>> -> memref<16x1024xf32, #tpu.memory_space<hbm>>
    %dma_wait3A_204 = arith.constant 0 : i32
    %dma_wait3A_205 = tpu.memref_slice %arg2[%add3A_126, %dma_wait3A_204] : memref<8192x1024xf32, #tpu.memory_space<hbm>> -> memref<16x1024xf32, #tpu.memory_space<hbm>>
    tpu.wait_dma2 semaphore(%arg15 : memref<!tpu.dma_semaphore, #tpu.memory_space<semaphore_mem>>) src(%dma_wait3A_205 : memref<16x1024xf32, #tpu.memory_space<hbm>>) dst(%arg8 : memref<16x1024xf32, #tpu.memory_space<vmem>>)
    %dma_wait3A_206 = arith.constant 80 : i32
    %dma_wait3A_207 = tpu.memref_slice %arg12[%dma_wait3A_206] : memref<256xi32, #tpu.memory_space<vmem>> -> memref<16xi32, #tpu.memory_space<vmem>>
    %dma_wait3A_208 = arith.constant 0 : i32
    %dma_wait3A_209 = arith.constant 0 : i32
    %dma_wait3A_210 = tpu.memref_slice %arg3[%dma_wait3A_208, %dma_wait3A_209] : memref<8192x1024xf32, #tpu.memory_space<hbm>> -> memref<8192x1024xf32, #tpu.memory_space<hbm>>
    tpu.wait_indirect_dma semaphore(%arg18 : memref<!tpu.dma_semaphore, #tpu.memory_space<semaphore_mem>>) src(%dma_wait3A_210 : memref<8192x1024xf32, #tpu.memory_space<hbm>>) dst(%arg11 : memref<16x1024xf32, #tpu.memory_space<vmem>>)
    %parallel_loop3A_211 = arith.constant 0 : i32
    %parallel_loop3A_212 = arith.constant 1024 : i32
    %parallel_loop3A_213 = arith.constant 1 : i32
    scf.for %parallel_loop3A_532 = %parallel_loop3A_211 to %parallel_loop3A_212 step %parallel_loop3A_213  : i32 {
      %parallel_loop3A_533 = arith.constant 6 : i32
      %parallel_loop3A_534 = arith.shrui %parallel_loop3A_532, %parallel_loop3A_533 : i32
      %parallel_loop3A_535 = arith.constant 63 : i32
      %parallel_loop3A_536 = arith.andi %parallel_loop3A_532, %parallel_loop3A_535 : i32
      %parallel_loop3A_537 = arith.constant 4 : i32
      %parallel_loop3A_538 = arith.shli %parallel_loop3A_536, %parallel_loop3A_537 : i32
      %parallel_loop3A_539 = tpu.assume_multiple %parallel_loop3A_538, 16 : i32
      %parallel_loop3A_540 = arith.index_cast %parallel_loop3A_534 : i32 to index
      %parallel_loop3A_541 = arith.index_cast %parallel_loop3A_539 : i32 to index
      %parallel_loop3A_542 = tpu.vector_load %arg8[%parallel_loop3A_540, %parallel_loop3A_541] {strides = array<i32>} : memref<16x1024xf32, #tpu.memory_space<vmem>>, vector<1x16xf32>,
      %parallel_loop3A_543 = vector.shape_cast %parallel_loop3A_542 : vector<1x16xf32> to vector<16xf32>
      %parallel_loop3A_544 = arith.index_cast %parallel_loop3A_534 : i32 to index
      %parallel_loop3A_545 = arith.index_cast %parallel_loop3A_539 : i32 to index
      %parallel_loop3A_546 = tpu.vector_load %arg11[%parallel_loop3A_544, %parallel_loop3A_545] {strides = array<i32>} : memref<16x1024xf32, #tpu.memory_space<vmem>>, vector<1x16xf32>,
      %parallel_loop3A_547 = vector.shape_cast %parallel_loop3A_546 : vector<1x16xf32> to vector<16xf32>
      %parallel_loop3A_548 = vector.shape_cast %parallel_loop3A_543 : vector<16xf32> to vector<1x16xf32>
      tpu.vector_store %arg11[%parallel_loop3A_544, %parallel_loop3A_545], %parallel_loop3A_548 {add = true, strides = array<i32>} : memref<16x1024xf32, #tpu.memory_space<vmem>>, vector<1x16xf32>,
    } {sc.loop_unroll_factor = 8 : i64, sc.parallel_access}
    %add3A_214 = arith.constant 80 : i32
    %add3A_215 = arith.addi %mul3A_2, %add3A_214 : i32
    %dma_start3A_216 = arith.constant 0 : i32
    %dma_start3A_217 = tpu.memref_slice %arg5[%add3A_215, %dma_start3A_216] : memref<8192x1024xf32, #tpu.memory_space<hbm>> -> memref<16x1024xf32, #tpu.memory_space<hbm>>
    %dma_start3A_218 = arith.constant 0 : i32
    %dma_start3A_219 = tpu.memref_slice %arg5[%add3A_215, %dma_start3A_218] : memref<8192x1024xf32, #tpu.memory_space<hbm>> -> memref<16x1024xf32, #tpu.memory_space<hbm>>
    tpu.enqueue_dma source(%arg11 : memref<16x1024xf32, #tpu.memory_space<vmem>>) target(%dma_start3A_219 : memref<16x1024xf32, #tpu.memory_space<hbm>>) target_semaphore(%arg21 : memref<!tpu.dma_semaphore, #tpu.memory_space<semaphore_mem>>)
    %dma_wait3A_220 = arith.constant 0 : i32
    %dma_wait3A_221 = tpu.memref_slice %arg5[%add3A_215, %dma_wait3A_220] : memref<8192x1024xf32, #tpu.memory_space<hbm>> -> memref<16x1024xf32, #tpu.memory_space<hbm>>
    %dma_wait3A_222 = arith.constant 0 : i32
    %dma_wait3A_223 = tpu.memref_slice %arg5[%add3A_215, %dma_wait3A_222] : memref<8192x1024xf32, #tpu.memory_space<hbm>> -> memref<16x1024xf32, #tpu.memory_space<hbm>>
    tpu.wait_dma2 semaphore(%arg21 : memref<!tpu.dma_semaphore, #tpu.memory_space<semaphore_mem>>) src(%arg11 : memref<16x1024xf32, #tpu.memory_space<vmem>>) dst(%dma_wait3A_223 : memref<16x1024xf32, #tpu.memory_space<hbm>>)
    %add3A_224 = arith.constant 128 : i32
    %add3A_225 = arith.addi %mul3A_2, %add3A_224 : i32
    %dma_start3A_226 = arith.constant 0 : i32
    %dma_start3A_227 = tpu.memref_slice %arg2[%add3A_225, %dma_start3A_226] : memref<8192x1024xf32, #tpu.memory_space<hbm>> -> memref<16x1024xf32, #tpu.memory_space<hbm>>
    %dma_start3A_228 = arith.constant 0 : i32
    %dma_start3A_229 = tpu.memref_slice %arg2[%add3A_225, %dma_start3A_228] : memref<8192x1024xf32, #tpu.memory_space<hbm>> -> memref<16x1024xf32, #tpu.memory_space<hbm>>
    tpu.enqueue_dma source(%dma_start3A_229 : memref<16x1024xf32, #tpu.memory_space<hbm>>) target(%arg8 : memref<16x1024xf32, #tpu.memory_space<vmem>>) target_semaphore(%arg15 : memref<!tpu.dma_semaphore, #tpu.memory_space<semaphore_mem>>)
    %dma_start3A_230 = arith.constant 128 : i32
    %dma_start3A_231 = tpu.memref_slice %arg12[%dma_start3A_230] : memref<256xi32, #tpu.memory_space<vmem>> -> memref<16xi32, #tpu.memory_space<vmem>>
    %dma_start3A_232 = arith.constant 0 : i32
    %dma_start3A_233 = arith.constant 0 : i32
    %dma_start3A_234 = tpu.memref_slice %arg3[%dma_start3A_232, %dma_start3A_233] : memref<8192x1024xf32, #tpu.memory_space<hbm>> -> memref<8192x1024xf32, #tpu.memory_space<hbm>>
    tpu.enqueue_indirect_dma source(%dma_start3A_234 : memref<8192x1024xf32, #tpu.memory_space<hbm>>) target(%arg11 : memref<16x1024xf32, #tpu.memory_space<vmem>>) offsets(%dma_start3A_231 : memref<16xi32, #tpu.memory_space<vmem>>) semaphore(%arg18 : memref<!tpu.dma_semaphore, #tpu.memory_space<semaphore_mem>>)
    %dma_wait3A_235 = arith.constant 0 : i32
    %dma_wait3A_236 = tpu.memref_slice %arg2[%add3A_159, %dma_wait3A_235] : memref<8192x1024xf32, #tpu.memory_space<hbm>> -> memref<16x1024xf32, #tpu.memory_space<hbm>>
    %dma_wait3A_237 = arith.constant 0 : i32
    %dma_wait3A_238 = tpu.memref_slice %arg2[%add3A_159, %dma_wait3A_237] : memref<8192x1024xf32, #tpu.memory_space<hbm>> -> memref<16x1024xf32, #tpu.memory_space<hbm>>
    tpu.wait_dma2 semaphore(%arg13 : memref<!tpu.dma_semaphore, #tpu.memory_space<semaphore_mem>>) src(%dma_wait3A_238 : memref<16x1024xf32, #tpu.memory_space<hbm>>) dst(%arg6 : memref<16x1024xf32, #tpu.memory_space<vmem>>)
    %dma_wait3A_239 = arith.constant 96 : i32
    %dma_wait3A_240 = tpu.memref_slice %arg12[%dma_wait3A_239] : memref<256xi32, #tpu.memory_space<vmem>> -> memref<16xi32, #tpu.memory_space<vmem>>
    %dma_wait3A_241 = arith.constant 0 : i32
    %dma_wait3A_242 = arith.constant 0 : i32
    %dma_wait3A_243 = tpu.memref_slice %arg3[%dma_wait3A_241, %dma_wait3A_242] : memref<8192x1024xf32, #tpu.memory_space<hbm>> -> memref<8192x1024xf32, #tpu.memory_space<hbm>>
    tpu.wait_indirect_dma semaphore(%arg16 : memref<!tpu.dma_semaphore, #tpu.memory_space<semaphore_mem>>) src(%dma_wait3A_243 : memref<8192x1024xf32, #tpu.memory_space<hbm>>) dst(%arg9 : memref<16x1024xf32, #tpu.memory_space<vmem>>)
    %parallel_loop3A_244 = arith.constant 0 : i32
    %parallel_loop3A_245 = arith.constant 1024 : i32
    %parallel_loop3A_246 = arith.constant 1 : i32
    scf.for %parallel_loop3A_532 = %parallel_loop3A_244 to %parallel_loop3A_245 step %parallel_loop3A_246  : i32 {
      %parallel_loop3A_533 = arith.constant 6 : i32
      %parallel_loop3A_534 = arith.shrui %parallel_loop3A_532, %parallel_loop3A_533 : i32
      %parallel_loop3A_535 = arith.constant 63 : i32
      %parallel_loop3A_536 = arith.andi %parallel_loop3A_532, %parallel_loop3A_535 : i32
      %parallel_loop3A_537 = arith.constant 4 : i32
      %parallel_loop3A_538 = arith.shli %parallel_loop3A_536, %parallel_loop3A_537 : i32
      %parallel_loop3A_539 = tpu.assume_multiple %parallel_loop3A_538, 16 : i32
      %parallel_loop3A_540 = arith.index_cast %parallel_loop3A_534 : i32 to index
      %parallel_loop3A_541 = arith.index_cast %parallel_loop3A_539 : i32 to index
      %parallel_loop3A_542 = tpu.vector_load %arg6[%parallel_loop3A_540, %parallel_loop3A_541] {strides = array<i32>} : memref<16x1024xf32, #tpu.memory_space<vmem>>, vector<1x16xf32>,
      %parallel_loop3A_543 = vector.shape_cast %parallel_loop3A_542 : vector<1x16xf32> to vector<16xf32>
      %parallel_loop3A_544 = arith.index_cast %parallel_loop3A_534 : i32 to index
      %parallel_loop3A_545 = arith.index_cast %parallel_loop3A_539 : i32 to index
      %parallel_loop3A_546 = tpu.vector_load %arg9[%parallel_loop3A_544, %parallel_loop3A_545] {strides = array<i32>} : memref<16x1024xf32, #tpu.memory_space<vmem>>, vector<1x16xf32>,
      %parallel_loop3A_547 = vector.shape_cast %parallel_loop3A_546 : vector<1x16xf32> to vector<16xf32>
      %parallel_loop3A_548 = vector.shape_cast %parallel_loop3A_543 : vector<16xf32> to vector<1x16xf32>
      tpu.vector_store %arg9[%parallel_loop3A_544, %parallel_loop3A_545], %parallel_loop3A_548 {add = true, strides = array<i32>} : memref<16x1024xf32, #tpu.memory_space<vmem>>, vector<1x16xf32>,
    } {sc.loop_unroll_factor = 8 : i64, sc.parallel_access}
    %add3A_247 = arith.constant 96 : i32
    %add3A_248 = arith.addi %mul3A_2, %add3A_247 : i32
    %dma_start3A_249 = arith.constant 0 : i32
    %dma_start3A_250 = tpu.memref_slice %arg5[%add3A_248, %dma_start3A_249] : memref<8192x1024xf32, #tpu.memory_space<hbm>> -> memref<16x1024xf32, #tpu.memory_space<hbm>>
    %dma_start3A_251 = arith.constant 0 : i32
    %dma_start3A_252 = tpu.memref_slice %arg5[%add3A_248, %dma_start3A_251] : memref<8192x1024xf32, #tpu.memory_space<hbm>> -> memref<16x1024xf32, #tpu.memory_space<hbm>>
    tpu.enqueue_dma source(%arg9 : memref<16x1024xf32, #tpu.memory_space<vmem>>) target(%dma_start3A_252 : memref<16x1024xf32, #tpu.memory_space<hbm>>) target_semaphore(%arg19 : memref<!tpu.dma_semaphore, #tpu.memory_space<semaphore_mem>>)
    %dma_wait3A_253 = arith.constant 0 : i32
    %dma_wait3A_254 = tpu.memref_slice %arg5[%add3A_248, %dma_wait3A_253] : memref<8192x1024xf32, #tpu.memory_space<hbm>> -> memref<16x1024xf32, #tpu.memory_space<hbm>>
    %dma_wait3A_255 = arith.constant 0 : i32
    %dma_wait3A_256 = tpu.memref_slice %arg5[%add3A_248, %dma_wait3A_255] : memref<8192x1024xf32, #tpu.memory_space<hbm>> -> memref<16x1024xf32, #tpu.memory_space<hbm>>
    tpu.wait_dma2 semaphore(%arg19 : memref<!tpu.dma_semaphore, #tpu.memory_space<semaphore_mem>>) src(%arg9 : memref<16x1024xf32, #tpu.memory_space<vmem>>) dst(%dma_wait3A_256 : memref<16x1024xf32, #tpu.memory_space<hbm>>)
    %add3A_257 = arith.constant 144 : i32
    %add3A_258 = arith.addi %mul3A_2, %add3A_257 : i32
    %dma_start3A_259 = arith.constant 0 : i32
    %dma_start3A_260 = tpu.memref_slice %arg2[%add3A_258, %dma_start3A_259] : memref<8192x1024xf32, #tpu.memory_space<hbm>> -> memref<16x1024xf32, #tpu.memory_space<hbm>>
    %dma_start3A_261 = arith.constant 0 : i32
    %dma_start3A_262 = tpu.memref_slice %arg2[%add3A_258, %dma_start3A_261] : memref<8192x1024xf32, #tpu.memory_space<hbm>> -> memref<16x1024xf32, #tpu.memory_space<hbm>>
    tpu.enqueue_dma source(%dma_start3A_262 : memref<16x1024xf32, #tpu.memory_space<hbm>>) target(%arg6 : memref<16x1024xf32, #tpu.memory_space<vmem>>) target_semaphore(%arg13 : memref<!tpu.dma_semaphore, #tpu.memory_space<semaphore_mem>>)
    %dma_start3A_263 = arith.constant 144 : i32
    %dma_start3A_264 = tpu.memref_slice %arg12[%dma_start3A_263] : memref<256xi32, #tpu.memory_space<vmem>> -> memref<16xi32, #tpu.memory_space<vmem>>
    %dma_start3A_265 = arith.constant 0 : i32
    %dma_start3A_266 = arith.constant 0 : i32
    %dma_start3A_267 = tpu.memref_slice %arg3[%dma_start3A_265, %dma_start3A_266] : memref<8192x1024xf32, #tpu.memory_space<hbm>> -> memref<8192x1024xf32, #tpu.memory_space<hbm>>
    tpu.enqueue_indirect_dma source(%dma_start3A_267 : memref<8192x1024xf32, #tpu.memory_space<hbm>>) target(%arg9 : memref<16x1024xf32, #tpu.memory_space<vmem>>) offsets(%dma_start3A_264 : memref<16xi32, #tpu.memory_space<vmem>>) semaphore(%arg16 : memref<!tpu.dma_semaphore, #tpu.memory_space<semaphore_mem>>)
    %dma_wait3A_268 = arith.constant 0 : i32
    %dma_wait3A_269 = tpu.memref_slice %arg2[%add3A_192, %dma_wait3A_268] : memref<8192x1024xf32, #tpu.memory_space<hbm>> -> memref<16x1024xf32, #tpu.memory_space<hbm>>
    %dma_wait3A_270 = arith.constant 0 : i32
    %dma_wait3A_271 = tpu.memref_slice %arg2[%add3A_192, %dma_wait3A_270] : memref<8192x1024xf32, #tpu.memory_space<hbm>> -> memref<16x1024xf32, #tpu.memory_space<hbm>>
    tpu.wait_dma2 semaphore(%arg14 : memref<!tpu.dma_semaphore, #tpu.memory_space<semaphore_mem>>) src(%dma_wait3A_271 : memref<16x1024xf32, #tpu.memory_space<hbm>>) dst(%arg7 : memref<16x1024xf32, #tpu.memory_space<vmem>>)
    %dma_wait3A_272 = arith.constant 112 : i32
    %dma_wait3A_273 = tpu.memref_slice %arg12[%dma_wait3A_272] : memref<256xi32, #tpu.memory_space<vmem>> -> memref<16xi32, #tpu.memory_space<vmem>>
    %dma_wait3A_274 = arith.constant 0 : i32
    %dma_wait3A_275 = arith.constant 0 : i32
    %dma_wait3A_276 = tpu.memref_slice %arg3[%dma_wait3A_274, %dma_wait3A_275] : memref<8192x1024xf32, #tpu.memory_space<hbm>> -> memref<8192x1024xf32, #tpu.memory_space<hbm>>
    tpu.wait_indirect_dma semaphore(%arg17 : memref<!tpu.dma_semaphore, #tpu.memory_space<semaphore_mem>>) src(%dma_wait3A_276 : memref<8192x1024xf32, #tpu.memory_space<hbm>>) dst(%arg10 : memref<16x1024xf32, #tpu.memory_space<vmem>>)
    %parallel_loop3A_277 = arith.constant 0 : i32
    %parallel_loop3A_278 = arith.constant 1024 : i32
    %parallel_loop3A_279 = arith.constant 1 : i32
    scf.for %parallel_loop3A_532 = %parallel_loop3A_277 to %parallel_loop3A_278 step %parallel_loop3A_279  : i32 {
      %parallel_loop3A_533 = arith.constant 6 : i32
      %parallel_loop3A_534 = arith.shrui %parallel_loop3A_532, %parallel_loop3A_533 : i32
      %parallel_loop3A_535 = arith.constant 63 : i32
      %parallel_loop3A_536 = arith.andi %parallel_loop3A_532, %parallel_loop3A_535 : i32
      %parallel_loop3A_537 = arith.constant 4 : i32
      %parallel_loop3A_538 = arith.shli %parallel_loop3A_536, %parallel_loop3A_537 : i32
      %parallel_loop3A_539 = tpu.assume_multiple %parallel_loop3A_538, 16 : i32
      %parallel_loop3A_540 = arith.index_cast %parallel_loop3A_534 : i32 to index
      %parallel_loop3A_541 = arith.index_cast %parallel_loop3A_539 : i32 to index
      %parallel_loop3A_542 = tpu.vector_load %arg7[%parallel_loop3A_540, %parallel_loop3A_541] {strides = array<i32>} : memref<16x1024xf32, #tpu.memory_space<vmem>>, vector<1x16xf32>,
      %parallel_loop3A_543 = vector.shape_cast %parallel_loop3A_542 : vector<1x16xf32> to vector<16xf32>
      %parallel_loop3A_544 = arith.index_cast %parallel_loop3A_534 : i32 to index
      %parallel_loop3A_545 = arith.index_cast %parallel_loop3A_539 : i32 to index
      %parallel_loop3A_546 = tpu.vector_load %arg10[%parallel_loop3A_544, %parallel_loop3A_545] {strides = array<i32>} : memref<16x1024xf32, #tpu.memory_space<vmem>>, vector<1x16xf32>,
      %parallel_loop3A_547 = vector.shape_cast %parallel_loop3A_546 : vector<1x16xf32> to vector<16xf32>
      %parallel_loop3A_548 = vector.shape_cast %parallel_loop3A_543 : vector<16xf32> to vector<1x16xf32>
      tpu.vector_store %arg10[%parallel_loop3A_544, %parallel_loop3A_545], %parallel_loop3A_548 {add = true, strides = array<i32>} : memref<16x1024xf32, #tpu.memory_space<vmem>>, vector<1x16xf32>,
    } {sc.loop_unroll_factor = 8 : i64, sc.parallel_access}
    %add3A_280 = arith.constant 112 : i32
    %add3A_281 = arith.addi %mul3A_2, %add3A_280 : i32
    %dma_start3A_282 = arith.constant 0 : i32
    %dma_start3A_283 = tpu.memref_slice %arg5[%add3A_281, %dma_start3A_282] : memref<8192x1024xf32, #tpu.memory_space<hbm>> -> memref<16x1024xf32, #tpu.memory_space<hbm>>
    %dma_start3A_284 = arith.constant 0 : i32
    %dma_start3A_285 = tpu.memref_slice %arg5[%add3A_281, %dma_start3A_284] : memref<8192x1024xf32, #tpu.memory_space<hbm>> -> memref<16x1024xf32, #tpu.memory_space<hbm>>
    tpu.enqueue_dma source(%arg10 : memref<16x1024xf32, #tpu.memory_space<vmem>>) target(%dma_start3A_285 : memref<16x1024xf32, #tpu.memory_space<hbm>>) target_semaphore(%arg20 : memref<!tpu.dma_semaphore, #tpu.memory_space<semaphore_mem>>)
    %dma_wait3A_286 = arith.constant 0 : i32
    %dma_wait3A_287 = tpu.memref_slice %arg5[%add3A_281, %dma_wait3A_286] : memref<8192x1024xf32, #tpu.memory_space<hbm>> -> memref<16x1024xf32, #tpu.memory_space<hbm>>
    %dma_wait3A_288 = arith.constant 0 : i32
    %dma_wait3A_289 = tpu.memref_slice %arg5[%add3A_281, %dma_wait3A_288] : memref<8192x1024xf32, #tpu.memory_space<hbm>> -> memref<16x1024xf32, #tpu.memory_space<hbm>>
    tpu.wait_dma2 semaphore(%arg20 : memref<!tpu.dma_semaphore, #tpu.memory_space<semaphore_mem>>) src(%arg10 : memref<16x1024xf32, #tpu.memory_space<vmem>>) dst(%dma_wait3A_289 : memref<16x1024xf32, #tpu.memory_space<hbm>>)
    %add3A_290 = arith.constant 160 : i32
    %add3A_291 = arith.addi %mul3A_2, %add3A_290 : i32
    %dma_start3A_292 = arith.constant 0 : i32
    %dma_start3A_293 = tpu.memref_slice %arg2[%add3A_291, %dma_start3A_292] : memref<8192x1024xf32, #tpu.memory_space<hbm>> -> memref<16x1024xf32, #tpu.memory_space<hbm>>
    %dma_start3A_294 = arith.constant 0 : i32
    %dma_start3A_295 = tpu.memref_slice %arg2[%add3A_291, %dma_start3A_294] : memref<8192x1024xf32, #tpu.memory_space<hbm>> -> memref<16x1024xf32, #tpu.memory_space<hbm>>
    tpu.enqueue_dma source(%dma_start3A_295 : memref<16x1024xf32, #tpu.memory_space<hbm>>) target(%arg7 : memref<16x1024xf32, #tpu.memory_space<vmem>>) target_semaphore(%arg14 : memref<!tpu.dma_semaphore, #tpu.memory_space<semaphore_mem>>)
    %dma_start3A_296 = arith.constant 160 : i32
    %dma_start3A_297 = tpu.memref_slice %arg12[%dma_start3A_296] : memref<256xi32, #tpu.memory_space<vmem>> -> memref<16xi32, #tpu.memory_space<vmem>>
    %dma_start3A_298 = arith.constant 0 : i32
    %dma_start3A_299 = arith.constant 0 : i32
    %dma_start3A_300 = tpu.memref_slice %arg3[%dma_start3A_298, %dma_start3A_299] : memref<8192x1024xf32, #tpu.memory_space<hbm>> -> memref<8192x1024xf32, #tpu.memory_space<hbm>>
    tpu.enqueue_indirect_dma source(%dma_start3A_300 : memref<8192x1024xf32, #tpu.memory_space<hbm>>) target(%arg10 : memref<16x1024xf32, #tpu.memory_space<vmem>>) offsets(%dma_start3A_297 : memref<16xi32, #tpu.memory_space<vmem>>) semaphore(%arg17 : memref<!tpu.dma_semaphore, #tpu.memory_space<semaphore_mem>>)
    %dma_wait3A_301 = arith.constant 0 : i32
    %dma_wait3A_302 = tpu.memref_slice %arg2[%add3A_225, %dma_wait3A_301] : memref<8192x1024xf32, #tpu.memory_space<hbm>> -> memref<16x1024xf32, #tpu.memory_space<hbm>>
    %dma_wait3A_303 = arith.constant 0 : i32
    %dma_wait3A_304 = tpu.memref_slice %arg2[%add3A_225, %dma_wait3A_303] : memref<8192x1024xf32, #tpu.memory_space<hbm>> -> memref<16x1024xf32, #tpu.memory_space<hbm>>
    tpu.wait_dma2 semaphore(%arg15 : memref<!tpu.dma_semaphore, #tpu.memory_space<semaphore_mem>>) src(%dma_wait3A_304 : memref<16x1024xf32, #tpu.memory_space<hbm>>) dst(%arg8 : memref<16x1024xf32, #tpu.memory_space<vmem>>)
    %dma_wait3A_305 = arith.constant 128 : i32
    %dma_wait3A_306 = tpu.memref_slice %arg12[%dma_wait3A_305] : memref<256xi32, #tpu.memory_space<vmem>> -> memref<16xi32, #tpu.memory_space<vmem>>
    %dma_wait3A_307 = arith.constant 0 : i32
    %dma_wait3A_308 = arith.constant 0 : i32
    %dma_wait3A_309 = tpu.memref_slice %arg3[%dma_wait3A_307, %dma_wait3A_308] : memref<8192x1024xf32, #tpu.memory_space<hbm>> -> memref<8192x1024xf32, #tpu.memory_space<hbm>>
    tpu.wait_indirect_dma semaphore(%arg18 : memref<!tpu.dma_semaphore, #tpu.memory_space<semaphore_mem>>) src(%dma_wait3A_309 : memref<8192x1024xf32, #tpu.memory_space<hbm>>) dst(%arg11 : memref<16x1024xf32, #tpu.memory_space<vmem>>)
    %parallel_loop3A_310 = arith.constant 0 : i32
    %parallel_loop3A_311 = arith.constant 1024 : i32
    %parallel_loop3A_312 = arith.constant 1 : i32
    scf.for %parallel_loop3A_532 = %parallel_loop3A_310 to %parallel_loop3A_311 step %parallel_loop3A_312  : i32 {
      %parallel_loop3A_533 = arith.constant 6 : i32
      %parallel_loop3A_534 = arith.shrui %parallel_loop3A_532, %parallel_loop3A_533 : i32
      %parallel_loop3A_535 = arith.constant 63 : i32
      %parallel_loop3A_536 = arith.andi %parallel_loop3A_532, %parallel_loop3A_535 : i32
      %parallel_loop3A_537 = arith.constant 4 : i32
      %parallel_loop3A_538 = arith.shli %parallel_loop3A_536, %parallel_loop3A_537 : i32
      %parallel_loop3A_539 = tpu.assume_multiple %parallel_loop3A_538, 16 : i32
      %parallel_loop3A_540 = arith.index_cast %parallel_loop3A_534 : i32 to index
      %parallel_loop3A_541 = arith.index_cast %parallel_loop3A_539 : i32 to index
      %parallel_loop3A_542 = tpu.vector_load %arg8[%parallel_loop3A_540, %parallel_loop3A_541] {strides = array<i32>} : memref<16x1024xf32, #tpu.memory_space<vmem>>, vector<1x16xf32>,
      %parallel_loop3A_543 = vector.shape_cast %parallel_loop3A_542 : vector<1x16xf32> to vector<16xf32>
      %parallel_loop3A_544 = arith.index_cast %parallel_loop3A_534 : i32 to index
      %parallel_loop3A_545 = arith.index_cast %parallel_loop3A_539 : i32 to index
      %parallel_loop3A_546 = tpu.vector_load %arg11[%parallel_loop3A_544, %parallel_loop3A_545] {strides = array<i32>} : memref<16x1024xf32, #tpu.memory_space<vmem>>, vector<1x16xf32>,
      %parallel_loop3A_547 = vector.shape_cast %parallel_loop3A_546 : vector<1x16xf32> to vector<16xf32>
      %parallel_loop3A_548 = vector.shape_cast %parallel_loop3A_543 : vector<16xf32> to vector<1x16xf32>
      tpu.vector_store %arg11[%parallel_loop3A_544, %parallel_loop3A_545], %parallel_loop3A_548 {add = true, strides = array<i32>} : memref<16x1024xf32, #tpu.memory_space<vmem>>, vector<1x16xf32>,
    } {sc.loop_unroll_factor = 8 : i64, sc.parallel_access}
    %add3A_313 = arith.constant 128 : i32
    %add3A_314 = arith.addi %mul3A_2, %add3A_313 : i32
    %dma_start3A_315 = arith.constant 0 : i32
    %dma_start3A_316 = tpu.memref_slice %arg5[%add3A_314, %dma_start3A_315] : memref<8192x1024xf32, #tpu.memory_space<hbm>> -> memref<16x1024xf32, #tpu.memory_space<hbm>>
    %dma_start3A_317 = arith.constant 0 : i32
    %dma_start3A_318 = tpu.memref_slice %arg5[%add3A_314, %dma_start3A_317] : memref<8192x1024xf32, #tpu.memory_space<hbm>> -> memref<16x1024xf32, #tpu.memory_space<hbm>>
    tpu.enqueue_dma source(%arg11 : memref<16x1024xf32, #tpu.memory_space<vmem>>) target(%dma_start3A_318 : memref<16x1024xf32, #tpu.memory_space<hbm>>) target_semaphore(%arg21 : memref<!tpu.dma_semaphore, #tpu.memory_space<semaphore_mem>>)
    %dma_wait3A_319 = arith.constant 0 : i32
    %dma_wait3A_320 = tpu.memref_slice %arg5[%add3A_314, %dma_wait3A_319] : memref<8192x1024xf32, #tpu.memory_space<hbm>> -> memref<16x1024xf32, #tpu.memory_space<hbm>>
    %dma_wait3A_321 = arith.constant 0 : i32
    %dma_wait3A_322 = tpu.memref_slice %arg5[%add3A_314, %dma_wait3A_321] : memref<8192x1024xf32, #tpu.memory_space<hbm>> -> memref<16x1024xf32, #tpu.memory_space<hbm>>
    tpu.wait_dma2 semaphore(%arg21 : memref<!tpu.dma_semaphore, #tpu.memory_space<semaphore_mem>>) src(%arg11 : memref<16x1024xf32, #tpu.memory_space<vmem>>) dst(%dma_wait3A_322 : memref<16x1024xf32, #tpu.memory_space<hbm>>)
    %add3A_323 = arith.constant 176 : i32
    %add3A_324 = arith.addi %mul3A_2, %add3A_323 : i32
    %dma_start3A_325 = arith.constant 0 : i32
    %dma_start3A_326 = tpu.memref_slice %arg2[%add3A_324, %dma_start3A_325] : memref<8192x1024xf32, #tpu.memory_space<hbm>> -> memref<16x1024xf32, #tpu.memory_space<hbm>>
    %dma_start3A_327 = arith.constant 0 : i32
    %dma_start3A_328 = tpu.memref_slice %arg2[%add3A_324, %dma_start3A_327] : memref<8192x1024xf32, #tpu.memory_space<hbm>> -> memref<16x1024xf32, #tpu.memory_space<hbm>>
    tpu.enqueue_dma source(%dma_start3A_328 : memref<16x1024xf32, #tpu.memory_space<hbm>>) target(%arg8 : memref<16x1024xf32, #tpu.memory_space<vmem>>) target_semaphore(%arg15 : memref<!tpu.dma_semaphore, #tpu.memory_space<semaphore_mem>>)
    %dma_start3A_329 = arith.constant 176 : i32
    %dma_start3A_330 = tpu.memref_slice %arg12[%dma_start3A_329] : memref<256xi32, #tpu.memory_space<vmem>> -> memref<16xi32, #tpu.memory_space<vmem>>
    %dma_start3A_331 = arith.constant 0 : i32
    %dma_start3A_332 = arith.constant 0 : i32
    %dma_start3A_333 = tpu.memref_slice %arg3[%dma_start3A_331, %dma_start3A_332] : memref<8192x1024xf32, #tpu.memory_space<hbm>> -> memref<8192x1024xf32, #tpu.memory_space<hbm>>
    tpu.enqueue_indirect_dma source(%dma_start3A_333 : memref<8192x1024xf32, #tpu.memory_space<hbm>>) target(%arg11 : memref<16x1024xf32, #tpu.memory_space<vmem>>) offsets(%dma_start3A_330 : memref<16xi32, #tpu.memory_space<vmem>>) semaphore(%arg18 : memref<!tpu.dma_semaphore, #tpu.memory_space<semaphore_mem>>)
    %dma_wait3A_334 = arith.constant 0 : i32
    %dma_wait3A_335 = tpu.memref_slice %arg2[%add3A_258, %dma_wait3A_334] : memref<8192x1024xf32, #tpu.memory_space<hbm>> -> memref<16x1024xf32, #tpu.memory_space<hbm>>
    %dma_wait3A_336 = arith.constant 0 : i32
    %dma_wait3A_337 = tpu.memref_slice %arg2[%add3A_258, %dma_wait3A_336] : memref<8192x1024xf32, #tpu.memory_space<hbm>> -> memref<16x1024xf32, #tpu.memory_space<hbm>>
    tpu.wait_dma2 semaphore(%arg13 : memref<!tpu.dma_semaphore, #tpu.memory_space<semaphore_mem>>) src(%dma_wait3A_337 : memref<16x1024xf32, #tpu.memory_space<hbm>>) dst(%arg6 : memref<16x1024xf32, #tpu.memory_space<vmem>>)
    %dma_wait3A_338 = arith.constant 144 : i32
    %dma_wait3A_339 = tpu.memref_slice %arg12[%dma_wait3A_338] : memref<256xi32, #tpu.memory_space<vmem>> -> memref<16xi32, #tpu.memory_space<vmem>>
    %dma_wait3A_340 = arith.constant 0 : i32
    %dma_wait3A_341 = arith.constant 0 : i32
    %dma_wait3A_342 = tpu.memref_slice %arg3[%dma_wait3A_340, %dma_wait3A_341] : memref<8192x1024xf32, #tpu.memory_space<hbm>> -> memref<8192x1024xf32, #tpu.memory_space<hbm>>
    tpu.wait_indirect_dma semaphore(%arg16 : memref<!tpu.dma_semaphore, #tpu.memory_space<semaphore_mem>>) src(%dma_wait3A_342 : memref<8192x1024xf32, #tpu.memory_space<hbm>>) dst(%arg9 : memref<16x1024xf32, #tpu.memory_space<vmem>>)
    %parallel_loop3A_343 = arith.constant 0 : i32
    %parallel_loop3A_344 = arith.constant 1024 : i32
    %parallel_loop3A_345 = arith.constant 1 : i32
    scf.for %parallel_loop3A_532 = %parallel_loop3A_343 to %parallel_loop3A_344 step %parallel_loop3A_345  : i32 {
      %parallel_loop3A_533 = arith.constant 6 : i32
      %parallel_loop3A_534 = arith.shrui %parallel_loop3A_532, %parallel_loop3A_533 : i32
      %parallel_loop3A_535 = arith.constant 63 : i32
      %parallel_loop3A_536 = arith.andi %parallel_loop3A_532, %parallel_loop3A_535 : i32
      %parallel_loop3A_537 = arith.constant 4 : i32
      %parallel_loop3A_538 = arith.shli %parallel_loop3A_536, %parallel_loop3A_537 : i32
      %parallel_loop3A_539 = tpu.assume_multiple %parallel_loop3A_538, 16 : i32
      %parallel_loop3A_540 = arith.index_cast %parallel_loop3A_534 : i32 to index
      %parallel_loop3A_541 = arith.index_cast %parallel_loop3A_539 : i32 to index
      %parallel_loop3A_542 = tpu.vector_load %arg6[%parallel_loop3A_540, %parallel_loop3A_541] {strides = array<i32>} : memref<16x1024xf32, #tpu.memory_space<vmem>>, vector<1x16xf32>,
      %parallel_loop3A_543 = vector.shape_cast %parallel_loop3A_542 : vector<1x16xf32> to vector<16xf32>
      %parallel_loop3A_544 = arith.index_cast %parallel_loop3A_534 : i32 to index
      %parallel_loop3A_545 = arith.index_cast %parallel_loop3A_539 : i32 to index
      %parallel_loop3A_546 = tpu.vector_load %arg9[%parallel_loop3A_544, %parallel_loop3A_545] {strides = array<i32>} : memref<16x1024xf32, #tpu.memory_space<vmem>>, vector<1x16xf32>,
      %parallel_loop3A_547 = vector.shape_cast %parallel_loop3A_546 : vector<1x16xf32> to vector<16xf32>
      %parallel_loop3A_548 = vector.shape_cast %parallel_loop3A_543 : vector<16xf32> to vector<1x16xf32>
      tpu.vector_store %arg9[%parallel_loop3A_544, %parallel_loop3A_545], %parallel_loop3A_548 {add = true, strides = array<i32>} : memref<16x1024xf32, #tpu.memory_space<vmem>>, vector<1x16xf32>,
    } {sc.loop_unroll_factor = 8 : i64, sc.parallel_access}
    %add3A_346 = arith.constant 144 : i32
    %add3A_347 = arith.addi %mul3A_2, %add3A_346 : i32
    %dma_start3A_348 = arith.constant 0 : i32
    %dma_start3A_349 = tpu.memref_slice %arg5[%add3A_347, %dma_start3A_348] : memref<8192x1024xf32, #tpu.memory_space<hbm>> -> memref<16x1024xf32, #tpu.memory_space<hbm>>
    %dma_start3A_350 = arith.constant 0 : i32
    %dma_start3A_351 = tpu.memref_slice %arg5[%add3A_347, %dma_start3A_350] : memref<8192x1024xf32, #tpu.memory_space<hbm>> -> memref<16x1024xf32, #tpu.memory_space<hbm>>
    tpu.enqueue_dma source(%arg9 : memref<16x1024xf32, #tpu.memory_space<vmem>>) target(%dma_start3A_351 : memref<16x1024xf32, #tpu.memory_space<hbm>>) target_semaphore(%arg19 : memref<!tpu.dma_semaphore, #tpu.memory_space<semaphore_mem>>)
    %dma_wait3A_352 = arith.constant 0 : i32
    %dma_wait3A_353 = tpu.memref_slice %arg5[%add3A_347, %dma_wait3A_352] : memref<8192x1024xf32, #tpu.memory_space<hbm>> -> memref<16x1024xf32, #tpu.memory_space<hbm>>
    %dma_wait3A_354 = arith.constant 0 : i32
    %dma_wait3A_355 = tpu.memref_slice %arg5[%add3A_347, %dma_wait3A_354] : memref<8192x1024xf32, #tpu.memory_space<hbm>> -> memref<16x1024xf32, #tpu.memory_space<hbm>>
    tpu.wait_dma2 semaphore(%arg19 : memref<!tpu.dma_semaphore, #tpu.memory_space<semaphore_mem>>) src(%arg9 : memref<16x1024xf32, #tpu.memory_space<vmem>>) dst(%dma_wait3A_355 : memref<16x1024xf32, #tpu.memory_space<hbm>>)
    %add3A_356 = arith.constant 192 : i32
    %add3A_357 = arith.addi %mul3A_2, %add3A_356 : i32
    %dma_start3A_358 = arith.constant 0 : i32
    %dma_start3A_359 = tpu.memref_slice %arg2[%add3A_357, %dma_start3A_358] : memref<8192x1024xf32, #tpu.memory_space<hbm>> -> memref<16x1024xf32, #tpu.memory_space<hbm>>
    %dma_start3A_360 = arith.constant 0 : i32
    %dma_start3A_361 = tpu.memref_slice %arg2[%add3A_357, %dma_start3A_360] : memref<8192x1024xf32, #tpu.memory_space<hbm>> -> memref<16x1024xf32, #tpu.memory_space<hbm>>
    tpu.enqueue_dma source(%dma_start3A_361 : memref<16x1024xf32, #tpu.memory_space<hbm>>) target(%arg6 : memref<16x1024xf32, #tpu.memory_space<vmem>>) target_semaphore(%arg13 : memref<!tpu.dma_semaphore, #tpu.memory_space<semaphore_mem>>)
    %dma_start3A_362 = arith.constant 192 : i32
    %dma_start3A_363 = tpu.memref_slice %arg12[%dma_start3A_362] : memref<256xi32, #tpu.memory_space<vmem>> -> memref<16xi32, #tpu.memory_space<vmem>>
    %dma_start3A_364 = arith.constant 0 : i32
    %dma_start3A_365 = arith.constant 0 : i32
    %dma_start3A_366 = tpu.memref_slice %arg3[%dma_start3A_364, %dma_start3A_365] : memref<8192x1024xf32, #tpu.memory_space<hbm>> -> memref<8192x1024xf32, #tpu.memory_space<hbm>>
    tpu.enqueue_indirect_dma source(%dma_start3A_366 : memref<8192x1024xf32, #tpu.memory_space<hbm>>) target(%arg9 : memref<16x1024xf32, #tpu.memory_space<vmem>>) offsets(%dma_start3A_363 : memref<16xi32, #tpu.memory_space<vmem>>) semaphore(%arg16 : memref<!tpu.dma_semaphore, #tpu.memory_space<semaphore_mem>>)
    %dma_wait3A_367 = arith.constant 0 : i32
    %dma_wait3A_368 = tpu.memref_slice %arg2[%add3A_291, %dma_wait3A_367] : memref<8192x1024xf32, #tpu.memory_space<hbm>> -> memref<16x1024xf32, #tpu.memory_space<hbm>>
    %dma_wait3A_369 = arith.constant 0 : i32
    %dma_wait3A_370 = tpu.memref_slice %arg2[%add3A_291, %dma_wait3A_369] : memref<8192x1024xf32, #tpu.memory_space<hbm>> -> memref<16x1024xf32, #tpu.memory_space<hbm>>
    tpu.wait_dma2 semaphore(%arg14 : memref<!tpu.dma_semaphore, #tpu.memory_space<semaphore_mem>>) src(%dma_wait3A_370 : memref<16x1024xf32, #tpu.memory_space<hbm>>) dst(%arg7 : memref<16x1024xf32, #tpu.memory_space<vmem>>)
    %dma_wait3A_371 = arith.constant 160 : i32
    %dma_wait3A_372 = tpu.memref_slice %arg12[%dma_wait3A_371] : memref<256xi32, #tpu.memory_space<vmem>> -> memref<16xi32, #tpu.memory_space<vmem>>
    %dma_wait3A_373 = arith.constant 0 : i32
    %dma_wait3A_374 = arith.constant 0 : i32
    %dma_wait3A_375 = tpu.memref_slice %arg3[%dma_wait3A_373, %dma_wait3A_374] : memref<8192x1024xf32, #tpu.memory_space<hbm>> -> memref<8192x1024xf32, #tpu.memory_space<hbm>>
    tpu.wait_indirect_dma semaphore(%arg17 : memref<!tpu.dma_semaphore, #tpu.memory_space<semaphore_mem>>) src(%dma_wait3A_375 : memref<8192x1024xf32, #tpu.memory_space<hbm>>) dst(%arg10 : memref<16x1024xf32, #tpu.memory_space<vmem>>)
    %parallel_loop3A_376 = arith.constant 0 : i32
    %parallel_loop3A_377 = arith.constant 1024 : i32
    %parallel_loop3A_378 = arith.constant 1 : i32
    scf.for %parallel_loop3A_532 = %parallel_loop3A_376 to %parallel_loop3A_377 step %parallel_loop3A_378  : i32 {
      %parallel_loop3A_533 = arith.constant 6 : i32
      %parallel_loop3A_534 = arith.shrui %parallel_loop3A_532, %parallel_loop3A_533 : i32
      %parallel_loop3A_535 = arith.constant 63 : i32
      %parallel_loop3A_536 = arith.andi %parallel_loop3A_532, %parallel_loop3A_535 : i32
      %parallel_loop3A_537 = arith.constant 4 : i32
      %parallel_loop3A_538 = arith.shli %parallel_loop3A_536, %parallel_loop3A_537 : i32
      %parallel_loop3A_539 = tpu.assume_multiple %parallel_loop3A_538, 16 : i32
      %parallel_loop3A_540 = arith.index_cast %parallel_loop3A_534 : i32 to index
      %parallel_loop3A_541 = arith.index_cast %parallel_loop3A_539 : i32 to index
      %parallel_loop3A_542 = tpu.vector_load %arg7[%parallel_loop3A_540, %parallel_loop3A_541] {strides = array<i32>} : memref<16x1024xf32, #tpu.memory_space<vmem>>, vector<1x16xf32>,
      %parallel_loop3A_543 = vector.shape_cast %parallel_loop3A_542 : vector<1x16xf32> to vector<16xf32>
      %parallel_loop3A_544 = arith.index_cast %parallel_loop3A_534 : i32 to index
      %parallel_loop3A_545 = arith.index_cast %parallel_loop3A_539 : i32 to index
      %parallel_loop3A_546 = tpu.vector_load %arg10[%parallel_loop3A_544, %parallel_loop3A_545] {strides = array<i32>} : memref<16x1024xf32, #tpu.memory_space<vmem>>, vector<1x16xf32>,
      %parallel_loop3A_547 = vector.shape_cast %parallel_loop3A_546 : vector<1x16xf32> to vector<16xf32>
      %parallel_loop3A_548 = vector.shape_cast %parallel_loop3A_543 : vector<16xf32> to vector<1x16xf32>
      tpu.vector_store %arg10[%parallel_loop3A_544, %parallel_loop3A_545], %parallel_loop3A_548 {add = true, strides = array<i32>} : memref<16x1024xf32, #tpu.memory_space<vmem>>, vector<1x16xf32>,
    } {sc.loop_unroll_factor = 8 : i64, sc.parallel_access}
    %add3A_379 = arith.constant 160 : i32
    %add3A_380 = arith.addi %mul3A_2, %add3A_379 : i32
    %dma_start3A_381 = arith.constant 0 : i32
    %dma_start3A_382 = tpu.memref_slice %arg5[%add3A_380, %dma_start3A_381] : memref<8192x1024xf32, #tpu.memory_space<hbm>> -> memref<16x1024xf32, #tpu.memory_space<hbm>>
    %dma_start3A_383 = arith.constant 0 : i32
    %dma_start3A_384 = tpu.memref_slice %arg5[%add3A_380, %dma_start3A_383] : memref<8192x1024xf32, #tpu.memory_space<hbm>> -> memref<16x1024xf32, #tpu.memory_space<hbm>>
    tpu.enqueue_dma source(%arg10 : memref<16x1024xf32, #tpu.memory_space<vmem>>) target(%dma_start3A_384 : memref<16x1024xf32, #tpu.memory_space<hbm>>) target_semaphore(%arg20 : memref<!tpu.dma_semaphore, #tpu.memory_space<semaphore_mem>>)
    %dma_wait3A_385 = arith.constant 0 : i32
    %dma_wait3A_386 = tpu.memref_slice %arg5[%add3A_380, %dma_wait3A_385] : memref<8192x1024xf32, #tpu.memory_space<hbm>> -> memref<16x1024xf32, #tpu.memory_space<hbm>>
    %dma_wait3A_387 = arith.constant 0 : i32
    %dma_wait3A_388 = tpu.memref_slice %arg5[%add3A_380, %dma_wait3A_387] : memref<8192x1024xf32, #tpu.memory_space<hbm>> -> memref<16x1024xf32, #tpu.memory_space<hbm>>
    tpu.wait_dma2 semaphore(%arg20 : memref<!tpu.dma_semaphore, #tpu.memory_space<semaphore_mem>>) src(%arg10 : memref<16x1024xf32, #tpu.memory_space<vmem>>) dst(%dma_wait3A_388 : memref<16x1024xf32, #tpu.memory_space<hbm>>)
    %add3A_389 = arith.constant 208 : i32
    %add3A_390 = arith.addi %mul3A_2, %add3A_389 : i32
    %dma_start3A_391 = arith.constant 0 : i32
    %dma_start3A_392 = tpu.memref_slice %arg2[%add3A_390, %dma_start3A_391] : memref<8192x1024xf32, #tpu.memory_space<hbm>> -> memref<16x1024xf32, #tpu.memory_space<hbm>>
    %dma_start3A_393 = arith.constant 0 : i32
    %dma_start3A_394 = tpu.memref_slice %arg2[%add3A_390, %dma_start3A_393] : memref<8192x1024xf32, #tpu.memory_space<hbm>> -> memref<16x1024xf32, #tpu.memory_space<hbm>>
    tpu.enqueue_dma source(%dma_start3A_394 : memref<16x1024xf32, #tpu.memory_space<hbm>>) target(%arg7 : memref<16x1024xf32, #tpu.memory_space<vmem>>) target_semaphore(%arg14 : memref<!tpu.dma_semaphore, #tpu.memory_space<semaphore_mem>>)
    %dma_start3A_395 = arith.constant 208 : i32
    %dma_start3A_396 = tpu.memref_slice %arg12[%dma_start3A_395] : memref<256xi32, #tpu.memory_space<vmem>> -> memref<16xi32, #tpu.memory_space<vmem>>
    %dma_start3A_397 = arith.constant 0 : i32
    %dma_start3A_398 = arith.constant 0 : i32
    %dma_start3A_399 = tpu.memref_slice %arg3[%dma_start3A_397, %dma_start3A_398] : memref<8192x1024xf32, #tpu.memory_space<hbm>> -> memref<8192x1024xf32, #tpu.memory_space<hbm>>
    tpu.enqueue_indirect_dma source(%dma_start3A_399 : memref<8192x1024xf32, #tpu.memory_space<hbm>>) target(%arg10 : memref<16x1024xf32, #tpu.memory_space<vmem>>) offsets(%dma_start3A_396 : memref<16xi32, #tpu.memory_space<vmem>>) semaphore(%arg17 : memref<!tpu.dma_semaphore, #tpu.memory_space<semaphore_mem>>)
    %dma_wait3A_400 = arith.constant 0 : i32
    %dma_wait3A_401 = tpu.memref_slice %arg2[%add3A_324, %dma_wait3A_400] : memref<8192x1024xf32, #tpu.memory_space<hbm>> -> memref<16x1024xf32, #tpu.memory_space<hbm>>
    %dma_wait3A_402 = arith.constant 0 : i32
    %dma_wait3A_403 = tpu.memref_slice %arg2[%add3A_324, %dma_wait3A_402] : memref<8192x1024xf32, #tpu.memory_space<hbm>> -> memref<16x1024xf32, #tpu.memory_space<hbm>>
    tpu.wait_dma2 semaphore(%arg15 : memref<!tpu.dma_semaphore, #tpu.memory_space<semaphore_mem>>) src(%dma_wait3A_403 : memref<16x1024xf32, #tpu.memory_space<hbm>>) dst(%arg8 : memref<16x1024xf32, #tpu.memory_space<vmem>>)
    %dma_wait3A_404 = arith.constant 176 : i32
    %dma_wait3A_405 = tpu.memref_slice %arg12[%dma_wait3A_404] : memref<256xi32, #tpu.memory_space<vmem>> -> memref<16xi32, #tpu.memory_space<vmem>>
    %dma_wait3A_406 = arith.constant 0 : i32
    %dma_wait3A_407 = arith.constant 0 : i32
    %dma_wait3A_408 = tpu.memref_slice %arg3[%dma_wait3A_406, %dma_wait3A_407] : memref<8192x1024xf32, #tpu.memory_space<hbm>> -> memref<8192x1024xf32, #tpu.memory_space<hbm>>
    tpu.wait_indirect_dma semaphore(%arg18 : memref<!tpu.dma_semaphore, #tpu.memory_space<semaphore_mem>>) src(%dma_wait3A_408 : memref<8192x1024xf32, #tpu.memory_space<hbm>>) dst(%arg11 : memref<16x1024xf32, #tpu.memory_space<vmem>>)
    %parallel_loop3A_409 = arith.constant 0 : i32
    %parallel_loop3A_410 = arith.constant 1024 : i32
    %parallel_loop3A_411 = arith.constant 1 : i32
    scf.for %parallel_loop3A_532 = %parallel_loop3A_409 to %parallel_loop3A_410 step %parallel_loop3A_411  : i32 {
      %parallel_loop3A_533 = arith.constant 6 : i32
      %parallel_loop3A_534 = arith.shrui %parallel_loop3A_532, %parallel_loop3A_533 : i32
      %parallel_loop3A_535 = arith.constant 63 : i32
      %parallel_loop3A_536 = arith.andi %parallel_loop3A_532, %parallel_loop3A_535 : i32
      %parallel_loop3A_537 = arith.constant 4 : i32
      %parallel_loop3A_538 = arith.shli %parallel_loop3A_536, %parallel_loop3A_537 : i32
      %parallel_loop3A_539 = tpu.assume_multiple %parallel_loop3A_538, 16 : i32
      %parallel_loop3A_540 = arith.index_cast %parallel_loop3A_534 : i32 to index
      %parallel_loop3A_541 = arith.index_cast %parallel_loop3A_539 : i32 to index
      %parallel_loop3A_542 = tpu.vector_load %arg8[%parallel_loop3A_540, %parallel_loop3A_541] {strides = array<i32>} : memref<16x1024xf32, #tpu.memory_space<vmem>>, vector<1x16xf32>,
      %parallel_loop3A_543 = vector.shape_cast %parallel_loop3A_542 : vector<1x16xf32> to vector<16xf32>
      %parallel_loop3A_544 = arith.index_cast %parallel_loop3A_534 : i32 to index
      %parallel_loop3A_545 = arith.index_cast %parallel_loop3A_539 : i32 to index
      %parallel_loop3A_546 = tpu.vector_load %arg11[%parallel_loop3A_544, %parallel_loop3A_545] {strides = array<i32>} : memref<16x1024xf32, #tpu.memory_space<vmem>>, vector<1x16xf32>,
      %parallel_loop3A_547 = vector.shape_cast %parallel_loop3A_546 : vector<1x16xf32> to vector<16xf32>
      %parallel_loop3A_548 = vector.shape_cast %parallel_loop3A_543 : vector<16xf32> to vector<1x16xf32>
      tpu.vector_store %arg11[%parallel_loop3A_544, %parallel_loop3A_545], %parallel_loop3A_548 {add = true, strides = array<i32>} : memref<16x1024xf32, #tpu.memory_space<vmem>>, vector<1x16xf32>,
    } {sc.loop_unroll_factor = 8 : i64, sc.parallel_access}
    %add3A_412 = arith.constant 176 : i32
    %add3A_413 = arith.addi %mul3A_2, %add3A_412 : i32
    %dma_start3A_414 = arith.constant 0 : i32
    %dma_start3A_415 = tpu.memref_slice %arg5[%add3A_413, %dma_start3A_414] : memref<8192x1024xf32, #tpu.memory_space<hbm>> -> memref<16x1024xf32, #tpu.memory_space<hbm>>
    %dma_start3A_416 = arith.constant 0 : i32
    %dma_start3A_417 = tpu.memref_slice %arg5[%add3A_413, %dma_start3A_416] : memref<8192x1024xf32, #tpu.memory_space<hbm>> -> memref<16x1024xf32, #tpu.memory_space<hbm>>
    tpu.enqueue_dma source(%arg11 : memref<16x1024xf32, #tpu.memory_space<vmem>>) target(%dma_start3A_417 : memref<16x1024xf32, #tpu.memory_space<hbm>>) target_semaphore(%arg21 : memref<!tpu.dma_semaphore, #tpu.memory_space<semaphore_mem>>)
    %dma_wait3A_418 = arith.constant 0 : i32
    %dma_wait3A_419 = tpu.memref_slice %arg5[%add3A_413, %dma_wait3A_418] : memref<8192x1024xf32, #tpu.memory_space<hbm>> -> memref<16x1024xf32, #tpu.memory_space<hbm>>
    %dma_wait3A_420 = arith.constant 0 : i32
    %dma_wait3A_421 = tpu.memref_slice %arg5[%add3A_413, %dma_wait3A_420] : memref<8192x1024xf32, #tpu.memory_space<hbm>> -> memref<16x1024xf32, #tpu.memory_space<hbm>>
    tpu.wait_dma2 semaphore(%arg21 : memref<!tpu.dma_semaphore, #tpu.memory_space<semaphore_mem>>) src(%arg11 : memref<16x1024xf32, #tpu.memory_space<vmem>>) dst(%dma_wait3A_421 : memref<16x1024xf32, #tpu.memory_space<hbm>>)
    %add3A_422 = arith.constant 224 : i32
    %add3A_423 = arith.addi %mul3A_2, %add3A_422 : i32
    %dma_start3A_424 = arith.constant 0 : i32
    %dma_start3A_425 = tpu.memref_slice %arg2[%add3A_423, %dma_start3A_424] : memref<8192x1024xf32, #tpu.memory_space<hbm>> -> memref<16x1024xf32, #tpu.memory_space<hbm>>
    %dma_start3A_426 = arith.constant 0 : i32
    %dma_start3A_427 = tpu.memref_slice %arg2[%add3A_423, %dma_start3A_426] : memref<8192x1024xf32, #tpu.memory_space<hbm>> -> memref<16x1024xf32, #tpu.memory_space<hbm>>
    tpu.enqueue_dma source(%dma_start3A_427 : memref<16x1024xf32, #tpu.memory_space<hbm>>) target(%arg8 : memref<16x1024xf32, #tpu.memory_space<vmem>>) target_semaphore(%arg15 : memref<!tpu.dma_semaphore, #tpu.memory_space<semaphore_mem>>)
    %dma_start3A_428 = arith.constant 224 : i32
    %dma_start3A_429 = tpu.memref_slice %arg12[%dma_start3A_428] : memref<256xi32, #tpu.memory_space<vmem>> -> memref<16xi32, #tpu.memory_space<vmem>>
    %dma_start3A_430 = arith.constant 0 : i32
    %dma_start3A_431 = arith.constant 0 : i32
    %dma_start3A_432 = tpu.memref_slice %arg3[%dma_start3A_430, %dma_start3A_431] : memref<8192x1024xf32, #tpu.memory_space<hbm>> -> memref<8192x1024xf32, #tpu.memory_space<hbm>>
    tpu.enqueue_indirect_dma source(%dma_start3A_432 : memref<8192x1024xf32, #tpu.memory_space<hbm>>) target(%arg11 : memref<16x1024xf32, #tpu.memory_space<vmem>>) offsets(%dma_start3A_429 : memref<16xi32, #tpu.memory_space<vmem>>) semaphore(%arg18 : memref<!tpu.dma_semaphore, #tpu.memory_space<semaphore_mem>>)
    %dma_wait3A_433 = arith.constant 0 : i32
    %dma_wait3A_434 = tpu.memref_slice %arg2[%add3A_357, %dma_wait3A_433] : memref<8192x1024xf32, #tpu.memory_space<hbm>> -> memref<16x1024xf32, #tpu.memory_space<hbm>>
    %dma_wait3A_435 = arith.constant 0 : i32
    %dma_wait3A_436 = tpu.memref_slice %arg2[%add3A_357, %dma_wait3A_435] : memref<8192x1024xf32, #tpu.memory_space<hbm>> -> memref<16x1024xf32, #tpu.memory_space<hbm>>
    tpu.wait_dma2 semaphore(%arg13 : memref<!tpu.dma_semaphore, #tpu.memory_space<semaphore_mem>>) src(%dma_wait3A_436 : memref<16x1024xf32, #tpu.memory_space<hbm>>) dst(%arg6 : memref<16x1024xf32, #tpu.memory_space<vmem>>)
    %dma_wait3A_437 = arith.constant 192 : i32
    %dma_wait3A_438 = tpu.memref_slice %arg12[%dma_wait3A_437] : memref<256xi32, #tpu.memory_space<vmem>> -> memref<16xi32, #tpu.memory_space<vmem>>
    %dma_wait3A_439 = arith.constant 0 : i32
    %dma_wait3A_440 = arith.constant 0 : i32
    %dma_wait3A_441 = tpu.memref_slice %arg3[%dma_wait3A_439, %dma_wait3A_440] : memref<8192x1024xf32, #tpu.memory_space<hbm>> -> memref<8192x1024xf32, #tpu.memory_space<hbm>>
    tpu.wait_indirect_dma semaphore(%arg16 : memref<!tpu.dma_semaphore, #tpu.memory_space<semaphore_mem>>) src(%dma_wait3A_441 : memref<8192x1024xf32, #tpu.memory_space<hbm>>) dst(%arg9 : memref<16x1024xf32, #tpu.memory_space<vmem>>)
    %parallel_loop3A_442 = arith.constant 0 : i32
    %parallel_loop3A_443 = arith.constant 1024 : i32
    %parallel_loop3A_444 = arith.constant 1 : i32
    scf.for %parallel_loop3A_532 = %parallel_loop3A_442 to %parallel_loop3A_443 step %parallel_loop3A_444  : i32 {
      %parallel_loop3A_533 = arith.constant 6 : i32
      %parallel_loop3A_534 = arith.shrui %parallel_loop3A_532, %parallel_loop3A_533 : i32
      %parallel_loop3A_535 = arith.constant 63 : i32
      %parallel_loop3A_536 = arith.andi %parallel_loop3A_532, %parallel_loop3A_535 : i32
      %parallel_loop3A_537 = arith.constant 4 : i32
      %parallel_loop3A_538 = arith.shli %parallel_loop3A_536, %parallel_loop3A_537 : i32
      %parallel_loop3A_539 = tpu.assume_multiple %parallel_loop3A_538, 16 : i32
      %parallel_loop3A_540 = arith.index_cast %parallel_loop3A_534 : i32 to index
      %parallel_loop3A_541 = arith.index_cast %parallel_loop3A_539 : i32 to index
      %parallel_loop3A_542 = tpu.vector_load %arg6[%parallel_loop3A_540, %parallel_loop3A_541] {strides = array<i32>} : memref<16x1024xf32, #tpu.memory_space<vmem>>, vector<1x16xf32>,
      %parallel_loop3A_543 = vector.shape_cast %parallel_loop3A_542 : vector<1x16xf32> to vector<16xf32>
      %parallel_loop3A_544 = arith.index_cast %parallel_loop3A_534 : i32 to index
      %parallel_loop3A_545 = arith.index_cast %parallel_loop3A_539 : i32 to index
      %parallel_loop3A_546 = tpu.vector_load %arg9[%parallel_loop3A_544, %parallel_loop3A_545] {strides = array<i32>} : memref<16x1024xf32, #tpu.memory_space<vmem>>, vector<1x16xf32>,
      %parallel_loop3A_547 = vector.shape_cast %parallel_loop3A_546 : vector<1x16xf32> to vector<16xf32>
      %parallel_loop3A_548 = vector.shape_cast %parallel_loop3A_543 : vector<16xf32> to vector<1x16xf32>
      tpu.vector_store %arg9[%parallel_loop3A_544, %parallel_loop3A_545], %parallel_loop3A_548 {add = true, strides = array<i32>} : memref<16x1024xf32, #tpu.memory_space<vmem>>, vector<1x16xf32>,
    } {sc.loop_unroll_factor = 8 : i64, sc.parallel_access}
    %add3A_445 = arith.constant 192 : i32
    %add3A_446 = arith.addi %mul3A_2, %add3A_445 : i32
    %dma_start3A_447 = arith.constant 0 : i32
    %dma_start3A_448 = tpu.memref_slice %arg5[%add3A_446, %dma_start3A_447] : memref<8192x1024xf32, #tpu.memory_space<hbm>> -> memref<16x1024xf32, #tpu.memory_space<hbm>>
    %dma_start3A_449 = arith.constant 0 : i32
    %dma_start3A_450 = tpu.memref_slice %arg5[%add3A_446, %dma_start3A_449] : memref<8192x1024xf32, #tpu.memory_space<hbm>> -> memref<16x1024xf32, #tpu.memory_space<hbm>>
    tpu.enqueue_dma source(%arg9 : memref<16x1024xf32, #tpu.memory_space<vmem>>) target(%dma_start3A_450 : memref<16x1024xf32, #tpu.memory_space<hbm>>) target_semaphore(%arg19 : memref<!tpu.dma_semaphore, #tpu.memory_space<semaphore_mem>>)
    %dma_wait3A_451 = arith.constant 0 : i32
    %dma_wait3A_452 = tpu.memref_slice %arg5[%add3A_446, %dma_wait3A_451] : memref<8192x1024xf32, #tpu.memory_space<hbm>> -> memref<16x1024xf32, #tpu.memory_space<hbm>>
    %dma_wait3A_453 = arith.constant 0 : i32
    %dma_wait3A_454 = tpu.memref_slice %arg5[%add3A_446, %dma_wait3A_453] : memref<8192x1024xf32, #tpu.memory_space<hbm>> -> memref<16x1024xf32, #tpu.memory_space<hbm>>
    tpu.wait_dma2 semaphore(%arg19 : memref<!tpu.dma_semaphore, #tpu.memory_space<semaphore_mem>>) src(%arg9 : memref<16x1024xf32, #tpu.memory_space<vmem>>) dst(%dma_wait3A_454 : memref<16x1024xf32, #tpu.memory_space<hbm>>)
    %add3A_455 = arith.constant 240 : i32
    %add3A_456 = arith.addi %mul3A_2, %add3A_455 : i32
    %dma_start3A_457 = arith.constant 0 : i32
    %dma_start3A_458 = tpu.memref_slice %arg2[%add3A_456, %dma_start3A_457] : memref<8192x1024xf32, #tpu.memory_space<hbm>> -> memref<16x1024xf32, #tpu.memory_space<hbm>>
    %dma_start3A_459 = arith.constant 0 : i32
    %dma_start3A_460 = tpu.memref_slice %arg2[%add3A_456, %dma_start3A_459] : memref<8192x1024xf32, #tpu.memory_space<hbm>> -> memref<16x1024xf32, #tpu.memory_space<hbm>>
    tpu.enqueue_dma source(%dma_start3A_460 : memref<16x1024xf32, #tpu.memory_space<hbm>>) target(%arg6 : memref<16x1024xf32, #tpu.memory_space<vmem>>) target_semaphore(%arg13 : memref<!tpu.dma_semaphore, #tpu.memory_space<semaphore_mem>>)
    %dma_start3A_461 = arith.constant 240 : i32
    %dma_start3A_462 = tpu.memref_slice %arg12[%dma_start3A_461] : memref<256xi32, #tpu.memory_space<vmem>> -> memref<16xi32, #tpu.memory_space<vmem>>
    %dma_start3A_463 = arith.constant 0 : i32
    %dma_start3A_464 = arith.constant 0 : i32
    %dma_start3A_465 = tpu.memref_slice %arg3[%dma_start3A_463, %dma_start3A_464] : memref<8192x1024xf32, #tpu.memory_space<hbm>> -> memref<8192x1024xf32, #tpu.memory_space<hbm>>
    tpu.enqueue_indirect_dma source(%dma_start3A_465 : memref<8192x1024xf32, #tpu.memory_space<hbm>>) target(%arg9 : memref<16x1024xf32, #tpu.memory_space<vmem>>) offsets(%dma_start3A_462 : memref<16xi32, #tpu.memory_space<vmem>>) semaphore(%arg16 : memref<!tpu.dma_semaphore, #tpu.memory_space<semaphore_mem>>)
    %dma_wait3A_466 = arith.constant 0 : i32
    %dma_wait3A_467 = tpu.memref_slice %arg2[%add3A_390, %dma_wait3A_466] : memref<8192x1024xf32, #tpu.memory_space<hbm>> -> memref<16x1024xf32, #tpu.memory_space<hbm>>
    %dma_wait3A_468 = arith.constant 0 : i32
    %dma_wait3A_469 = tpu.memref_slice %arg2[%add3A_390, %dma_wait3A_468] : memref<8192x1024xf32, #tpu.memory_space<hbm>> -> memref<16x1024xf32, #tpu.memory_space<hbm>>
    tpu.wait_dma2 semaphore(%arg14 : memref<!tpu.dma_semaphore, #tpu.memory_space<semaphore_mem>>) src(%dma_wait3A_469 : memref<16x1024xf32, #tpu.memory_space<hbm>>) dst(%arg7 : memref<16x1024xf32, #tpu.memory_space<vmem>>)
    %dma_wait3A_470 = arith.constant 208 : i32
    %dma_wait3A_471 = tpu.memref_slice %arg12[%dma_wait3A_470] : memref<256xi32, #tpu.memory_space<vmem>> -> memref<16xi32, #tpu.memory_space<vmem>>
    %dma_wait3A_472 = arith.constant 0 : i32
    %dma_wait3A_473 = arith.constant 0 : i32
    %dma_wait3A_474 = tpu.memref_slice %arg3[%dma_wait3A_472, %dma_wait3A_473] : memref<8192x1024xf32, #tpu.memory_space<hbm>> -> memref<8192x1024xf32, #tpu.memory_space<hbm>>
    tpu.wait_indirect_dma semaphore(%arg17 : memref<!tpu.dma_semaphore, #tpu.memory_space<semaphore_mem>>) src(%dma_wait3A_474 : memref<8192x1024xf32, #tpu.memory_space<hbm>>) dst(%arg10 : memref<16x1024xf32, #tpu.memory_space<vmem>>)
    %parallel_loop3A_475 = arith.constant 0 : i32
    %parallel_loop3A_476 = arith.constant 1024 : i32
    %parallel_loop3A_477 = arith.constant 1 : i32
    scf.for %parallel_loop3A_532 = %parallel_loop3A_475 to %parallel_loop3A_476 step %parallel_loop3A_477  : i32 {
      %parallel_loop3A_533 = arith.constant 6 : i32
      %parallel_loop3A_534 = arith.shrui %parallel_loop3A_532, %parallel_loop3A_533 : i32
      %parallel_loop3A_535 = arith.constant 63 : i32
      %parallel_loop3A_536 = arith.andi %parallel_loop3A_532, %parallel_loop3A_535 : i32
      %parallel_loop3A_537 = arith.constant 4 : i32
      %parallel_loop3A_538 = arith.shli %parallel_loop3A_536, %parallel_loop3A_537 : i32
      %parallel_loop3A_539 = tpu.assume_multiple %parallel_loop3A_538, 16 : i32
      %parallel_loop3A_540 = arith.index_cast %parallel_loop3A_534 : i32 to index
      %parallel_loop3A_541 = arith.index_cast %parallel_loop3A_539 : i32 to index
      %parallel_loop3A_542 = tpu.vector_load %arg7[%parallel_loop3A_540, %parallel_loop3A_541] {strides = array<i32>} : memref<16x1024xf32, #tpu.memory_space<vmem>>, vector<1x16xf32>,
      %parallel_loop3A_543 = vector.shape_cast %parallel_loop3A_542 : vector<1x16xf32> to vector<16xf32>
      %parallel_loop3A_544 = arith.index_cast %parallel_loop3A_534 : i32 to index
      %parallel_loop3A_545 = arith.index_cast %parallel_loop3A_539 : i32 to index
      %parallel_loop3A_546 = tpu.vector_load %arg10[%parallel_loop3A_544, %parallel_loop3A_545] {strides = array<i32>} : memref<16x1024xf32, #tpu.memory_space<vmem>>, vector<1x16xf32>,
      %parallel_loop3A_547 = vector.shape_cast %parallel_loop3A_546 : vector<1x16xf32> to vector<16xf32>
      %parallel_loop3A_548 = vector.shape_cast %parallel_loop3A_543 : vector<16xf32> to vector<1x16xf32>
      tpu.vector_store %arg10[%parallel_loop3A_544, %parallel_loop3A_545], %parallel_loop3A_548 {add = true, strides = array<i32>} : memref<16x1024xf32, #tpu.memory_space<vmem>>, vector<1x16xf32>,
    } {sc.loop_unroll_factor = 8 : i64, sc.parallel_access}
    %add3A_478 = arith.constant 208 : i32
    %add3A_479 = arith.addi %mul3A_2, %add3A_478 : i32
    %dma_start3A_480 = arith.constant 0 : i32
    %dma_start3A_481 = tpu.memref_slice %arg5[%add3A_479, %dma_start3A_480] : memref<8192x1024xf32, #tpu.memory_space<hbm>> -> memref<16x1024xf32, #tpu.memory_space<hbm>>
    %dma_start3A_482 = arith.constant 0 : i32
    %dma_start3A_483 = tpu.memref_slice %arg5[%add3A_479, %dma_start3A_482] : memref<8192x1024xf32, #tpu.memory_space<hbm>> -> memref<16x1024xf32, #tpu.memory_space<hbm>>
    tpu.enqueue_dma source(%arg10 : memref<16x1024xf32, #tpu.memory_space<vmem>>) target(%dma_start3A_483 : memref<16x1024xf32, #tpu.memory_space<hbm>>) target_semaphore(%arg20 : memref<!tpu.dma_semaphore, #tpu.memory_space<semaphore_mem>>)
    %dma_wait3A_484 = arith.constant 0 : i32
    %dma_wait3A_485 = tpu.memref_slice %arg2[%add3A_423, %dma_wait3A_484] : memref<8192x1024xf32, #tpu.memory_space<hbm>> -> memref<16x1024xf32, #tpu.memory_space<hbm>>
    %dma_wait3A_486 = arith.constant 0 : i32
    %dma_wait3A_487 = tpu.memref_slice %arg2[%add3A_423, %dma_wait3A_486] : memref<8192x1024xf32, #tpu.memory_space<hbm>> -> memref<16x1024xf32, #tpu.memory_space<hbm>>
    tpu.wait_dma2 semaphore(%arg15 : memref<!tpu.dma_semaphore, #tpu.memory_space<semaphore_mem>>) src(%dma_wait3A_487 : memref<16x1024xf32, #tpu.memory_space<hbm>>) dst(%arg8 : memref<16x1024xf32, #tpu.memory_space<vmem>>)
    %dma_wait3A_488 = arith.constant 224 : i32
    %dma_wait3A_489 = tpu.memref_slice %arg12[%dma_wait3A_488] : memref<256xi32, #tpu.memory_space<vmem>> -> memref<16xi32, #tpu.memory_space<vmem>>
    %dma_wait3A_490 = arith.constant 0 : i32
    %dma_wait3A_491 = arith.constant 0 : i32
    %dma_wait3A_492 = tpu.memref_slice %arg3[%dma_wait3A_490, %dma_wait3A_491] : memref<8192x1024xf32, #tpu.memory_space<hbm>> -> memref<8192x1024xf32, #tpu.memory_space<hbm>>
    tpu.wait_indirect_dma semaphore(%arg18 : memref<!tpu.dma_semaphore, #tpu.memory_space<semaphore_mem>>) src(%dma_wait3A_492 : memref<8192x1024xf32, #tpu.memory_space<hbm>>) dst(%arg11 : memref<16x1024xf32, #tpu.memory_space<vmem>>)
    %parallel_loop3A_493 = arith.constant 0 : i32
    %parallel_loop3A_494 = arith.constant 1024 : i32
    %parallel_loop3A_495 = arith.constant 1 : i32
    scf.for %parallel_loop3A_532 = %parallel_loop3A_493 to %parallel_loop3A_494 step %parallel_loop3A_495  : i32 {
      %parallel_loop3A_533 = arith.constant 6 : i32
      %parallel_loop3A_534 = arith.shrui %parallel_loop3A_532, %parallel_loop3A_533 : i32
      %parallel_loop3A_535 = arith.constant 63 : i32
      %parallel_loop3A_536 = arith.andi %parallel_loop3A_532, %parallel_loop3A_535 : i32
      %parallel_loop3A_537 = arith.constant 4 : i32
      %parallel_loop3A_538 = arith.shli %parallel_loop3A_536, %parallel_loop3A_537 : i32
      %parallel_loop3A_539 = tpu.assume_multiple %parallel_loop3A_538, 16 : i32
      %parallel_loop3A_540 = arith.index_cast %parallel_loop3A_534 : i32 to index
      %parallel_loop3A_541 = arith.index_cast %parallel_loop3A_539 : i32 to index
      %parallel_loop3A_542 = tpu.vector_load %arg8[%parallel_loop3A_540, %parallel_loop3A_541] {strides = array<i32>} : memref<16x1024xf32, #tpu.memory_space<vmem>>, vector<1x16xf32>,
      %parallel_loop3A_543 = vector.shape_cast %parallel_loop3A_542 : vector<1x16xf32> to vector<16xf32>
      %parallel_loop3A_544 = arith.index_cast %parallel_loop3A_534 : i32 to index
      %parallel_loop3A_545 = arith.index_cast %parallel_loop3A_539 : i32 to index
      %parallel_loop3A_546 = tpu.vector_load %arg11[%parallel_loop3A_544, %parallel_loop3A_545] {strides = array<i32>} : memref<16x1024xf32, #tpu.memory_space<vmem>>, vector<1x16xf32>,
      %parallel_loop3A_547 = vector.shape_cast %parallel_loop3A_546 : vector<1x16xf32> to vector<16xf32>
      %parallel_loop3A_548 = vector.shape_cast %parallel_loop3A_543 : vector<16xf32> to vector<1x16xf32>
      tpu.vector_store %arg11[%parallel_loop3A_544, %parallel_loop3A_545], %parallel_loop3A_548 {add = true, strides = array<i32>} : memref<16x1024xf32, #tpu.memory_space<vmem>>, vector<1x16xf32>,
    } {sc.loop_unroll_factor = 8 : i64, sc.parallel_access}
    %add3A_496 = arith.constant 224 : i32
    %add3A_497 = arith.addi %mul3A_2, %add3A_496 : i32
    %dma_start3A_498 = arith.constant 0 : i32
    %dma_start3A_499 = tpu.memref_slice %arg5[%add3A_497, %dma_start3A_498] : memref<8192x1024xf32, #tpu.memory_space<hbm>> -> memref<16x1024xf32, #tpu.memory_space<hbm>>
    %dma_start3A_500 = arith.constant 0 : i32
    %dma_start3A_501 = tpu.memref_slice %arg5[%add3A_497, %dma_start3A_500] : memref<8192x1024xf32, #tpu.memory_space<hbm>> -> memref<16x1024xf32, #tpu.memory_space<hbm>>
    tpu.enqueue_dma source(%arg11 : memref<16x1024xf32, #tpu.memory_space<vmem>>) target(%dma_start3A_501 : memref<16x1024xf32, #tpu.memory_space<hbm>>) target_semaphore(%arg21 : memref<!tpu.dma_semaphore, #tpu.memory_space<semaphore_mem>>)
    %dma_wait3A_502 = arith.constant 0 : i32
    %dma_wait3A_503 = tpu.memref_slice %arg2[%add3A_456, %dma_wait3A_502] : memref<8192x1024xf32, #tpu.memory_space<hbm>> -> memref<16x1024xf32, #tpu.memory_space<hbm>>
    %dma_wait3A_504 = arith.constant 0 : i32
    %dma_wait3A_505 = tpu.memref_slice %arg2[%add3A_456, %dma_wait3A_504] : memref<8192x1024xf32, #tpu.memory_space<hbm>> -> memref<16x1024xf32, #tpu.memory_space<hbm>>
    tpu.wait_dma2 semaphore(%arg13 : memref<!tpu.dma_semaphore, #tpu.memory_space<semaphore_mem>>) src(%dma_wait3A_505 : memref<16x1024xf32, #tpu.memory_space<hbm>>) dst(%arg6 : memref<16x1024xf32, #tpu.memory_space<vmem>>)
    %dma_wait3A_506 = arith.constant 240 : i32
    %dma_wait3A_507 = tpu.memref_slice %arg12[%dma_wait3A_506] : memref<256xi32, #tpu.memory_space<vmem>> -> memref<16xi32, #tpu.memory_space<vmem>>
    %dma_wait3A_508 = arith.constant 0 : i32
    %dma_wait3A_509 = arith.constant 0 : i32
    %dma_wait3A_510 = tpu.memref_slice %arg3[%dma_wait3A_508, %dma_wait3A_509] : memref<8192x1024xf32, #tpu.memory_space<hbm>> -> memref<8192x1024xf32, #tpu.memory_space<hbm>>
    tpu.wait_indirect_dma semaphore(%arg16 : memref<!tpu.dma_semaphore, #tpu.memory_space<semaphore_mem>>) src(%dma_wait3A_510 : memref<8192x1024xf32, #tpu.memory_space<hbm>>) dst(%arg9 : memref<16x1024xf32, #tpu.memory_space<vmem>>)
    %parallel_loop3A_511 = arith.constant 0 : i32
    %parallel_loop3A_512 = arith.constant 1024 : i32
    %parallel_loop3A_513 = arith.constant 1 : i32
    scf.for %parallel_loop3A_532 = %parallel_loop3A_511 to %parallel_loop3A_512 step %parallel_loop3A_513  : i32 {
      %parallel_loop3A_533 = arith.constant 6 : i32
      %parallel_loop3A_534 = arith.shrui %parallel_loop3A_532, %parallel_loop3A_533 : i32
      %parallel_loop3A_535 = arith.constant 63 : i32
      %parallel_loop3A_536 = arith.andi %parallel_loop3A_532, %parallel_loop3A_535 : i32
      %parallel_loop3A_537 = arith.constant 4 : i32
      %parallel_loop3A_538 = arith.shli %parallel_loop3A_536, %parallel_loop3A_537 : i32
      %parallel_loop3A_539 = tpu.assume_multiple %parallel_loop3A_538, 16 : i32
      %parallel_loop3A_540 = arith.index_cast %parallel_loop3A_534 : i32 to index
      %parallel_loop3A_541 = arith.index_cast %parallel_loop3A_539 : i32 to index
      %parallel_loop3A_542 = tpu.vector_load %arg6[%parallel_loop3A_540, %parallel_loop3A_541] {strides = array<i32>} : memref<16x1024xf32, #tpu.memory_space<vmem>>, vector<1x16xf32>,
      %parallel_loop3A_543 = vector.shape_cast %parallel_loop3A_542 : vector<1x16xf32> to vector<16xf32>
      %parallel_loop3A_544 = arith.index_cast %parallel_loop3A_534 : i32 to index
      %parallel_loop3A_545 = arith.index_cast %parallel_loop3A_539 : i32 to index
      %parallel_loop3A_546 = tpu.vector_load %arg9[%parallel_loop3A_544, %parallel_loop3A_545] {strides = array<i32>} : memref<16x1024xf32, #tpu.memory_space<vmem>>, vector<1x16xf32>,
      %parallel_loop3A_547 = vector.shape_cast %parallel_loop3A_546 : vector<1x16xf32> to vector<16xf32>
      %parallel_loop3A_548 = vector.shape_cast %parallel_loop3A_543 : vector<16xf32> to vector<1x16xf32>
      tpu.vector_store %arg9[%parallel_loop3A_544, %parallel_loop3A_545], %parallel_loop3A_548 {add = true, strides = array<i32>} : memref<16x1024xf32, #tpu.memory_space<vmem>>, vector<1x16xf32>,
    } {sc.loop_unroll_factor = 8 : i64, sc.parallel_access}
    %add3A_514 = arith.constant 240 : i32
    %add3A_515 = arith.addi %mul3A_2, %add3A_514 : i32
    %dma_start3A_516 = arith.constant 0 : i32
    %dma_start3A_517 = tpu.memref_slice %arg5[%add3A_515, %dma_start3A_516] : memref<8192x1024xf32, #tpu.memory_space<hbm>> -> memref<16x1024xf32, #tpu.memory_space<hbm>>
    %dma_start3A_518 = arith.constant 0 : i32
    %dma_start3A_519 = tpu.memref_slice %arg5[%add3A_515, %dma_start3A_518] : memref<8192x1024xf32, #tpu.memory_space<hbm>> -> memref<16x1024xf32, #tpu.memory_space<hbm>>
    tpu.enqueue_dma source(%arg9 : memref<16x1024xf32, #tpu.memory_space<vmem>>) target(%dma_start3A_519 : memref<16x1024xf32, #tpu.memory_space<hbm>>) target_semaphore(%arg19 : memref<!tpu.dma_semaphore, #tpu.memory_space<semaphore_mem>>)
    %dma_wait3A_520 = arith.constant 0 : i32
    %dma_wait3A_521 = tpu.memref_slice %arg5[%add3A_479, %dma_wait3A_520] : memref<8192x1024xf32, #tpu.memory_space<hbm>> -> memref<16x1024xf32, #tpu.memory_space<hbm>>
    %dma_wait3A_522 = arith.constant 0 : i32
    %dma_wait3A_523 = tpu.memref_slice %arg5[%add3A_479, %dma_wait3A_522] : memref<8192x1024xf32, #tpu.memory_space<hbm>> -> memref<16x1024xf32, #tpu.memory_space<hbm>>
    tpu.wait_dma2 semaphore(%arg20 : memref<!tpu.dma_semaphore, #tpu.memory_space<semaphore_mem>>) src(%arg10 : memref<16x1024xf32, #tpu.memory_space<vmem>>) dst(%dma_wait3A_523 : memref<16x1024xf32, #tpu.memory_space<hbm>>)
    %dma_wait3A_524 = arith.constant 0 : i32
    %dma_wait3A_525 = tpu.memref_slice %arg5[%add3A_497, %dma_wait3A_524] : memref<8192x1024xf32, #tpu.memory_space<hbm>> -> memref<16x1024xf32, #tpu.memory_space<hbm>>
    %dma_wait3A_526 = arith.constant 0 : i32
    %dma_wait3A_527 = tpu.memref_slice %arg5[%add3A_497, %dma_wait3A_526] : memref<8192x1024xf32, #tpu.memory_space<hbm>> -> memref<16x1024xf32, #tpu.memory_space<hbm>>
    tpu.wait_dma2 semaphore(%arg21 : memref<!tpu.dma_semaphore, #tpu.memory_space<semaphore_mem>>) src(%arg11 : memref<16x1024xf32, #tpu.memory_space<vmem>>) dst(%dma_wait3A_527 : memref<16x1024xf32, #tpu.memory_space<hbm>>)
    %dma_wait3A_528 = arith.constant 0 : i32
    %dma_wait3A_529 = tpu.memref_slice %arg5[%add3A_515, %dma_wait3A_528] : memref<8192x1024xf32, #tpu.memory_space<hbm>> -> memref<16x1024xf32, #tpu.memory_space<hbm>>
    %dma_wait3A_530 = arith.constant 0 : i32
    %dma_wait3A_531 = tpu.memref_slice %arg5[%add3A_515, %dma_wait3A_530] : memref<8192x1024xf32, #tpu.memory_space<hbm>> -> memref<16x1024xf32, #tpu.memory_space<hbm>>
    tpu.wait_dma2 semaphore(%arg19 : memref<!tpu.dma_semaphore, #tpu.memory_space<semaphore_mem>>) src(%arg9 : memref<16x1024xf32, #tpu.memory_space<vmem>>) dst(%dma_wait3A_531 : memref<16x1024xf32, #tpu.memory_space<hbm>>)
    return
  }
}

</mosaic_0001>

<sc_bundles>
// kernel: kernel.3.cloned.1.call-start
scs
__scs_entry_jumppad:
0x0: {  	(pc) =	sbr.rel $0x88, $3  }
0x1: {  	(tag) =	ssettag $0x0;
	lr =	simm.s32 $0x1  }
0x2: {  	[smem:$0x3F9E] =	sst lr;
	_ =	strace $0xD0000000  }
0x3: {  	_ = 	snop  }
0x4: {  	_ = 	snop  }
0x5: {  	_ = 	snop  }
0x6: {  	_ = 	snop  }
0x7: {  	_ = 	snop  }
__scs_overlays_trampoline_lowered:
0x8: {  	[smem:$0x3FAD] =	sst s0  }
0x9: {  	[smem:$0x3FAE] =	sst s1  }
0xa: {  	[smem:$0x3FAF] =	sst s2  }
0xb: {  	[smem:$0x3FB0] =	sst s3  }
0xc: {  	[smem:$0x3FB1] =	sst s4  }
0xd: {  	[smem:$0x3FB2] =	sst s5  }
0xe: {  	[smem:$0x3FB3] =	sst s6  }
0xf: {  	[smem:$0x3FB4] =	sst s7  }
0x10: {  	[smem:$0x3FB5] =	sst s8  }
0x11: {  	[smem:$0x3FB6] =	sst s9;
	s0 =	simm.s32 @!p0 $0x0  }
0x12: {  	s1 =	sld [smem:$0x3F9C];
	s0 =	simm.s32 @p0 $0x1  }
0x13: {  	[smem:$0x3FB7] =	sst s0;
	s0 =	simm.s32 @!p1 $0x0  }
0x14: {  	s2 =	sld [smem:$0x3F9B];
	s0 =	simm.s32 @p1 $0x1  }
0x15: {  	[smem:$0x3FB8] =	sst s0;
	s0 =	simm.s32 @!p2 $0x0  }
0x16: {  	s3 =	sld [smem:$0x3FDB];
	s0 =	simm.s32 @p2 $0x1  }
0x17: {  	s4 =	simm.s32 $0x1BF5;
	[smem:$0x3FBA] =	sst s0  }
0x18: {  	s0 =	sld [smem:$0x3F9D];
	_ =	swait.ge [sflag:s4], $0x0  }
0x19: {  	s7 =	sld [smem:$0x3F9E]  }
0x1a: {  	s8 =	sadd.s32 $0xFFFFE003, lr  }
0x1b: {  	s9 =	sadd.s32 $0xFFFFFEF7, lr;
	s5 =	simm.s32 $0xFFFFFFFF;
	p2 =	slt.u32 s8, $0xFFFFF086  }
0x1c: {  	p1 =	slt.u32 s9, $0xF7A;
	s5 =	simm.s32 @!p2 $0x0  }
0x1d: {  	s5 =	simm.s32 @p1 $0x1;
	p0 =	seq.s32 s7, s2  }
0x1e: {  	s7 =	smul.u32 @!p0 $0xF7A, s2;
	p2 =	seq.s32 @!p0 s5, $0x0  }
0x1f: {  	s9 =	smul.u32 $0xF7A, s1;
	s8 =	simm.s32 @!p0 $0x1BF5;
	p2 =	por !p2, p0  }
0x20: {  	[sflag:s8] =	ssyncset.s32 @!p0 $0xFFFFF086;
	s6 =	sadd.s32 @!p0 s3, s7;
	s7 =	simm.s32 @!p0 $0x108  }
0x21: {  	s3 =	sadd.s32 s3, s9;
	s6 =	sadd.s32 @!p0 $0x88, s6;
	s7 =	simm.s32 @p2 $0x1082  }
0x22: {  	[simem:s7], [sflag:s8] =	dma.local @!p0 [hbm:s6], $0xF7A  }
0x23: {  	s9 =	sor.u32 $0xD0000000, s2;
	s6 =	simm.s32 $0x108;
	_ =	swait.ge @!p0 [sflag:s8], $0x0  }
0x24: {  	s3 =	sadd.s32 $0x88, s3;
	s6 =	simm.s32 @!p1 $0x1082;
	[sflag:s4] =	ssyncset.s32 $0xFFFFF086  }
0x25: {  	[simem:s6], [sflag:s4] =	dma.local [hbm:s3], $0xF7A  }
0x26: {  	[smem:$0x3F9E] =	sst s1;
	(tag) =	ssettag s2;
	_ =	strace s9  }
0x27: {  	s1 =	sld [smem:$0x3FAE]  }
0x28: {  	s2 =	sld [smem:$0x3FAF]  }
0x29: {  	s4 =	sld [smem:$0x3FB1]  }
0x2a: {  	p0 =	seq.s32 s5, $0x0;
	s5 =	sld [smem:$0x3FB2]  }
0x2b: {  	s6 =	sld [smem:$0x3FB3]  }
0x2c: {  	s7 =	sld [smem:$0x3FB4]  }
0x2d: {  	s3 =	simm.s32 $0x108;
	s8 =	sld [smem:$0x3FB5]  }
0x2e: {  	s3 =	simm.s32 @!p0 $0x1082;
	s9 =	sld [smem:$0x3FB6]  }
0x2f: {  	lr =	sadd.s32 s0, s3;
	s0 =	sld [smem:$0x3FAD]  }
0x30: {  	s3 =	sld [smem:$0x3FB0]  }
0x31: {  	[smem:$0x3FB9] =	sst s10  }
0x32: {  	s10 =	sld [smem:$0x3FB7];
	_ =	sdelay $0x3  }
0x33: {  	p0 =	seq.s32 s10, $0x1;
	s10 =	sld [smem:$0x3FB9];
	_ =	sdelay $0x3  }
0x34: {  	[smem:$0x3FB9] =	sst s10  }
0x35: {  	s10 =	sld [smem:$0x3FB8];
	_ =	sdelay $0x3  }
0x36: {  	p1 =	seq.s32 s10, $0x1;
	s10 =	sld [smem:$0x3FB9];
	_ =	sdelay $0x3  }
0x37: {  	[smem:$0x3FB9] =	sst s10  }
0x38: {  	s10 =	sld [smem:$0x3FBA]  }
0x39: {  	_ = 	snop;
	(pc) =	sbr.ind lr, $3  }
0x3a: {  	_ = 	snop  }
0x3b: {  	_ = 	snop  }
0x3c: {  	p2 =	seq.s32 s10, $0x1;
	s10 =	sld [smem:$0x3FB9]  }
0x3d: {  	_ =	shalt  }
0x3e: {  	_ =	shalt  }
0x3f: {  	_ =	shalt  }
0x40: {  	_ =	shalt  }
0x41: {  	_ =	shalt  }
0x42: {  	_ =	shalt  }
0x43: {  	_ =	shalt  }
0x44: {  	_ =	shalt  }
0x45: {  	_ =	shalt  }
0x46: {  	_ =	shalt  }
0x47: {  	_ =	shalt  }
0x48: {  	_ =	shalt  }
0x49: {  	_ =	shalt  }
0x4a: {  	_ =	shalt  }
0x4b: {  	_ =	shalt  }
0x4c: {  	_ =	shalt  }
0x4d: {  	_ =	shalt  }
0x4e: {  	_ =	shalt  }
0x4f: {  	_ =	shalt  }
0x50: {  	_ =	shalt  }
0x51: {  	_ =	shalt  }
0x52: {  	_ =	shalt  }
0x53: {  	_ =	shalt  }
0x54: {  	_ =	shalt  }
0x55: {  	_ =	shalt  }
0x56: {  	_ =	shalt  }
0x57: {  	_ =	shalt  }
0x58: {  	_ =	shalt  }
0x59: {  	_ =	shalt  }
0x5a: {  	_ =	shalt  }
0x5b: {  	_ =	shalt  }
0x5c: {  	_ =	shalt  }
0x5d: {  	_ =	shalt  }
0x5e: {  	_ =	shalt  }
0x5f: {  	_ =	shalt  }
0x60: {  	_ =	shalt  }
0x61: {  	_ =	shalt  }
0x62: {  	_ =	shalt  }
0x63: {  	_ =	shalt  }
0x64: {  	_ =	shalt  }
0x65: {  	_ =	shalt  }
0x66: {  	_ =	shalt  }
0x67: {  	_ =	shalt  }
0x68: {  	_ =	shalt  }
0x69: {  	_ =	shalt  }
0x6a: {  	_ =	shalt  }
0x6b: {  	_ =	shalt  }
0x6c: {  	_ =	shalt  }
0x6d: {  	_ =	shalt  }
0x6e: {  	_ =	shalt  }
0x6f: {  	_ =	shalt  }
0x70: {  	_ =	shalt  }
0x71: {  	_ =	shalt  }
0x72: {  	_ =	shalt  }
0x73: {  	_ =	shalt  }
0x74: {  	_ =	shalt  }
0x75: {  	_ =	shalt  }
0x76: {  	_ =	shalt  }
0x77: {  	_ =	shalt  }
0x78: {  	_ =	shalt  }
0x79: {  	_ =	shalt  }
0x7a: {  	_ =	shalt  }
0x7b: {  	_ =	shalt  }
0x7c: {  	_ =	shalt  }
0x7d: {  	_ =	shalt  }
0x7e: {  	_ =	shalt  }
0x7f: {  	_ =	shalt  }
0x80: {  	_ =	shalt  }
0x81: {  	_ =	shalt  }
0x82: {  	_ =	shalt  }
0x83: {  	_ =	shalt  }
0x84: {  	_ =	shalt  }
0x85: {  	_ =	shalt  }
0x86: {  	_ =	shalt  }
0x87: {  	_ =	shalt  }
.Lfunc_end0:
.L_simem_size_0:
called_computation_lowered:
.L_overlay_start_0:
0x88: {  	s2 =	sld [smem:$0x3FD9]  }
0x89: {  	s3 =	sld [smem:$0x3FFE];
	_ =	sdelay $0x1  }
0x8a: {  	s1 =	srdreg.scid  }
0x8b: {  	s0 =	sand.u32 $0x1, s1  }
0x8c: {  	s18 =	sshll.u32 s0, $0xA;
	s2 =	sadd.s32 s3, s2  }
0x8d: {  	s2 =	sadd.s32 s2, s18  }
0x8e: {  	[smem:$0x3FC5] =	sst s2  }
0x8f: {  	_ = 	snop  }
0x90: {  	s2 =	sld [smem:$0x3FC9]  }
0x91: {  	s19 =	sld [smem:$0x3FC8]  }
0x92: {  	s4 =	sld [smem:$0x3FC7]  }
0x93: {  	s5 =	sld [smem:$0x3FD0];
	(tm) =	ssettm $0x1  }
0x94: {  	s6 =	sld [smem:$0x3FFB];
	_ =	sdelay $0x3  }
0x95: {  	_ =	strace s6  }
0x96: {  	s6 =	sld [smem:$0x3FFC];
	_ =	sdelay $0x3  }
0x97: {  	_ =	strace s6  }
0x98: {  	s6 =	sld [smem:$0x3FFD];
	_ =	sdelay $0x3  }
0x99: {  	_ =	strace s6  }
0x9a: {  	_ =	strace $0x8FFFFFFF  }
0x9b: {  	s20 =	sld [smem:$0x3FDB];
	_ =	sdelay $0x1  }
0x9c: {  	s7 =	simm.s32 $_scs_section_size  }
0x9d: {  	s8 =	simm.s32 $_size__tile_overlayer_lowered;
	s9 =	simm.s32 $_tile_overlayer_lowered  }
0x9e: {  	s23 =	simm.s32 $0x1BFF;
	s22 =	sshll.u32 s9, $0x1;
	s6 =	sadd.s32 s7, s20  }
0x9f: {  	s10 =	simm.s32 $0x0;
	s21 =	sshll.u32 s8, $0x1;
	s8 =	sadd.s32 s22, s6  }
0xa0: {  	[timem:s10], [sflag:s23] =	dma.local [hbm:s8], s21  }
0xa1: {  	_ =	swait.ge [sflag:s23], s21  }
0xa2: {  	s7 =	ssub.s32 $0x0, s21;
	[sflag:s23] =	ssyncset.done $0x0  }
0xa3: {  	[sflag:s23] =	ssyncadd.s32 s7;
	_ =	sdelay $0x1  }
0xa4: {  	s24 =	simm.s32 $0x1B8B  }
0xa5: {  	_ =	swait.ge [sflag:s24], $0x1  }
0xa6: {  	[sflag:s24] =	ssyncset.done $0x0  }
0xa7: {  	s25 =	simm.s32 $0x1B8E;
	[sflag:s24] =	ssyncadd.s32 $0xFFFFFFFF  }
0xa8: {  	s26 =	simm.s32 $execute0_lowered;
	[smem:$0x3FD2] =	sst s25  }
0xa9: {  	s7 =	sshll.u32 s26, $0x1;
	_ =	strace $0x80000046;
	[dreg:$0x1] =	wrdreg $0xFFFFFFFF  }
0xaa: {  	s28 =	simm.s32 $_size_execute0_lowered;
	s6 =	sadd.s32 s6, s7;
	[dreg:$0x0] =	wrdreg $0x0  }
0xab: {  	s7 =	sshll.u32 s28, $0x1;
	[dreg:$0x2] =	wrdreg s6  }
0xac: {  	[dreg:$0x3] =	wrdreg s7  }
0xad: {  	[dreg:$0x4] =	wrdreg $0xC0  }
0xae: {  	_ =	task [dreg:s10], $0x5FFFF  }
0xaf: {  	[dreg:$0x1] =	wrdreg $0xFFFFFFFF  }
0xb0: {  	[dreg:$0x0] =	wrdreg $0x60  }
0xb1: {  	[dreg:$0x2] =	wrdreg s2  }
0xb2: {  	[dreg:$0x3] =	wrdreg s19  }
0xb3: {  	[dreg:$0x4] =	wrdreg s4  }
0xb4: {  	[dreg:$0x5] =	wrdreg s5  }
0xb5: {  	[dreg:$0x6] =	wrdreg $0x9  }
0xb6: {  	_ =	task.clear_ibuf [dreg:s10], $0x7FFFF;
	_ =	strace $0x90000046  }
0xb7: {  	s29 =	simm.s32 $0x9;
	_ =	strace $0x80000048  }
0xb8: {  	_ =	swait.ge [sflag:s29], $0x1  }
0xb9: {  	[sflag:s29] =	ssyncadd.s32 $0xFFFFFFFF  }
0xba: {  	_ =	strace $0x90000048  }
0xbb: {  	_ =	sfence  }
0xbc: {  	s30 =	sld [smem:$0x0];
	_ =	sdelay $0x2  }
0xbd: {  	s31 =	sshll.u32 s1, $0xD;
	s1 =	sshrl.u32 s1, $0x2  }
0xbe: {  	s3 =	sand.u32 $0x4000, s31;
	s1 =	sadd.s32 s1, s30  }
0xbf: {  	s0 =	sor.u32 s3, s0;
	s1 =	sshll.u32 s1, $0x11  }
0xc0: {  	s0 =	sor.u32 s1, s0  }
0xc1: {  	s0 =	sadd.s32 $0x8F2B, s0  }
0xc2: {  	[sflag:s0] =	ssyncadd.remote.s32 $0x1  }
0xc3: {  	_ =	sfence.sel $0xFFFF  }
0xc4: {  	[dreg:$0x0] =	wrdreg $0xFFFFFFFF;
	(pc) =	sbr.abs _section_cstart, $3  }
0xc5: {  	[dreg:$0x1] =	wrdreg $0xFFFFFFFF  }
0xc6: {  	_ =	task.clear_ibuf [dreg:s10], $0x2FFFF;
	_ =	strace $0x9FFFFFFF  }
0xc7: {  	(tm) =	ssettm $0x7FFFFFFF  }
tec
execute0_lowered:
.L_overlay_start_1:
0x0: {  	(tag) =	ssettag $0x1  }
0x1: {  	s2 =	rddreg [dreg:$0x0];
	s4 =	srdreg.scid  }
0x2: {  	s3 =	rddreg [dreg:$0x2];
	s6 =	stileid.u32;
	s4 =	sand.u32 $0x1, s4  }
0x3: {  	s6 =	sshll.u32 s6, $0x9;
	s5 =	ssub.s32 $0x2, s4;
	s4 =	sshll.u32 s4, $0x8  }
0x4: {  	s0 =	rddreg [dreg:$0x3];
	s1 =	simm.s32 $0x0;
	s4 =	sor.u32 s4, s6  }
0x5: {  	s31 =	rddreg [dreg:$0x1];
	s6 =	sshrl.u32 s4, $0x3;
	s4 =	sshll.u32 s4, $0x7  }
0x6: {  	[smem:$0x7FF] =	sst s1;
	s3 =	sadd.s32 s3, s6;
	s11 =	sor.u32 $0x800, s4  }
0x7: {  	s12 =	sor.u32 $0x1000, s4;
	[dreg:$0x5] =	wrdreg s3;
	s13 =	sadd.s32 s2, s11  }
0x8: {  	s15 =	sor.u32 $0x1800, s4;
	s14 =	sadd.s32 s2, s12;
	[dreg:$0x6] =	wrdreg s13  }
0x9: {  	s8 =	sadd.s32 s2, s15;
	[dreg:$0x7] =	wrdreg s14  }
0xa: {  	s16 =	sor.u32 $0x2000, s4;
	s3 =	sadd.s32 s0, s11;
	[dreg:$0x8] =	wrdreg s8  }
0xb: {  	s7 =	sshrl.u32 s5, $0x1;
	s17 =	sadd.s32 s2, s16;
	[dreg:$0x9] =	wrdreg s3  }
0xc: {  	s18 =	sor.u32 $0x2800, s4;
	s6 =	sadd.s32 s0, s12;
	[dreg:$0xa] =	wrdreg s17  }
0xd: {  	s5 =	ssub.s32 s5, s7;
	s19 =	sadd.s32 s2, s18;
	[dreg:$0xb] =	wrdreg s6  }
0xe: {  	s20 =	sor.u32 $0x3000, s4;
	s7 =	sadd.s32 s0, s15;
	[dreg:$0xc] =	wrdreg s19  }
0xf: {  	s22 =	sor.u32 $0x3800, s4;
	s21 =	sadd.s32 s2, s20;
	[dreg:$0xd] =	wrdreg s7  }
0x10: {  	s24 =	sor.u32 $0x4000, s4;
	s23 =	sadd.s32 s2, s22;
	[dreg:$0xe] =	wrdreg s21  }
0x11: {  	s26 =	sor.u32 $0x4800, s4;
	s25 =	sadd.s32 s2, s24;
	[dreg:$0x10] =	wrdreg s23  }
0x12: {  	s9 =	sadd.s32 s2, s26;
	[dreg:$0x12] =	wrdreg s25  }
0x13: {  	s10 =	sor.u32 $0x5000, s4;
	s11 =	sadd.s32 s0, s26;
	[dreg:$0x14] =	wrdreg s9  }
0x14: {  	s30 =	simm.s32 $0x14000;
	s12 =	sadd.s32 s2, s10;
	[dreg:$0x17] =	wrdreg s11  }
0x15: {  	s28 =	simm.s32 $0x6;
	s3 =	sadd.s32 s0, s16;
	[dreg:$0x18] =	wrdreg s12  }
0x16: {  	s29 =	simm.s32 $0x9;
	s6 =	sadd.s32 s0, s18;
	[dreg:$0xf] =	wrdreg s3  }
0x17: {  	s26 =	smax.u32 s5, $0x1;
	s7 =	sadd.s32 s0, s20;
	[dreg:$0x11] =	wrdreg s6  }
0x18: {  	s13 =	sor.u32 $0x5800, s4;
	s18 =	sadd.s32 s2, s4;
	[dreg:$0x13] =	wrdreg s7  }
0x19: {  	s14 =	sor.u32 $0x6000, s4;
	s19 =	sadd.s32 s0, s4;
	[dreg:$0x1e] =	wrdreg s18  }
0x1a: {  	s20 =	sor.u32 $0x6800, s4;
	s3 =	sadd.s32 s0, s22;
	[dreg:$0x1f] =	wrdreg s19  }
0x1b: {  	s21 =	sor.u32 $0x7000, s4;
	s6 =	sadd.s32 s0, s24;
	[dreg:$0x15] =	wrdreg s3  }
0x1c: {  	s4 =	sor.u32 $0x7800, s4;
	s15 =	sadd.s32 s2, s13;
	[dreg:$0x16] =	wrdreg s6  }
0x1d: {  	s8 =	sadd.s32 $0x200, s31;
	s16 =	sadd.s32 s2, s14;
	[dreg:$0x1a] =	wrdreg s15  }
0x1e: {  	s9 =	sadd.s32 $0x300, s31;
	s17 =	sadd.s32 s0, s14;
	[dreg:$0x1c] =	wrdreg s16  }
0x1f: {  	s12 =	simm.s32 $0xC000;
	s22 =	sadd.s32 s2, s20;
	[dreg:$0x1d] =	wrdreg s17  }
0x20: {  	s23 =	sadd.s32 s2, s21;
	s2 =	sadd.s32 s2, s4;
	[smem:$0x7F7] =	sst s22  }
0x21: {  	s24 =	sadd.s32 s0, s20;
	s25 =	sadd.s32 s0, s21;
	[smem:$0x7F8] =	sst s23  }
0x22: {  	s7 =	sadd.s32 $0x100, s31;
	s20 =	simm.s32 $0x10000;
	[smem:$0x7F9] =	sst s2  }
0x23: {  	s21 =	simm.s32 $0x4;
	s3 =	sadd.s32 s0, s10;
	[smem:$0x7FA] =	sst s24  }
0x24: {  	[smem:$0x7FB] =	sst s25;
	s10 =	simm.s32 $0x1;
	s22 =	simm.s32 $0x7  }
0x25: {  	s23 =	simm.s32 $0x2;
	[dreg:$0x19] =	wrdreg s3;
	s3 =	sadd.s32 s0, s13  }
0x26: {  	v2 =	vlaneseq.u32;
	s24 =	simm.s32 $0x5;
	s0 =	sadd.s32 s0, s4;
	[dreg:$0x1b] =	wrdreg s3  }
0x27: {  	vm0 =	vmmov $0xffff;
	v1 =	vshrl.u32 v2, $0x3;
	s25 =	simm.s32 $0x8;
	[smem:$0x7FC] =	sst s0;
	s0 =	simm.s32 $0x0  }
0x28: {  	v0 =	vand.u32 $0x7, v2;
	v2 =	vor.u32 $0x8, v2;
	v1 =	vmul.u32 $0x8, v1;
	_ =	strace $0x80000047;
	[smem:$0x7FD] =	sst s26;
	s26 =	simm.s32 $0x3  }
.LBB2_1:
0x29: {  	s2 =	rddreg [dreg:$0x5];
	s3 =	simm.s32 $0x18000  }
0x2a: {  	[tilespmem:s3], [sflag:$0xA] =	stream.linear.gather [hbm4b:s2+s1], $0x100, $0x38;
	[tilespmem:$0x18100] =	vst v63  }
0x2b: {  	s11 =	rddreg [dreg:$0x1e]  }
0x2c: {  	[tilespmem:s1], [sflag:$0x1] =	stream.linear.gather [hbm4b:s11+s1], $0x4000, $0x38;
	[tilespmem:$0x18100] =	vst v63  }
0x2d: {  	s13 =	rddreg [dreg:$0x6];
	s14 =	simm.s32 $0x4000;
	s15 =	simm.s32 $0xA  }
0x2e: {  	[tilespmem:s14], [sflag:$0x2] =	stream.linear.gather [hbm4b:s13+s1], $0x4000, $0x38;
	[tilespmem:$0x18100] =	vst v63  }
0x2f: {  	_ =	swait.ge [sflag:s15], $0x100  }
0x30: {  	[sflag:s15] =	ssyncset.done $0x0  }
0x31: {  	[sflag:s15] =	ssyncadd.s32 $0xFFFFFF00  }
0x32: {  	v3 =	vld [tilespmem:$0x18000];
	_ =	sdelay $0x4  }
0x33: {  	v4 =	vshll.u32 v3, $0x3  }
0x34: {  	v3 =	vand.u32 $0x7, v3;
	v4 =	vand.u32 $0xFFFFFFC0, v4  }
0x35: {  	v3 =	vor.u32 v3, v4  }
0x36: {  	v4 =	vperm.xlane v3, v0;
	_ =	sdelay $0x1  }
0x37: {  	v4 =	vadd.s32 v1, v4;
	_ =	sdelay $0x4  }
0x38: {  	[tilespmem:s12], [sflag:$0x4] =	stream.indirect_vreg.gather [hbm4b:s31+s1], $0x80, v4, vm0, $0xb8;
	[tilespmem:$0x18100] =	vst v63  }
0x39: {  	s16 =	simm.s32 $0xC800;
	v3 =	vperm.xlane v3, v2  }
0x3a: {  	[tilespmem:s16], [sflag:$0x4] =	stream.indirect_vreg.gather [hbm4b:s7+s1], $0x80, v4, vm0, $0xb8;
	[tilespmem:$0x18100] =	vst v63  }
0x3b: {  	s17 =	simm.s32 $0xD000;
	v3 =	vadd.s32 v1, v3  }
0x3c: {  	[tilespmem:s17], [sflag:$0x4] =	stream.indirect_vreg.gather [hbm4b:s8+s1], $0x80, v4, vm0, $0xb8;
	[tilespmem:$0x18100] =	vst v63  }
0x3d: {  	s18 =	simm.s32 $0xD800  }
0x3e: {  	[tilespmem:s18], [sflag:$0x4] =	stream.indirect_vreg.gather [hbm4b:s9+s1], $0x80, v4, vm0, $0xb8;
	[tilespmem:$0x18100] =	vst v63  }
0x3f: {  	s19 =	simm.s32 $0xE000  }
0x40: {  	[tilespmem:s19], [sflag:$0x4] =	stream.indirect_vreg.gather [hbm4b:s31+s1], $0x80, v3, vm0, $0xb8;
	[tilespmem:$0x18100] =	vst v63  }
0x41: {  	s3 =	simm.s32 $0xE800  }
0x42: {  	[tilespmem:s3], [sflag:$0x4] =	stream.indirect_vreg.gather [hbm4b:s7+s1], $0x80, v3, vm0, $0xb8;
	[tilespmem:$0x18100] =	vst v63  }
0x43: {  	s4 =	simm.s32 $0xF000  }
0x44: {  	[tilespmem:s4], [sflag:$0x4] =	stream.indirect_vreg.gather [hbm4b:s8+s1], $0x80, v3, vm0, $0xb8;
	[tilespmem:$0x18100] =	vst v63  }
0x45: {  	s5 =	simm.s32 $0xF800  }
0x46: {  	[tilespmem:s5], [sflag:$0x4] =	stream.indirect_vreg.gather [hbm4b:s9+s1], $0x80, v3, vm0, $0xb8;
	[tilespmem:$0x18100] =	vst v63  }
0x47: {  	v3 =	vld [tilespmem:$0x18010];
	_ =	sdelay $0x4  }
0x48: {  	v4 =	vshll.u32 v3, $0x3  }
0x49: {  	v3 =	vand.u32 $0x7, v3;
	v4 =	vand.u32 $0xFFFFFFC0, v4  }
0x4a: {  	v3 =	vor.u32 v3, v4  }
0x4b: {  	v4 =	vperm.xlane v3, v0;
	_ =	sdelay $0x1  }
0x4c: {  	v4 =	vadd.s32 v1, v4;
	_ =	sdelay $0x4  }
0x4d: {  	[tilespmem:s20], [sflag:$0x5] =	stream.indirect_vreg.gather [hbm4b:s31+s1], $0x80, v4, vm0, $0xb8;
	[tilespmem:$0x18100] =	vst v63  }
0x4e: {  	s6 =	simm.s32 $0x10800;
	v3 =	vperm.xlane v3, v2  }
0x4f: {  	[tilespmem:s6], [sflag:$0x5] =	stream.indirect_vreg.gather [hbm4b:s7+s1], $0x80, v4, vm0, $0xb8;
	[tilespmem:$0x18100] =	vst v63  }
0x50: {  	s11 =	simm.s32 $0x11000;
	v3 =	vadd.s32 v1, v3  }
0x51: {  	[tilespmem:s11], [sflag:$0x5] =	stream.indirect_vreg.gather [hbm4b:s8+s1], $0x80, v4, vm0, $0xb8;
	[tilespmem:$0x18100] =	vst v63  }
0x52: {  	s13 =	simm.s32 $0x11800  }
0x53: {  	[tilespmem:s13], [sflag:$0x5] =	stream.indirect_vreg.gather [hbm4b:s9+s1], $0x80, v4, vm0, $0xb8;
	[tilespmem:$0x18100] =	vst v63  }
0x54: {  	s14 =	simm.s32 $0x12000  }
0x55: {  	[tilespmem:s14], [sflag:$0x5] =	stream.indirect_vreg.gather [hbm4b:s31+s1], $0x80, v3, vm0, $0xb8;
	[tilespmem:$0x18100] =	vst v63  }
0x56: {  	s15 =	simm.s32 $0x12800  }
0x57: {  	[tilespmem:s15], [sflag:$0x5] =	stream.indirect_vreg.gather [hbm4b:s7+s1], $0x80, v3, vm0, $0xb8;
	[tilespmem:$0x18100] =	vst v63  }
0x58: {  	s16 =	simm.s32 $0x13000  }
0x59: {  	[tilespmem:s16], [sflag:$0x5] =	stream.indirect_vreg.gather [hbm4b:s8+s1], $0x80, v3, vm0, $0xb8;
	[tilespmem:$0x18100] =	vst v63  }
0x5a: {  	s17 =	simm.s32 $0x13800  }
0x5b: {  	[tilespmem:s17], [sflag:$0x5] =	stream.indirect_vreg.gather [hbm4b:s9+s1], $0x80, v3, vm0, $0xb8;
	[tilespmem:$0x18100] =	vst v63  }
0x5c: {  	s18 =	rddreg [dreg:$0x7];
	s19 =	simm.s32 $0x8000  }
0x5d: {  	[tilespmem:s19], [sflag:$0x3] =	stream.linear.gather [hbm4b:s18+s1], $0x4000, $0x38;
	[tilespmem:$0x18100] =	vst v63  }
0x5e: {  	v3 =	vld [tilespmem:$0x18020];
	_ =	sdelay $0x4  }
0x5f: {  	v4 =	vshll.u32 v3, $0x3  }
0x60: {  	v3 =	vand.u32 $0x7, v3;
	v4 =	vand.u32 $0xFFFFFFC0, v4  }
0x61: {  	v3 =	vor.u32 v3, v4  }
0x62: {  	v4 =	vperm.xlane v3, v0;
	_ =	sdelay $0x1  }
0x63: {  	v4 =	vadd.s32 v1, v4;
	_ =	sdelay $0x4  }
0x64: {  	[tilespmem:s30], [sflag:$0x6] =	stream.indirect_vreg.gather [hbm4b:s31+s1], $0x80, v4, vm0, $0xb8;
	[tilespmem:$0x18100] =	vst v63  }
0x65: {  	s4 =	simm.s32 $0x14800;
	v3 =	vperm.xlane v3, v2  }
0x66: {  	[tilespmem:s4], [sflag:$0x6] =	stream.indirect_vreg.gather [hbm4b:s7+s1], $0x80, v4, vm0, $0xb8;
	[tilespmem:$0x18100] =	vst v63  }
0x67: {  	s5 =	simm.s32 $0x15000;
	v3 =	vadd.s32 v1, v3  }
0x68: {  	[tilespmem:s5], [sflag:$0x6] =	stream.indirect_vreg.gather [hbm4b:s8+s1], $0x80, v4, vm0, $0xb8;
	[tilespmem:$0x18100] =	vst v63  }
0x69: {  	s6 =	simm.s32 $0x15800  }
0x6a: {  	[tilespmem:s6], [sflag:$0x6] =	stream.indirect_vreg.gather [hbm4b:s9+s1], $0x80, v4, vm0, $0xb8;
	[tilespmem:$0x18100] =	vst v63  }
0x6b: {  	s11 =	simm.s32 $0x16000  }
0x6c: {  	[tilespmem:s11], [sflag:$0x6] =	stream.indirect_vreg.gather [hbm4b:s31+s1], $0x80, v3, vm0, $0xb8;
	[tilespmem:$0x18100] =	vst v63  }
0x6d: {  	s13 =	simm.s32 $0x16800  }
0x6e: {  	[tilespmem:s13], [sflag:$0x6] =	stream.indirect_vreg.gather [hbm4b:s7+s1], $0x80, v3, vm0, $0xb8;
	[tilespmem:$0x18100] =	vst v63  }
0x6f: {  	s14 =	simm.s32 $0x17000  }
0x70: {  	[tilespmem:s14], [sflag:$0x6] =	stream.indirect_vreg.gather [hbm4b:s8+s1], $0x80, v3, vm0, $0xb8;
	[tilespmem:$0x18100] =	vst v63  }
0x71: {  	s15 =	simm.s32 $0x17800  }
0x72: {  	[tilespmem:s15], [sflag:$0x6] =	stream.indirect_vreg.gather [hbm4b:s9+s1], $0x80, v3, vm0, $0xb8;
	[tilespmem:$0x18100] =	vst v63  }
0x73: {  	_ =	swait.ge [sflag:s10], $0x4000  }
0x74: {  	[sflag:s10] =	ssyncset.done $0x0  }
0x75: {  	[sflag:s10] =	ssyncadd.s32 $0xFFFFC000  }
0x76: {  	s16 =	sand.u32 $0x2000, s1;
	s17 =	sand.u32 $0x1C00, s1;
	_ =	swait.ge [sflag:s21], $0x4000  }
0x77: {  	s2 =	sor.u32 s17, s16;
	s18 =	sand.u32 $0x380, s1;
	[sflag:s21] =	ssyncset.done $0x0  }
0x78: {  	s3 =	sor.u32 s18, s2;
	[sflag:s21] =	ssyncadd.s32 $0xFFFFC000  }
0x79: {  	v3 =	vld [tilespmem:s3+$0x70]  }
0x7a: {  	v6 =	vld [tilespmem:s3+$0x0]  }
0x7b: {  	v7 =	vld [tilespmem:s3+$0x10]  }
0x7c: {  	v8 =	vld [tilespmem:s3+$0x20]  }
0x7d: {  	v9 =	vld [tilespmem:s3+$0x30]  }
0x7e: {  	v5 =	vld [tilespmem:s3+$0x40]  }
0x7f: {  	s2 =	sor.u32 $0xC070, s3;
	v4 =	vld [tilespmem:s3+$0x60]  }
0x80: {  	[tilespmem:s2+$0x0] =	vst.add.f32.msk $0xffff, v3  }
0x81: {  	s19 =	sor.u32 $0xC000, s3;
	v3 =	vld [tilespmem:s3+$0x50]  }
0x82: {  	s4 =	sor.u32 $0xC010, s3;
	[tilespmem:s19+$0x0] =	vst.add.f32.msk $0xffff, v6  }
0x83: {  	s5 =	sor.u32 $0xC020, s3;
	s6 =	sor.u32 $0xC050, s3;
	s11 =	sor.u32 $0xC060, s3;
	[tilespmem:s4+$0x0] =	vst.add.f32.msk $0xffff, v7  }
0x84: {  	s13 =	sor.u32 $0xC040, s3;
	s14 =	sor.u32 $0xC030, s3;
	s2 =	simm.s32 $0x0;
	[tilespmem:s5+$0x0] =	vst.add.f32.msk $0xffff, v8  }
0x85: {  	[tilespmem:s14+$0x0] =	vst.add.f32.msk $0xffff, v9;
	s3 =	simm.s32 $0x10;
	s4 =	simm.s32 $0x400;
	s5 =	simm.s32 $0x80  }
.LBB2_2:
0x86: {  	s14 =	sand.u32 $0x2000, s5;
	s15 =	sand.u32 $0x1C00, s4;
	s2 =	sadd.s32 $0x8, s2;
	[tilespmem:s13+$0x0] =	vst.add.f32.msk $0xffff, v5  }
0x87: {  	s13 =	sor.u32 s15, s14;
	s14 =	sand.u32 $0x380, s3;
	p0 =	slt.u32 s2, $0x3F8;
	[tilespmem:s6+$0x0] =	vst.add.f32.msk $0xffff, v3  }
0x88: {  	s14 =	sor.u32 s14, s13;
	[tilespmem:s11+$0x0] =	vst.add.f32.msk $0xffff, v4  }
0x89: {  	s15 =	sor.u32 $0xC000, s14;
	s16 =	sor.u32 $0xC010, s14;
	s17 =	sor.u32 $0xC020, s14;
	v3 =	vld [tilespmem:s14+$0x70]  }
0x8a: {  	s18 =	sor.u32 $0xC030, s14;
	s13 =	sor.u32 $0xC040, s14;
	s6 =	sor.u32 $0xC050, s14;
	v6 =	vld [tilespmem:s14+$0x0]  }
0x8b: {  	s11 =	sor.u32 $0xC060, s14;
	v7 =	vld [tilespmem:s14+$0x10]  }
0x8c: {  	v8 =	vld [tilespmem:s14+$0x20]  }
0x8d: {  	s19 =	sor.u32 $0xC070, s14;
	v9 =	vld [tilespmem:s14+$0x30]  }
0x8e: {  	[tilespmem:s19+$0x0] =	vst.add.f32.msk $0xffff, v3  }
0x8f: {  	v5 =	vld [tilespmem:s14+$0x40]  }
0x90: {  	v3 =	vld [tilespmem:s14+$0x50]  }
.Ltmp0:
0x91: {  	v4 =	vld [tilespmem:s14+$0x60];
	(pc) =	sbr.rel @p0 .LBB2_2-.Ltmp0, $4  }
0x92: {  	[tilespmem:s15+$0x0] =	vst.add.f32.msk $0xffff, v6  }
0x93: {  	[tilespmem:s16+$0x0] =	vst.add.f32.msk $0xffff, v7  }
0x94: {  	[tilespmem:s17+$0x0] =	vst.add.f32.msk $0xffff, v8  }
0x95: {  	s4 =	sadd.s32 $0x400, s4;
	s5 =	sadd.s32 $0x80, s5;
	s3 =	sadd.s32 $0x10, s3;
	[tilespmem:s18+$0x0] =	vst.add.f32.msk $0xffff, v9  }
0x96: {  	[tilespmem:s13+$0x0] =	vst.add.f32.msk $0xffff, v5  }
0x97: {  	[tilespmem:s6+$0x0] =	vst.add.f32.msk $0xffff, v3  }
0x98: {  	[tilespmem:s11+$0x0] =	vst.add.f32.msk $0xffff, v4  }
0x99: {  	s2 =	simm.s32 $0x0;
	s3 =	rddreg [dreg:$0x1f]  }
0x9a: {  	[hbm4b:s3+s2] =	stream.linear.scatter [tilespmem:s12], [sflag:$0x7], $0x4000, $0x38;
	[tilespmem:$0x18100] =	vst v63  }
0x9b: {  	_ =	swait.ge [sflag:s22], $0x4000  }
0x9c: {  	[sflag:s22] =	ssyncset.done $0x0  }
0x9d: {  	s4 =	rddreg [dreg:$0x8];
	[sflag:s22] =	ssyncadd.s32 $0xFFFFC000  }
0x9e: {  	[tilespmem:s2], [sflag:$0x1] =	stream.linear.gather [hbm4b:s4+s2], $0x4000, $0x38;
	[tilespmem:$0x18100] =	vst v63  }
0x9f: {  	v3 =	vld [tilespmem:$0x18030];
	_ =	sdelay $0x4  }
0xa0: {  	v4 =	vshll.u32 v3, $0x3  }
0xa1: {  	v3 =	vand.u32 $0x7, v3;
	v4 =	vand.u32 $0xFFFFFFC0, v4  }
0xa2: {  	v3 =	vor.u32 v3, v4  }
0xa3: {  	v4 =	vperm.xlane v3, v0;
	_ =	sdelay $0x1  }
0xa4: {  	v4 =	vadd.s32 v1, v4;
	_ =	sdelay $0x4  }
0xa5: {  	[tilespmem:s12], [sflag:$0x4] =	stream.indirect_vreg.gather [hbm4b:s31+s2], $0x80, v4, vm0, $0xb8;
	[tilespmem:$0x18100] =	vst v63  }
0xa6: {  	s5 =	simm.s32 $0xC800;
	v3 =	vperm.xlane v3, v2  }
0xa7: {  	[tilespmem:s5], [sflag:$0x4] =	stream.indirect_vreg.gather [hbm4b:s7+s2], $0x80, v4, vm0, $0xb8;
	[tilespmem:$0x18100] =	vst v63  }
0xa8: {  	s6 =	simm.s32 $0xD000;
	v3 =	vadd.s32 v1, v3  }
0xa9: {  	[tilespmem:s6], [sflag:$0x4] =	stream.indirect_vreg.gather [hbm4b:s8+s2], $0x80, v4, vm0, $0xb8;
	[tilespmem:$0x18100] =	vst v63  }
0xaa: {  	s11 =	simm.s32 $0xD800  }
0xab: {  	[tilespmem:s11], [sflag:$0x4] =	stream.indirect_vreg.gather [hbm4b:s9+s2], $0x80, v4, vm0, $0xb8;
	[tilespmem:$0x18100] =	vst v63  }
0xac: {  	s13 =	simm.s32 $0xE000  }
0xad: {  	[tilespmem:s13], [sflag:$0x4] =	stream.indirect_vreg.gather [hbm4b:s31+s2], $0x80, v3, vm0, $0xb8;
	[tilespmem:$0x18100] =	vst v63  }
0xae: {  	s14 =	simm.s32 $0xE800  }
0xaf: {  	[tilespmem:s14], [sflag:$0x4] =	stream.indirect_vreg.gather [hbm4b:s7+s2], $0x80, v3, vm0, $0xb8;
	[tilespmem:$0x18100] =	vst v63  }
0xb0: {  	s15 =	simm.s32 $0xF000  }
0xb1: {  	[tilespmem:s15], [sflag:$0x4] =	stream.indirect_vreg.gather [hbm4b:s8+s2], $0x80, v3, vm0, $0xb8;
	[tilespmem:$0x18100] =	vst v63  }
0xb2: {  	s16 =	simm.s32 $0xF800  }
0xb3: {  	[tilespmem:s16], [sflag:$0x4] =	stream.indirect_vreg.gather [hbm4b:s9+s2], $0x80, v3, vm0, $0xb8;
	[tilespmem:$0x18100] =	vst v63  }
0xb4: {  	_ =	swait.ge [sflag:s23], $0x4000  }
0xb5: {  	[sflag:s23] =	ssyncset.done $0x0  }
0xb6: {  	[sflag:s23] =	ssyncadd.s32 $0xFFFFC000  }
0xb7: {  	s17 =	sand.u32 $0x2000, s2;
	s4 =	sand.u32 $0x1C00, s2;
	_ =	swait.ge [sflag:s24], $0x4000  }
0xb8: {  	s3 =	sor.u32 s4, s17;
	s2 =	sand.u32 $0x380, s2;
	[sflag:s24] =	ssyncset.done $0x0  }
0xb9: {  	s3 =	sor.u32 s2, s3;
	[sflag:s24] =	ssyncadd.s32 $0xFFFFC000  }
0xba: {  	v3 =	vld [tilespmem:s3+$0x4070]  }
0xbb: {  	v6 =	vld [tilespmem:s3+$0x4000]  }
0xbc: {  	v7 =	vld [tilespmem:s3+$0x4010]  }
0xbd: {  	v8 =	vld [tilespmem:s3+$0x4020]  }
0xbe: {  	v9 =	vld [tilespmem:s3+$0x4030]  }
0xbf: {  	v5 =	vld [tilespmem:s3+$0x4040]  }
0xc0: {  	s2 =	sor.u32 $0x10070, s3;
	v4 =	vld [tilespmem:s3+$0x4060]  }
0xc1: {  	[tilespmem:s2+$0x0] =	vst.add.f32.msk $0xffff, v3  }
0xc2: {  	s18 =	sor.u32 $0x10000, s3;
	v3 =	vld [tilespmem:s3+$0x4050]  }
0xc3: {  	s19 =	sor.u32 $0x10010, s3;
	[tilespmem:s18+$0x0] =	vst.add.f32.msk $0xffff, v6  }
0xc4: {  	s4 =	simm.s32 $0x400;
	s5 =	sor.u32 $0x10020, s3;
	s14 =	sor.u32 $0x10030, s3;
	[tilespmem:s19+$0x0] =	vst.add.f32.msk $0xffff, v7  }
0xc5: {  	s13 =	sor.u32 $0x10040, s3;
	s6 =	sor.u32 $0x10050, s3;
	s11 =	sor.u32 $0x10060, s3;
	[tilespmem:s5+$0x0] =	vst.add.f32.msk $0xffff, v8  }
0xc6: {  	s2 =	simm.s32 $0x0;
	[tilespmem:s14+$0x0] =	vst.add.f32.msk $0xffff, v9;
	s3 =	simm.s32 $0x10;
	s5 =	simm.s32 $0x80  }
.LBB2_4:
0xc7: {  	s14 =	sand.u32 $0x2000, s5;
	s15 =	sand.u32 $0x1C00, s4;
	s2 =	sadd.s32 $0x8, s2;
	[tilespmem:s13+$0x0] =	vst.add.f32.msk $0xffff, v5  }
0xc8: {  	s13 =	sor.u32 s15, s14;
	s14 =	sand.u32 $0x380, s3;
	p0 =	slt.u32 s2, $0x3F8;
	[tilespmem:s6+$0x0] =	vst.add.f32.msk $0xffff, v3  }
0xc9: {  	s14 =	sor.u32 s14, s13;
	[tilespmem:s11+$0x0] =	vst.add.f32.msk $0xffff, v4  }
0xca: {  	s15 =	sor.u32 $0x10000, s14;
	s16 =	sor.u32 $0x10010, s14;
	s17 =	sor.u32 $0x10020, s14;
	v3 =	vld [tilespmem:s14+$0x4070]  }
0xcb: {  	s18 =	sor.u32 $0x10030, s14;
	s13 =	sor.u32 $0x10040, s14;
	s6 =	sor.u32 $0x10050, s14;
	v6 =	vld [tilespmem:s14+$0x4000]  }
0xcc: {  	s11 =	sor.u32 $0x10060, s14;
	v7 =	vld [tilespmem:s14+$0x4010]  }
0xcd: {  	v8 =	vld [tilespmem:s14+$0x4020]  }
0xce: {  	s19 =	sor.u32 $0x10070, s14;
	v9 =	vld [tilespmem:s14+$0x4030]  }
0xcf: {  	[tilespmem:s19+$0x0] =	vst.add.f32.msk $0xffff, v3  }
0xd0: {  	v5 =	vld [tilespmem:s14+$0x4040]  }
0xd1: {  	v3 =	vld [tilespmem:s14+$0x4050]  }
.Ltmp1:
0xd2: {  	v4 =	vld [tilespmem:s14+$0x4060];
	(pc) =	sbr.rel @p0 .LBB2_4-.Ltmp1, $4  }
0xd3: {  	[tilespmem:s15+$0x0] =	vst.add.f32.msk $0xffff, v6  }
0xd4: {  	[tilespmem:s16+$0x0] =	vst.add.f32.msk $0xffff, v7  }
0xd5: {  	[tilespmem:s17+$0x0] =	vst.add.f32.msk $0xffff, v8  }
0xd6: {  	s4 =	sadd.s32 $0x400, s4;
	s5 =	sadd.s32 $0x80, s5;
	s3 =	sadd.s32 $0x10, s3;
	[tilespmem:s18+$0x0] =	vst.add.f32.msk $0xffff, v9  }
0xd7: {  	[tilespmem:s13+$0x0] =	vst.add.f32.msk $0xffff, v5  }
0xd8: {  	[tilespmem:s6+$0x0] =	vst.add.f32.msk $0xffff, v3  }
0xd9: {  	[tilespmem:s11+$0x0] =	vst.add.f32.msk $0xffff, v4  }
0xda: {  	s2 =	simm.s32 $0x0;
	s3 =	rddreg [dreg:$0x9]  }
0xdb: {  	[hbm4b:s3+s2] =	stream.linear.scatter [tilespmem:s20], [sflag:$0x8], $0x4000, $0x38;
	[tilespmem:$0x18100] =	vst v63  }
0xdc: {  	_ =	swait.ge [sflag:s25], $0x4000  }
0xdd: {  	[sflag:s25] =	ssyncset.done $0x0  }
0xde: {  	s4 =	simm.s32 $0x4000;
	s19 =	rddreg [dreg:$0xa];
	[sflag:s25] =	ssyncadd.s32 $0xFFFFC000  }
0xdf: {  	[tilespmem:s4], [sflag:$0x2] =	stream.linear.gather [hbm4b:s19+s2], $0x4000, $0x38;
	[tilespmem:$0x18100] =	vst v63  }
0xe0: {  	v3 =	vld [tilespmem:$0x18040];
	_ =	sdelay $0x4  }
0xe1: {  	v4 =	vshll.u32 v3, $0x3  }
0xe2: {  	v3 =	vand.u32 $0x7, v3;
	v4 =	vand.u32 $0xFFFFFFC0, v4  }
0xe3: {  	v3 =	vor.u32 v3, v4  }
0xe4: {  	v4 =	vperm.xlane v3, v0;
	_ =	sdelay $0x1  }
0xe5: {  	v4 =	vadd.s32 v1, v4;
	_ =	sdelay $0x4  }
0xe6: {  	[tilespmem:s20], [sflag:$0x5] =	stream.indirect_vreg.gather [hbm4b:s31+s2], $0x80, v4, vm0, $0xb8;
	[tilespmem:$0x18100] =	vst v63  }
0xe7: {  	s4 =	simm.s32 $0x10800;
	v3 =	vperm.xlane v3, v2  }
0xe8: {  	[tilespmem:s4], [sflag:$0x5] =	stream.indirect_vreg.gather [hbm4b:s7+s2], $0x80, v4, vm0, $0xb8;
	[tilespmem:$0x18100] =	vst v63  }
0xe9: {  	s5 =	simm.s32 $0x11000;
	v3 =	vadd.s32 v1, v3  }
0xea: {  	[tilespmem:s5], [sflag:$0x5] =	stream.indirect_vreg.gather [hbm4b:s8+s2], $0x80, v4, vm0, $0xb8;
	[tilespmem:$0x18100] =	vst v63  }
0xeb: {  	s6 =	simm.s32 $0x11800  }
0xec: {  	[tilespmem:s6], [sflag:$0x5] =	stream.indirect_vreg.gather [hbm4b:s9+s2], $0x80, v4, vm0, $0xb8;
	[tilespmem:$0x18100] =	vst v63  }
0xed: {  	s11 =	simm.s32 $0x12000  }
0xee: {  	[tilespmem:s11], [sflag:$0x5] =	stream.indirect_vreg.gather [hbm4b:s31+s2], $0x80, v3, vm0, $0xb8;
	[tilespmem:$0x18100] =	vst v63  }
0xef: {  	s13 =	simm.s32 $0x12800  }
0xf0: {  	[tilespmem:s13], [sflag:$0x5] =	stream.indirect_vreg.gather [hbm4b:s7+s2], $0x80, v3, vm0, $0xb8;
	[tilespmem:$0x18100] =	vst v63  }
0xf1: {  	s14 =	simm.s32 $0x13000  }
0xf2: {  	[tilespmem:s14], [sflag:$0x5] =	stream.indirect_vreg.gather [hbm4b:s8+s2], $0x80, v3, vm0, $0xb8;
	[tilespmem:$0x18100] =	vst v63  }
0xf3: {  	s15 =	simm.s32 $0x13800  }
0xf4: {  	[tilespmem:s15], [sflag:$0x5] =	stream.indirect_vreg.gather [hbm4b:s9+s2], $0x80, v3, vm0, $0xb8;
	[tilespmem:$0x18100] =	vst v63  }
0xf5: {  	_ =	swait.ge [sflag:s26], $0x4000  }
0xf6: {  	[sflag:s26] =	ssyncset.done $0x0  }
0xf7: {  	[sflag:s26] =	ssyncadd.s32 $0xFFFFC000  }
0xf8: {  	s16 =	sand.u32 $0x2000, s2;
	s17 =	sand.u32 $0x1C00, s2;
	_ =	swait.ge [sflag:s28], $0x4000  }
0xf9: {  	s3 =	sor.u32 s17, s16;
	s2 =	sand.u32 $0x380, s2;
	[sflag:s28] =	ssyncset.done $0x0  }
0xfa: {  	s3 =	sor.u32 s2, s3;
	[sflag:s28] =	ssyncadd.s32 $0xFFFFC000  }
0xfb: {  	v3 =	vld [tilespmem:s3+$0x8070]  }
0xfc: {  	v6 =	vld [tilespmem:s3+$0x8000]  }
0xfd: {  	v7 =	vld [tilespmem:s3+$0x8010]  }
0xfe: {  	v8 =	vld [tilespmem:s3+$0x8020]  }
0xff: {  	v9 =	vld [tilespmem:s3+$0x8030]  }
0x100: {  	v5 =	vld [tilespmem:s3+$0x8040]  }
0x101: {  	s2 =	sor.u32 $0x14070, s3;
	v4 =	vld [tilespmem:s3+$0x8060]  }
0x102: {  	[tilespmem:s2+$0x0] =	vst.add.f32.msk $0xffff, v3  }
0x103: {  	s18 =	sor.u32 $0x14000, s3;
	v3 =	vld [tilespmem:s3+$0x8050]  }
0x104: {  	s19 =	sor.u32 $0x14010, s3;
	[tilespmem:s18+$0x0] =	vst.add.f32.msk $0xffff, v6  }
0x105: {  	s4 =	simm.s32 $0x400;
	s5 =	sor.u32 $0x14020, s3;
	s14 =	sor.u32 $0x14030, s3;
	[tilespmem:s19+$0x0] =	vst.add.f32.msk $0xffff, v7  }
0x106: {  	s13 =	sor.u32 $0x14040, s3;
	s6 =	sor.u32 $0x14050, s3;
	s11 =	sor.u32 $0x14060, s3;
	[tilespmem:s5+$0x0] =	vst.add.f32.msk $0xffff, v8  }
0x107: {  	s2 =	simm.s32 $0x0;
	[tilespmem:s14+$0x0] =	vst.add.f32.msk $0xffff, v9;
	s3 =	simm.s32 $0x10;
	s5 =	simm.s32 $0x80  }
.LBB2_6:
0x108: {  	s14 =	sand.u32 $0x2000, s5;
	s15 =	sand.u32 $0x1C00, s4;
	s2 =	sadd.s32 $0x8, s2;
	[tilespmem:s13+$0x0] =	vst.add.f32.msk $0xffff, v5  }
0x109: {  	s13 =	sor.u32 s15, s14;
	s14 =	sand.u32 $0x380, s3;
	p0 =	slt.u32 s2, $0x3F8;
	[tilespmem:s6+$0x0] =	vst.add.f32.msk $0xffff, v3  }
0x10a: {  	s14 =	sor.u32 s14, s13;
	[tilespmem:s11+$0x0] =	vst.add.f32.msk $0xffff, v4  }
0x10b: {  	s15 =	sor.u32 $0x14000, s14;
	s16 =	sor.u32 $0x14010, s14;
	s17 =	sor.u32 $0x14020, s14;
	v3 =	vld [tilespmem:s14+$0x8070]  }
0x10c: {  	s18 =	sor.u32 $0x14030, s14;
	s13 =	sor.u32 $0x14040, s14;
	s6 =	sor.u32 $0x14050, s14;
	v6 =	vld [tilespmem:s14+$0x8000]  }
0x10d: {  	s11 =	sor.u32 $0x14060, s14;
	v7 =	vld [tilespmem:s14+$0x8010]  }
0x10e: {  	v8 =	vld [tilespmem:s14+$0x8020]  }
0x10f: {  	s19 =	sor.u32 $0x14070, s14;
	v9 =	vld [tilespmem:s14+$0x8030]  }
0x110: {  	[tilespmem:s19+$0x0] =	vst.add.f32.msk $0xffff, v3  }
0x111: {  	v5 =	vld [tilespmem:s14+$0x8040]  }
0x112: {  	v3 =	vld [tilespmem:s14+$0x8050]  }
.Ltmp2:
0x113: {  	v4 =	vld [tilespmem:s14+$0x8060];
	(pc) =	sbr.rel @p0 .LBB2_6-.Ltmp2, $4  }
0x114: {  	[tilespmem:s15+$0x0] =	vst.add.f32.msk $0xffff, v6  }
0x115: {  	[tilespmem:s16+$0x0] =	vst.add.f32.msk $0xffff, v7  }
0x116: {  	[tilespmem:s17+$0x0] =	vst.add.f32.msk $0xffff, v8  }
0x117: {  	s4 =	sadd.s32 $0x400, s4;
	s5 =	sadd.s32 $0x80, s5;
	s3 =	sadd.s32 $0x10, s3;
	[tilespmem:s18+$0x0] =	vst.add.f32.msk $0xffff, v9  }
0x118: {  	[tilespmem:s13+$0x0] =	vst.add.f32.msk $0xffff, v5  }
0x119: {  	[tilespmem:s6+$0x0] =	vst.add.f32.msk $0xffff, v3  }
0x11a: {  	[tilespmem:s11+$0x0] =	vst.add.f32.msk $0xffff, v4  }
0x11b: {  	s2 =	simm.s32 $0x0;
	s3 =	rddreg [dreg:$0xb]  }
0x11c: {  	[hbm4b:s3+s2] =	stream.linear.scatter [tilespmem:s30], [sflag:$0x9], $0x4000, $0x38;
	[tilespmem:$0x18100] =	vst v63  }
0x11d: {  	_ =	swait.ge [sflag:s29], $0x4000  }
0x11e: {  	[sflag:s29] =	ssyncset.done $0x0  }
0x11f: {  	s4 =	simm.s32 $0x8000;
	s19 =	rddreg [dreg:$0xc];
	[sflag:s29] =	ssyncadd.s32 $0xFFFFC000  }
0x120: {  	[tilespmem:s4], [sflag:$0x3] =	stream.linear.gather [hbm4b:s19+s2], $0x4000, $0x38;
	[tilespmem:$0x18100] =	vst v63  }
0x121: {  	v3 =	vld [tilespmem:$0x18050];
	_ =	sdelay $0x4  }
0x122: {  	v4 =	vshll.u32 v3, $0x3  }
0x123: {  	v3 =	vand.u32 $0x7, v3;
	v4 =	vand.u32 $0xFFFFFFC0, v4  }
0x124: {  	v3 =	vor.u32 v3, v4  }
0x125: {  	v4 =	vperm.xlane v3, v0;
	_ =	sdelay $0x1  }
0x126: {  	v4 =	vadd.s32 v1, v4;
	_ =	sdelay $0x4  }
0x127: {  	[tilespmem:s30], [sflag:$0x6] =	stream.indirect_vreg.gather [hbm4b:s31+s2], $0x80, v4, vm0, $0xb8;
	[tilespmem:$0x18100] =	vst v63  }
0x128: {  	s4 =	simm.s32 $0x14800;
	v3 =	vperm.xlane v3, v2  }
0x129: {  	[tilespmem:s4], [sflag:$0x6] =	stream.indirect_vreg.gather [hbm4b:s7+s2], $0x80, v4, vm0, $0xb8;
	[tilespmem:$0x18100] =	vst v63  }
0x12a: {  	s5 =	simm.s32 $0x15000;
	v3 =	vadd.s32 v1, v3  }
0x12b: {  	[tilespmem:s5], [sflag:$0x6] =	stream.indirect_vreg.gather [hbm4b:s8+s2], $0x80, v4, vm0, $0xb8;
	[tilespmem:$0x18100] =	vst v63  }
0x12c: {  	s6 =	simm.s32 $0x15800  }
0x12d: {  	[tilespmem:s6], [sflag:$0x6] =	stream.indirect_vreg.gather [hbm4b:s9+s2], $0x80, v4, vm0, $0xb8;
	[tilespmem:$0x18100] =	vst v63  }
0x12e: {  	s11 =	simm.s32 $0x16000  }
0x12f: {  	[tilespmem:s11], [sflag:$0x6] =	stream.indirect_vreg.gather [hbm4b:s31+s2], $0x80, v3, vm0, $0xb8;
	[tilespmem:$0x18100] =	vst v63  }
0x130: {  	s13 =	simm.s32 $0x16800  }
0x131: {  	[tilespmem:s13], [sflag:$0x6] =	stream.indirect_vreg.gather [hbm4b:s7+s2], $0x80, v3, vm0, $0xb8;
	[tilespmem:$0x18100] =	vst v63  }
0x132: {  	s14 =	simm.s32 $0x17000  }
0x133: {  	[tilespmem:s14], [sflag:$0x6] =	stream.indirect_vreg.gather [hbm4b:s8+s2], $0x80, v3, vm0, $0xb8;
	[tilespmem:$0x18100] =	vst v63  }
0x134: {  	s15 =	simm.s32 $0x17800  }
0x135: {  	[tilespmem:s15], [sflag:$0x6] =	stream.indirect_vreg.gather [hbm4b:s9+s2], $0x80, v3, vm0, $0xb8;
	[tilespmem:$0x18100] =	vst v63  }
0x136: {  	_ =	swait.ge [sflag:s10], $0x4000  }
0x137: {  	[sflag:s10] =	ssyncset.done $0x0  }
0x138: {  	[sflag:s10] =	ssyncadd.s32 $0xFFFFC000  }
0x139: {  	s16 =	sand.u32 $0x2000, s2;
	s17 =	sand.u32 $0x1C00, s2;
	_ =	swait.ge [sflag:s21], $0x4000  }
0x13a: {  	s3 =	sor.u32 s17, s16;
	s2 =	sand.u32 $0x380, s2;
	[sflag:s21] =	ssyncset.done $0x0  }
0x13b: {  	s3 =	sor.u32 s2, s3;
	[sflag:s21] =	ssyncadd.s32 $0xFFFFC000  }
0x13c: {  	v3 =	vld [tilespmem:s3+$0x70]  }
0x13d: {  	v6 =	vld [tilespmem:s3+$0x0]  }
0x13e: {  	v7 =	vld [tilespmem:s3+$0x10]  }
0x13f: {  	v8 =	vld [tilespmem:s3+$0x20]  }
0x140: {  	v9 =	vld [tilespmem:s3+$0x30]  }
0x141: {  	v5 =	vld [tilespmem:s3+$0x40]  }
0x142: {  	s2 =	sor.u32 $0xC070, s3;
	v4 =	vld [tilespmem:s3+$0x60]  }
0x143: {  	[tilespmem:s2+$0x0] =	vst.add.f32.msk $0xffff, v3  }
0x144: {  	s18 =	sor.u32 $0xC000, s3;
	v3 =	vld [tilespmem:s3+$0x50]  }
0x145: {  	s19 =	sor.u32 $0xC010, s3;
	[tilespmem:s18+$0x0] =	vst.add.f32.msk $0xffff, v6  }
0x146: {  	s4 =	simm.s32 $0x400;
	s5 =	sor.u32 $0xC020, s3;
	s14 =	sor.u32 $0xC030, s3;
	[tilespmem:s19+$0x0] =	vst.add.f32.msk $0xffff, v7  }
0x147: {  	s13 =	sor.u32 $0xC040, s3;
	s6 =	sor.u32 $0xC050, s3;
	s11 =	sor.u32 $0xC060, s3;
	[tilespmem:s5+$0x0] =	vst.add.f32.msk $0xffff, v8  }
0x148: {  	s2 =	simm.s32 $0x0;
	[tilespmem:s14+$0x0] =	vst.add.f32.msk $0xffff, v9;
	s3 =	simm.s32 $0x10;
	s5 =	simm.s32 $0x80  }
.LBB2_8:
0x149: {  	s14 =	sand.u32 $0x2000, s5;
	s15 =	sand.u32 $0x1C00, s4;
	s2 =	sadd.s32 $0x8, s2;
	[tilespmem:s13+$0x0] =	vst.add.f32.msk $0xffff, v5  }
0x14a: {  	s13 =	sor.u32 s15, s14;
	s14 =	sand.u32 $0x380, s3;
	p0 =	slt.u32 s2, $0x3F8;
	[tilespmem:s6+$0x0] =	vst.add.f32.msk $0xffff, v3  }
0x14b: {  	s14 =	sor.u32 s14, s13;
	[tilespmem:s11+$0x0] =	vst.add.f32.msk $0xffff, v4  }
0x14c: {  	s15 =	sor.u32 $0xC000, s14;
	s16 =	sor.u32 $0xC010, s14;
	s17 =	sor.u32 $0xC020, s14;
	v3 =	vld [tilespmem:s14+$0x70]  }
0x14d: {  	s18 =	sor.u32 $0xC030, s14;
	s13 =	sor.u32 $0xC040, s14;
	s6 =	sor.u32 $0xC050, s14;
	v6 =	vld [tilespmem:s14+$0x0]  }
0x14e: {  	s11 =	sor.u32 $0xC060, s14;
	v7 =	vld [tilespmem:s14+$0x10]  }
0x14f: {  	v8 =	vld [tilespmem:s14+$0x20]  }
0x150: {  	s19 =	sor.u32 $0xC070, s14;
	v9 =	vld [tilespmem:s14+$0x30]  }
0x151: {  	[tilespmem:s19+$0x0] =	vst.add.f32.msk $0xffff, v3  }
0x152: {  	v5 =	vld [tilespmem:s14+$0x40]  }
0x153: {  	v3 =	vld [tilespmem:s14+$0x50]  }
.Ltmp3:
0x154: {  	v4 =	vld [tilespmem:s14+$0x60];
	(pc) =	sbr.rel @p0 .LBB2_8-.Ltmp3, $4  }
0x155: {  	[tilespmem:s15+$0x0] =	vst.add.f32.msk $0xffff, v6  }
0x156: {  	[tilespmem:s16+$0x0] =	vst.add.f32.msk $0xffff, v7  }
0x157: {  	[tilespmem:s17+$0x0] =	vst.add.f32.msk $0xffff, v8  }
0x158: {  	s4 =	sadd.s32 $0x400, s4;
	s5 =	sadd.s32 $0x80, s5;
	s3 =	sadd.s32 $0x10, s3;
	[tilespmem:s18+$0x0] =	vst.add.f32.msk $0xffff, v9  }
0x159: {  	[tilespmem:s13+$0x0] =	vst.add.f32.msk $0xffff, v5  }
0x15a: {  	[tilespmem:s6+$0x0] =	vst.add.f32.msk $0xffff, v3  }
0x15b: {  	[tilespmem:s11+$0x0] =	vst.add.f32.msk $0xffff, v4  }
0x15c: {  	s2 =	simm.s32 $0x0;
	s3 =	rddreg [dreg:$0xd]  }
0x15d: {  	[hbm4b:s3+s2] =	stream.linear.scatter [tilespmem:s12], [sflag:$0x7], $0x4000, $0x38;
	[tilespmem:$0x18100] =	vst v63  }
0x15e: {  	_ =	swait.ge [sflag:s22], $0x4000  }
0x15f: {  	[sflag:s22] =	ssyncset.done $0x0  }
0x160: {  	s4 =	rddreg [dreg:$0xe];
	[sflag:s22] =	ssyncadd.s32 $0xFFFFC000  }
0x161: {  	[tilespmem:s2], [sflag:$0x1] =	stream.linear.gather [hbm4b:s4+s2], $0x4000, $0x38;
	[tilespmem:$0x18100] =	vst v63  }
0x162: {  	v3 =	vld [tilespmem:$0x18060];
	_ =	sdelay $0x4  }
0x163: {  	v4 =	vshll.u32 v3, $0x3  }
0x164: {  	v3 =	vand.u32 $0x7, v3;
	v4 =	vand.u32 $0xFFFFFFC0, v4  }
0x165: {  	v3 =	vor.u32 v3, v4  }
0x166: {  	v4 =	vperm.xlane v3, v0;
	_ =	sdelay $0x1  }
0x167: {  	v4 =	vadd.s32 v1, v4;
	_ =	sdelay $0x4  }
0x168: {  	[tilespmem:s12], [sflag:$0x4] =	stream.indirect_vreg.gather [hbm4b:s31+s2], $0x80, v4, vm0, $0xb8;
	[tilespmem:$0x18100] =	vst v63  }
0x169: {  	s5 =	simm.s32 $0xC800;
	v3 =	vperm.xlane v3, v2  }
0x16a: {  	[tilespmem:s5], [sflag:$0x4] =	stream.indirect_vreg.gather [hbm4b:s7+s2], $0x80, v4, vm0, $0xb8;
	[tilespmem:$0x18100] =	vst v63  }
0x16b: {  	s6 =	simm.s32 $0xD000;
	v3 =	vadd.s32 v1, v3  }
0x16c: {  	[tilespmem:s6], [sflag:$0x4] =	stream.indirect_vreg.gather [hbm4b:s8+s2], $0x80, v4, vm0, $0xb8;
	[tilespmem:$0x18100] =	vst v63  }
0x16d: {  	s11 =	simm.s32 $0xD800  }
0x16e: {  	[tilespmem:s11], [sflag:$0x4] =	stream.indirect_vreg.gather [hbm4b:s9+s2], $0x80, v4, vm0, $0xb8;
	[tilespmem:$0x18100] =	vst v63  }
0x16f: {  	s13 =	simm.s32 $0xE000  }
0x170: {  	[tilespmem:s13], [sflag:$0x4] =	stream.indirect_vreg.gather [hbm4b:s31+s2], $0x80, v3, vm0, $0xb8;
	[tilespmem:$0x18100] =	vst v63  }
0x171: {  	s14 =	simm.s32 $0xE800  }
0x172: {  	[tilespmem:s14], [sflag:$0x4] =	stream.indirect_vreg.gather [hbm4b:s7+s2], $0x80, v3, vm0, $0xb8;
	[tilespmem:$0x18100] =	vst v63  }
0x173: {  	s15 =	simm.s32 $0xF000  }
0x174: {  	[tilespmem:s15], [sflag:$0x4] =	stream.indirect_vreg.gather [hbm4b:s8+s2], $0x80, v3, vm0, $0xb8;
	[tilespmem:$0x18100] =	vst v63  }
0x175: {  	s16 =	simm.s32 $0xF800  }
0x176: {  	[tilespmem:s16], [sflag:$0x4] =	stream.indirect_vreg.gather [hbm4b:s9+s2], $0x80, v3, vm0, $0xb8;
	[tilespmem:$0x18100] =	vst v63  }
0x177: {  	_ =	swait.ge [sflag:s23], $0x4000  }
0x178: {  	[sflag:s23] =	ssyncset.done $0x0  }
0x179: {  	[sflag:s23] =	ssyncadd.s32 $0xFFFFC000  }
0x17a: {  	s17 =	sand.u32 $0x2000, s2;
	s4 =	sand.u32 $0x1C00, s2;
	_ =	swait.ge [sflag:s24], $0x4000  }
0x17b: {  	s3 =	sor.u32 s4, s17;
	s2 =	sand.u32 $0x380, s2;
	[sflag:s24] =	ssyncset.done $0x0  }
0x17c: {  	s3 =	sor.u32 s2, s3;
	[sflag:s24] =	ssyncadd.s32 $0xFFFFC000  }
0x17d: {  	v3 =	vld [tilespmem:s3+$0x4070]  }
0x17e: {  	v6 =	vld [tilespmem:s3+$0x4000]  }
0x17f: {  	v7 =	vld [tilespmem:s3+$0x4010]  }
0x180: {  	v8 =	vld [tilespmem:s3+$0x4020]  }
0x181: {  	v9 =	vld [tilespmem:s3+$0x4030]  }
0x182: {  	v5 =	vld [tilespmem:s3+$0x4040]  }
0x183: {  	s2 =	sor.u32 $0x10070, s3;
	v4 =	vld [tilespmem:s3+$0x4060]  }
0x184: {  	[tilespmem:s2+$0x0] =	vst.add.f32.msk $0xffff, v3  }
0x185: {  	s18 =	sor.u32 $0x10000, s3;
	v3 =	vld [tilespmem:s3+$0x4050]  }
0x186: {  	s19 =	sor.u32 $0x10010, s3;
	[tilespmem:s18+$0x0] =	vst.add.f32.msk $0xffff, v6  }
0x187: {  	s4 =	simm.s32 $0x400;
	s5 =	sor.u32 $0x10020, s3;
	s14 =	sor.u32 $0x10030, s3;
	[tilespmem:s19+$0x0] =	vst.add.f32.msk $0xffff, v7  }
0x188: {  	s13 =	sor.u32 $0x10040, s3;
	s6 =	sor.u32 $0x10050, s3;
	s11 =	sor.u32 $0x10060, s3;
	[tilespmem:s5+$0x0] =	vst.add.f32.msk $0xffff, v8  }
0x189: {  	s2 =	simm.s32 $0x0;
	[tilespmem:s14+$0x0] =	vst.add.f32.msk $0xffff, v9;
	s3 =	simm.s32 $0x10;
	s5 =	simm.s32 $0x80  }
.LBB2_10:
0x18a: {  	s14 =	sand.u32 $0x2000, s5;
	s15 =	sand.u32 $0x1C00, s4;
	s2 =	sadd.s32 $0x8, s2;
	[tilespmem:s13+$0x0] =	vst.add.f32.msk $0xffff, v5  }
0x18b: {  	s13 =	sor.u32 s15, s14;
	s14 =	sand.u32 $0x380, s3;
	p0 =	slt.u32 s2, $0x3F8;
	[tilespmem:s6+$0x0] =	vst.add.f32.msk $0xffff, v3  }
0x18c: {  	s14 =	sor.u32 s14, s13;
	[tilespmem:s11+$0x0] =	vst.add.f32.msk $0xffff, v4  }
0x18d: {  	s15 =	sor.u32 $0x10000, s14;
	s16 =	sor.u32 $0x10010, s14;
	s17 =	sor.u32 $0x10020, s14;
	v3 =	vld [tilespmem:s14+$0x4070]  }
0x18e: {  	s18 =	sor.u32 $0x10030, s14;
	s13 =	sor.u32 $0x10040, s14;
	s6 =	sor.u32 $0x10050, s14;
	v6 =	vld [tilespmem:s14+$0x4000]  }
0x18f: {  	s11 =	sor.u32 $0x10060, s14;
	v7 =	vld [tilespmem:s14+$0x4010]  }
0x190: {  	v8 =	vld [tilespmem:s14+$0x4020]  }
0x191: {  	s19 =	sor.u32 $0x10070, s14;
	v9 =	vld [tilespmem:s14+$0x4030]  }
0x192: {  	[tilespmem:s19+$0x0] =	vst.add.f32.msk $0xffff, v3  }
0x193: {  	v5 =	vld [tilespmem:s14+$0x4040]  }
0x194: {  	v3 =	vld [tilespmem:s14+$0x4050]  }
.Ltmp4:
0x195: {  	v4 =	vld [tilespmem:s14+$0x4060];
	(pc) =	sbr.rel @p0 .LBB2_10-.Ltmp4, $4  }
0x196: {  	[tilespmem:s15+$0x0] =	vst.add.f32.msk $0xffff, v6  }
0x197: {  	[tilespmem:s16+$0x0] =	vst.add.f32.msk $0xffff, v7  }
0x198: {  	[tilespmem:s17+$0x0] =	vst.add.f32.msk $0xffff, v8  }
0x199: {  	s4 =	sadd.s32 $0x400, s4;
	s5 =	sadd.s32 $0x80, s5;
	s3 =	sadd.s32 $0x10, s3;
	[tilespmem:s18+$0x0] =	vst.add.f32.msk $0xffff, v9  }
0x19a: {  	[tilespmem:s13+$0x0] =	vst.add.f32.msk $0xffff, v5  }
0x19b: {  	[tilespmem:s6+$0x0] =	vst.add.f32.msk $0xffff, v3  }
0x19c: {  	[tilespmem:s11+$0x0] =	vst.add.f32.msk $0xffff, v4  }
0x19d: {  	s2 =	simm.s32 $0x0;
	s3 =	rddreg [dreg:$0xf]  }
0x19e: {  	[hbm4b:s3+s2] =	stream.linear.scatter [tilespmem:s20], [sflag:$0x8], $0x4000, $0x38;
	[tilespmem:$0x18100] =	vst v63  }
0x19f: {  	_ =	swait.ge [sflag:s25], $0x4000  }
0x1a0: {  	[sflag:s25] =	ssyncset.done $0x0  }
0x1a1: {  	s4 =	simm.s32 $0x4000;
	s19 =	rddreg [dreg:$0x10];
	[sflag:s25] =	ssyncadd.s32 $0xFFFFC000  }
0x1a2: {  	[tilespmem:s4], [sflag:$0x2] =	stream.linear.gather [hbm4b:s19+s2], $0x4000, $0x38;
	[tilespmem:$0x18100] =	vst v63  }
0x1a3: {  	v3 =	vld [tilespmem:$0x18070];
	_ =	sdelay $0x4  }
0x1a4: {  	v4 =	vshll.u32 v3, $0x3  }
0x1a5: {  	v3 =	vand.u32 $0x7, v3;
	v4 =	vand.u32 $0xFFFFFFC0, v4  }
0x1a6: {  	v3 =	vor.u32 v3, v4  }
0x1a7: {  	v4 =	vperm.xlane v3, v0;
	_ =	sdelay $0x1  }
0x1a8: {  	v4 =	vadd.s32 v1, v4;
	_ =	sdelay $0x4  }
0x1a9: {  	[tilespmem:s20], [sflag:$0x5] =	stream.indirect_vreg.gather [hbm4b:s31+s2], $0x80, v4, vm0, $0xb8;
	[tilespmem:$0x18100] =	vst v63  }
0x1aa: {  	s4 =	simm.s32 $0x10800;
	v3 =	vperm.xlane v3, v2  }
0x1ab: {  	[tilespmem:s4], [sflag:$0x5] =	stream.indirect_vreg.gather [hbm4b:s7+s2], $0x80, v4, vm0, $0xb8;
	[tilespmem:$0x18100] =	vst v63  }
0x1ac: {  	s5 =	simm.s32 $0x11000;
	v3 =	vadd.s32 v1, v3  }
0x1ad: {  	[tilespmem:s5], [sflag:$0x5] =	stream.indirect_vreg.gather [hbm4b:s8+s2], $0x80, v4, vm0, $0xb8;
	[tilespmem:$0x18100] =	vst v63  }
0x1ae: {  	s6 =	simm.s32 $0x11800  }
0x1af: {  	[tilespmem:s6], [sflag:$0x5] =	stream.indirect_vreg.gather [hbm4b:s9+s2], $0x80, v4, vm0, $0xb8;
	[tilespmem:$0x18100] =	vst v63  }
0x1b0: {  	s11 =	simm.s32 $0x12000  }
0x1b1: {  	[tilespmem:s11], [sflag:$0x5] =	stream.indirect_vreg.gather [hbm4b:s31+s2], $0x80, v3, vm0, $0xb8;
	[tilespmem:$0x18100] =	vst v63  }
0x1b2: {  	s13 =	simm.s32 $0x12800  }
0x1b3: {  	[tilespmem:s13], [sflag:$0x5] =	stream.indirect_vreg.gather [hbm4b:s7+s2], $0x80, v3, vm0, $0xb8;
	[tilespmem:$0x18100] =	vst v63  }
0x1b4: {  	s14 =	simm.s32 $0x13000  }
0x1b5: {  	[tilespmem:s14], [sflag:$0x5] =	stream.indirect_vreg.gather [hbm4b:s8+s2], $0x80, v3, vm0, $0xb8;
	[tilespmem:$0x18100] =	vst v63  }
0x1b6: {  	s15 =	simm.s32 $0x13800  }
0x1b7: {  	[tilespmem:s15], [sflag:$0x5] =	stream.indirect_vreg.gather [hbm4b:s9+s2], $0x80, v3, vm0, $0xb8;
	[tilespmem:$0x18100] =	vst v63  }
0x1b8: {  	_ =	swait.ge [sflag:s26], $0x4000  }
0x1b9: {  	[sflag:s26] =	ssyncset.done $0x0  }
0x1ba: {  	[sflag:s26] =	ssyncadd.s32 $0xFFFFC000  }
0x1bb: {  	s16 =	sand.u32 $0x2000, s2;
	s17 =	sand.u32 $0x1C00, s2;
	_ =	swait.ge [sflag:s28], $0x4000  }
0x1bc: {  	s3 =	sor.u32 s17, s16;
	s2 =	sand.u32 $0x380, s2;
	[sflag:s28] =	ssyncset.done $0x0  }
0x1bd: {  	s3 =	sor.u32 s2, s3;
	[sflag:s28] =	ssyncadd.s32 $0xFFFFC000  }
0x1be: {  	v3 =	vld [tilespmem:s3+$0x8070]  }
0x1bf: {  	v6 =	vld [tilespmem:s3+$0x8000]  }
0x1c0: {  	v7 =	vld [tilespmem:s3+$0x8010]  }
0x1c1: {  	v8 =	vld [tilespmem:s3+$0x8020]  }
0x1c2: {  	v9 =	vld [tilespmem:s3+$0x8030]  }
0x1c3: {  	v5 =	vld [tilespmem:s3+$0x8040]  }
0x1c4: {  	s2 =	sor.u32 $0x14070, s3;
	v4 =	vld [tilespmem:s3+$0x8060]  }
0x1c5: {  	[tilespmem:s2+$0x0] =	vst.add.f32.msk $0xffff, v3  }
0x1c6: {  	s18 =	sor.u32 $0x14000, s3;
	v3 =	vld [tilespmem:s3+$0x8050]  }
0x1c7: {  	s19 =	sor.u32 $0x14010, s3;
	[tilespmem:s18+$0x0] =	vst.add.f32.msk $0xffff, v6  }
0x1c8: {  	s4 =	simm.s32 $0x400;
	s5 =	sor.u32 $0x14020, s3;
	s14 =	sor.u32 $0x14030, s3;
	[tilespmem:s19+$0x0] =	vst.add.f32.msk $0xffff, v7  }
0x1c9: {  	s13 =	sor.u32 $0x14040, s3;
	s6 =	sor.u32 $0x14050, s3;
	s11 =	sor.u32 $0x14060, s3;
	[tilespmem:s5+$0x0] =	vst.add.f32.msk $0xffff, v8  }
0x1ca: {  	s2 =	simm.s32 $0x0;
	[tilespmem:s14+$0x0] =	vst.add.f32.msk $0xffff, v9;
	s3 =	simm.s32 $0x10;
	s5 =	simm.s32 $0x80  }
.LBB2_12:
0x1cb: {  	s14 =	sand.u32 $0x2000, s5;
	s15 =	sand.u32 $0x1C00, s4;
	s2 =	sadd.s32 $0x8, s2;
	[tilespmem:s13+$0x0] =	vst.add.f32.msk $0xffff, v5  }
0x1cc: {  	s13 =	sor.u32 s15, s14;
	s14 =	sand.u32 $0x380, s3;
	p0 =	slt.u32 s2, $0x3F8;
	[tilespmem:s6+$0x0] =	vst.add.f32.msk $0xffff, v3  }
0x1cd: {  	s14 =	sor.u32 s14, s13;
	[tilespmem:s11+$0x0] =	vst.add.f32.msk $0xffff, v4  }
0x1ce: {  	s15 =	sor.u32 $0x14000, s14;
	s16 =	sor.u32 $0x14010, s14;
	s17 =	sor.u32 $0x14020, s14;
	v3 =	vld [tilespmem:s14+$0x8070]  }
0x1cf: {  	s18 =	sor.u32 $0x14030, s14;
	s13 =	sor.u32 $0x14040, s14;
	s6 =	sor.u32 $0x14050, s14;
	v6 =	vld [tilespmem:s14+$0x8000]  }
0x1d0: {  	s11 =	sor.u32 $0x14060, s14;
	v7 =	vld [tilespmem:s14+$0x8010]  }
0x1d1: {  	v8 =	vld [tilespmem:s14+$0x8020]  }
0x1d2: {  	s19 =	sor.u32 $0x14070, s14;
	v9 =	vld [tilespmem:s14+$0x8030]  }
0x1d3: {  	[tilespmem:s19+$0x0] =	vst.add.f32.msk $0xffff, v3  }
0x1d4: {  	v5 =	vld [tilespmem:s14+$0x8040]  }
0x1d5: {  	v3 =	vld [tilespmem:s14+$0x8050]  }
.Ltmp5:
0x1d6: {  	v4 =	vld [tilespmem:s14+$0x8060];
	(pc) =	sbr.rel @p0 .LBB2_12-.Ltmp5, $4  }
0x1d7: {  	[tilespmem:s15+$0x0] =	vst.add.f32.msk $0xffff, v6  }
0x1d8: {  	[tilespmem:s16+$0x0] =	vst.add.f32.msk $0xffff, v7  }
0x1d9: {  	[tilespmem:s17+$0x0] =	vst.add.f32.msk $0xffff, v8  }
0x1da: {  	s4 =	sadd.s32 $0x400, s4;
	s5 =	sadd.s32 $0x80, s5;
	s3 =	sadd.s32 $0x10, s3;
	[tilespmem:s18+$0x0] =	vst.add.f32.msk $0xffff, v9  }
0x1db: {  	[tilespmem:s13+$0x0] =	vst.add.f32.msk $0xffff, v5  }
0x1dc: {  	[tilespmem:s6+$0x0] =	vst.add.f32.msk $0xffff, v3  }
0x1dd: {  	[tilespmem:s11+$0x0] =	vst.add.f32.msk $0xffff, v4  }
0x1de: {  	s2 =	simm.s32 $0x0;
	s3 =	rddreg [dreg:$0x11]  }
0x1df: {  	[hbm4b:s3+s2] =	stream.linear.scatter [tilespmem:s30], [sflag:$0x9], $0x4000, $0x38;
	[tilespmem:$0x18100] =	vst v63  }
0x1e0: {  	_ =	swait.ge [sflag:s29], $0x4000  }
0x1e1: {  	[sflag:s29] =	ssyncset.done $0x0  }
0x1e2: {  	s4 =	simm.s32 $0x8000;
	s19 =	rddreg [dreg:$0x12];
	[sflag:s29] =	ssyncadd.s32 $0xFFFFC000  }
0x1e3: {  	[tilespmem:s4], [sflag:$0x3] =	stream.linear.gather [hbm4b:s19+s2], $0x4000, $0x38;
	[tilespmem:$0x18100] =	vst v63  }
0x1e4: {  	v3 =	vld [tilespmem:$0x18080];
	_ =	sdelay $0x4  }
0x1e5: {  	v4 =	vshll.u32 v3, $0x3  }
0x1e6: {  	v3 =	vand.u32 $0x7, v3;
	v4 =	vand.u32 $0xFFFFFFC0, v4  }
0x1e7: {  	v3 =	vor.u32 v3, v4  }
0x1e8: {  	v4 =	vperm.xlane v3, v0;
	_ =	sdelay $0x1  }
0x1e9: {  	v4 =	vadd.s32 v1, v4;
	_ =	sdelay $0x4  }
0x1ea: {  	[tilespmem:s30], [sflag:$0x6] =	stream.indirect_vreg.gather [hbm4b:s31+s2], $0x80, v4, vm0, $0xb8;
	[tilespmem:$0x18100] =	vst v63  }
0x1eb: {  	s4 =	simm.s32 $0x14800;
	v3 =	vperm.xlane v3, v2  }
0x1ec: {  	[tilespmem:s4], [sflag:$0x6] =	stream.indirect_vreg.gather [hbm4b:s7+s2], $0x80, v4, vm0, $0xb8;
	[tilespmem:$0x18100] =	vst v63  }
0x1ed: {  	s5 =	simm.s32 $0x15000;
	v3 =	vadd.s32 v1, v3  }
0x1ee: {  	[tilespmem:s5], [sflag:$0x6] =	stream.indirect_vreg.gather [hbm4b:s8+s2], $0x80, v4, vm0, $0xb8;
	[tilespmem:$0x18100] =	vst v63  }
0x1ef: {  	s6 =	simm.s32 $0x15800  }
0x1f0: {  	[tilespmem:s6], [sflag:$0x6] =	stream.indirect_vreg.gather [hbm4b:s9+s2], $0x80, v4, vm0, $0xb8;
	[tilespmem:$0x18100] =	vst v63  }
0x1f1: {  	s11 =	simm.s32 $0x16000  }
0x1f2: {  	[tilespmem:s11], [sflag:$0x6] =	stream.indirect_vreg.gather [hbm4b:s31+s2], $0x80, v3, vm0, $0xb8;
	[tilespmem:$0x18100] =	vst v63  }
0x1f3: {  	s13 =	simm.s32 $0x16800  }
0x1f4: {  	[tilespmem:s13], [sflag:$0x6] =	stream.indirect_vreg.gather [hbm4b:s7+s2], $0x80, v3, vm0, $0xb8;
	[tilespmem:$0x18100] =	vst v63  }
0x1f5: {  	s14 =	simm.s32 $0x17000  }
0x1f6: {  	[tilespmem:s14], [sflag:$0x6] =	stream.indirect_vreg.gather [hbm4b:s8+s2], $0x80, v3, vm0, $0xb8;
	[tilespmem:$0x18100] =	vst v63  }
0x1f7: {  	s15 =	simm.s32 $0x17800  }
0x1f8: {  	[tilespmem:s15], [sflag:$0x6] =	stream.indirect_vreg.gather [hbm4b:s9+s2], $0x80, v3, vm0, $0xb8;
	[tilespmem:$0x18100] =	vst v63  }
0x1f9: {  	_ =	swait.ge [sflag:s10], $0x4000  }
0x1fa: {  	[sflag:s10] =	ssyncset.done $0x0  }
0x1fb: {  	[sflag:s10] =	ssyncadd.s32 $0xFFFFC000  }
0x1fc: {  	s16 =	sand.u32 $0x2000, s2;
	s17 =	sand.u32 $0x1C00, s2;
	_ =	swait.ge [sflag:s21], $0x4000  }
0x1fd: {  	s3 =	sor.u32 s17, s16;
	s2 =	sand.u32 $0x380, s2;
	[sflag:s21] =	ssyncset.done $0x0  }
0x1fe: {  	s3 =	sor.u32 s2, s3;
	[sflag:s21] =	ssyncadd.s32 $0xFFFFC000  }
0x1ff: {  	v3 =	vld [tilespmem:s3+$0x70]  }
0x200: {  	v6 =	vld [tilespmem:s3+$0x0]  }
0x201: {  	v7 =	vld [tilespmem:s3+$0x10]  }
0x202: {  	v8 =	vld [tilespmem:s3+$0x20]  }
0x203: {  	v9 =	vld [tilespmem:s3+$0x30]  }
0x204: {  	v5 =	vld [tilespmem:s3+$0x40]  }
0x205: {  	s2 =	sor.u32 $0xC070, s3;
	v4 =	vld [tilespmem:s3+$0x60]  }
0x206: {  	[tilespmem:s2+$0x0] =	vst.add.f32.msk $0xffff, v3  }
0x207: {  	s18 =	sor.u32 $0xC000, s3;
	v3 =	vld [tilespmem:s3+$0x50]  }
0x208: {  	s19 =	sor.u32 $0xC010, s3;
	[tilespmem:s18+$0x0] =	vst.add.f32.msk $0xffff, v6  }
0x209: {  	s4 =	simm.s32 $0x400;
	s5 =	sor.u32 $0xC020, s3;
	s14 =	sor.u32 $0xC030, s3;
	[tilespmem:s19+$0x0] =	vst.add.f32.msk $0xffff, v7  }
0x20a: {  	s13 =	sor.u32 $0xC040, s3;
	s6 =	sor.u32 $0xC050, s3;
	s11 =	sor.u32 $0xC060, s3;
	[tilespmem:s5+$0x0] =	vst.add.f32.msk $0xffff, v8  }
0x20b: {  	s2 =	simm.s32 $0x0;
	[tilespmem:s14+$0x0] =	vst.add.f32.msk $0xffff, v9;
	s3 =	simm.s32 $0x10;
	s5 =	simm.s32 $0x80  }
.LBB2_14:
0x20c: {  	s14 =	sand.u32 $0x2000, s5;
	s15 =	sand.u32 $0x1C00, s4;
	s2 =	sadd.s32 $0x8, s2;
	[tilespmem:s13+$0x0] =	vst.add.f32.msk $0xffff, v5  }
0x20d: {  	s13 =	sor.u32 s15, s14;
	s14 =	sand.u32 $0x380, s3;
	p0 =	slt.u32 s2, $0x3F8;
	[tilespmem:s6+$0x0] =	vst.add.f32.msk $0xffff, v3  }
0x20e: {  	s14 =	sor.u32 s14, s13;
	[tilespmem:s11+$0x0] =	vst.add.f32.msk $0xffff, v4  }
0x20f: {  	s15 =	sor.u32 $0xC000, s14;
	s16 =	sor.u32 $0xC010, s14;
	s17 =	sor.u32 $0xC020, s14;
	v3 =	vld [tilespmem:s14+$0x70]  }
0x210: {  	s18 =	sor.u32 $0xC030, s14;
	s13 =	sor.u32 $0xC040, s14;
	s6 =	sor.u32 $0xC050, s14;
	v6 =	vld [tilespmem:s14+$0x0]  }
0x211: {  	s11 =	sor.u32 $0xC060, s14;
	v7 =	vld [tilespmem:s14+$0x10]  }
0x212: {  	v8 =	vld [tilespmem:s14+$0x20]  }
0x213: {  	s19 =	sor.u32 $0xC070, s14;
	v9 =	vld [tilespmem:s14+$0x30]  }
0x214: {  	[tilespmem:s19+$0x0] =	vst.add.f32.msk $0xffff, v3  }
0x215: {  	v5 =	vld [tilespmem:s14+$0x40]  }
0x216: {  	v3 =	vld [tilespmem:s14+$0x50]  }
.Ltmp6:
0x217: {  	v4 =	vld [tilespmem:s14+$0x60];
	(pc) =	sbr.rel @p0 .LBB2_14-.Ltmp6, $4  }
0x218: {  	[tilespmem:s15+$0x0] =	vst.add.f32.msk $0xffff, v6  }
0x219: {  	[tilespmem:s16+$0x0] =	vst.add.f32.msk $0xffff, v7  }
0x21a: {  	[tilespmem:s17+$0x0] =	vst.add.f32.msk $0xffff, v8  }
0x21b: {  	s4 =	sadd.s32 $0x400, s4;
	s5 =	sadd.s32 $0x80, s5;
	s3 =	sadd.s32 $0x10, s3;
	[tilespmem:s18+$0x0] =	vst.add.f32.msk $0xffff, v9  }
0x21c: {  	[tilespmem:s13+$0x0] =	vst.add.f32.msk $0xffff, v5  }
0x21d: {  	[tilespmem:s6+$0x0] =	vst.add.f32.msk $0xffff, v3  }
0x21e: {  	[tilespmem:s11+$0x0] =	vst.add.f32.msk $0xffff, v4  }
0x21f: {  	s2 =	simm.s32 $0x0;
	s3 =	rddreg [dreg:$0x13]  }
0x220: {  	[hbm4b:s3+s2] =	stream.linear.scatter [tilespmem:s12], [sflag:$0x7], $0x4000, $0x38;
	[tilespmem:$0x18100] =	vst v63  }
0x221: {  	_ =	swait.ge [sflag:s22], $0x4000  }
0x222: {  	[sflag:s22] =	ssyncset.done $0x0  }
0x223: {  	s4 =	rddreg [dreg:$0x14];
	[sflag:s22] =	ssyncadd.s32 $0xFFFFC000  }
0x224: {  	[tilespmem:s2], [sflag:$0x1] =	stream.linear.gather [hbm4b:s4+s2], $0x4000, $0x38;
	[tilespmem:$0x18100] =	vst v63  }
0x225: {  	v3 =	vld [tilespmem:$0x18090];
	_ =	sdelay $0x4  }
0x226: {  	v4 =	vshll.u32 v3, $0x3  }
0x227: {  	v3 =	vand.u32 $0x7, v3;
	v4 =	vand.u32 $0xFFFFFFC0, v4  }
0x228: {  	v3 =	vor.u32 v3, v4  }
0x229: {  	v4 =	vperm.xlane v3, v0;
	_ =	sdelay $0x1  }
0x22a: {  	v4 =	vadd.s32 v1, v4;
	_ =	sdelay $0x4  }
0x22b: {  	[tilespmem:s12], [sflag:$0x4] =	stream.indirect_vreg.gather [hbm4b:s31+s2], $0x80, v4, vm0, $0xb8;
	[tilespmem:$0x18100] =	vst v63  }
0x22c: {  	s5 =	simm.s32 $0xC800;
	v3 =	vperm.xlane v3, v2  }
0x22d: {  	[tilespmem:s5], [sflag:$0x4] =	stream.indirect_vreg.gather [hbm4b:s7+s2], $0x80, v4, vm0, $0xb8;
	[tilespmem:$0x18100] =	vst v63  }
0x22e: {  	s6 =	simm.s32 $0xD000;
	v3 =	vadd.s32 v1, v3  }
0x22f: {  	[tilespmem:s6], [sflag:$0x4] =	stream.indirect_vreg.gather [hbm4b:s8+s2], $0x80, v4, vm0, $0xb8;
	[tilespmem:$0x18100] =	vst v63  }
0x230: {  	s11 =	simm.s32 $0xD800  }
0x231: {  	[tilespmem:s11], [sflag:$0x4] =	stream.indirect_vreg.gather [hbm4b:s9+s2], $0x80, v4, vm0, $0xb8;
	[tilespmem:$0x18100] =	vst v63  }
0x232: {  	s13 =	simm.s32 $0xE000  }
0x233: {  	[tilespmem:s13], [sflag:$0x4] =	stream.indirect_vreg.gather [hbm4b:s31+s2], $0x80, v3, vm0, $0xb8;
	[tilespmem:$0x18100] =	vst v63  }
0x234: {  	s14 =	simm.s32 $0xE800  }
0x235: {  	[tilespmem:s14], [sflag:$0x4] =	stream.indirect_vreg.gather [hbm4b:s7+s2], $0x80, v3, vm0, $0xb8;
	[tilespmem:$0x18100] =	vst v63  }
0x236: {  	s15 =	simm.s32 $0xF000  }
0x237: {  	[tilespmem:s15], [sflag:$0x4] =	stream.indirect_vreg.gather [hbm4b:s8+s2], $0x80, v3, vm0, $0xb8;
	[tilespmem:$0x18100] =	vst v63  }
0x238: {  	s16 =	simm.s32 $0xF800  }
0x239: {  	[tilespmem:s16], [sflag:$0x4] =	stream.indirect_vreg.gather [hbm4b:s9+s2], $0x80, v3, vm0, $0xb8;
	[tilespmem:$0x18100] =	vst v63  }
0x23a: {  	_ =	swait.ge [sflag:s23], $0x4000  }
0x23b: {  	[sflag:s23] =	ssyncset.done $0x0  }
0x23c: {  	[sflag:s23] =	ssyncadd.s32 $0xFFFFC000  }
0x23d: {  	s17 =	sand.u32 $0x2000, s2;
	s4 =	sand.u32 $0x1C00, s2;
	_ =	swait.ge [sflag:s24], $0x4000  }
0x23e: {  	s3 =	sor.u32 s4, s17;
	s2 =	sand.u32 $0x380, s2;
	[sflag:s24] =	ssyncset.done $0x0  }
0x23f: {  	s3 =	sor.u32 s2, s3;
	[sflag:s24] =	ssyncadd.s32 $0xFFFFC000  }
0x240: {  	v3 =	vld [tilespmem:s3+$0x4070]  }
0x241: {  	v6 =	vld [tilespmem:s3+$0x4000]  }
0x242: {  	v7 =	vld [tilespmem:s3+$0x4010]  }
0x243: {  	v8 =	vld [tilespmem:s3+$0x4020]  }
0x244: {  	v9 =	vld [tilespmem:s3+$0x4030]  }
0x245: {  	v5 =	vld [tilespmem:s3+$0x4040]  }
0x246: {  	s2 =	sor.u32 $0x10070, s3;
	v4 =	vld [tilespmem:s3+$0x4060]  }
0x247: {  	[tilespmem:s2+$0x0] =	vst.add.f32.msk $0xffff, v3  }
0x248: {  	s18 =	sor.u32 $0x10000, s3;
	v3 =	vld [tilespmem:s3+$0x4050]  }
0x249: {  	s19 =	sor.u32 $0x10010, s3;
	[tilespmem:s18+$0x0] =	vst.add.f32.msk $0xffff, v6  }
0x24a: {  	s4 =	simm.s32 $0x400;
	s5 =	sor.u32 $0x10020, s3;
	s14 =	sor.u32 $0x10030, s3;
	[tilespmem:s19+$0x0] =	vst.add.f32.msk $0xffff, v7  }
0x24b: {  	s13 =	sor.u32 $0x10040, s3;
	s6 =	sor.u32 $0x10050, s3;
	s11 =	sor.u32 $0x10060, s3;
	[tilespmem:s5+$0x0] =	vst.add.f32.msk $0xffff, v8  }
0x24c: {  	s2 =	simm.s32 $0x0;
	[tilespmem:s14+$0x0] =	vst.add.f32.msk $0xffff, v9;
	s3 =	simm.s32 $0x10;
	s5 =	simm.s32 $0x80  }
.LBB2_16:
0x24d: {  	s14 =	sand.u32 $0x2000, s5;
	s15 =	sand.u32 $0x1C00, s4;
	s2 =	sadd.s32 $0x8, s2;
	[tilespmem:s13+$0x0] =	vst.add.f32.msk $0xffff, v5  }
0x24e: {  	s13 =	sor.u32 s15, s14;
	s14 =	sand.u32 $0x380, s3;
	p0 =	slt.u32 s2, $0x3F8;
	[tilespmem:s6+$0x0] =	vst.add.f32.msk $0xffff, v3  }
0x24f: {  	s14 =	sor.u32 s14, s13;
	[tilespmem:s11+$0x0] =	vst.add.f32.msk $0xffff, v4  }
0x250: {  	s15 =	sor.u32 $0x10000, s14;
	s16 =	sor.u32 $0x10010, s14;
	s17 =	sor.u32 $0x10020, s14;
	v3 =	vld [tilespmem:s14+$0x4070]  }
0x251: {  	s18 =	sor.u32 $0x10030, s14;
	s13 =	sor.u32 $0x10040, s14;
	s6 =	sor.u32 $0x10050, s14;
	v6 =	vld [tilespmem:s14+$0x4000]  }
0x252: {  	s11 =	sor.u32 $0x10060, s14;
	v7 =	vld [tilespmem:s14+$0x4010]  }
0x253: {  	v8 =	vld [tilespmem:s14+$0x4020]  }
0x254: {  	s19 =	sor.u32 $0x10070, s14;
	v9 =	vld [tilespmem:s14+$0x4030]  }
0x255: {  	[tilespmem:s19+$0x0] =	vst.add.f32.msk $0xffff, v3  }
0x256: {  	v5 =	vld [tilespmem:s14+$0x4040]  }
0x257: {  	v3 =	vld [tilespmem:s14+$0x4050]  }
.Ltmp7:
0x258: {  	v4 =	vld [tilespmem:s14+$0x4060];
	(pc) =	sbr.rel @p0 .LBB2_16-.Ltmp7, $4  }
0x259: {  	[tilespmem:s15+$0x0] =	vst.add.f32.msk $0xffff, v6  }
0x25a: {  	[tilespmem:s16+$0x0] =	vst.add.f32.msk $0xffff, v7  }
0x25b: {  	[tilespmem:s17+$0x0] =	vst.add.f32.msk $0xffff, v8  }
0x25c: {  	s4 =	sadd.s32 $0x400, s4;
	s5 =	sadd.s32 $0x80, s5;
	s3 =	sadd.s32 $0x10, s3;
	[tilespmem:s18+$0x0] =	vst.add.f32.msk $0xffff, v9  }
0x25d: {  	[tilespmem:s13+$0x0] =	vst.add.f32.msk $0xffff, v5  }
0x25e: {  	[tilespmem:s6+$0x0] =	vst.add.f32.msk $0xffff, v3  }
0x25f: {  	[tilespmem:s11+$0x0] =	vst.add.f32.msk $0xffff, v4  }
0x260: {  	s2 =	simm.s32 $0x0;
	s3 =	rddreg [dreg:$0x15]  }
0x261: {  	[hbm4b:s3+s2] =	stream.linear.scatter [tilespmem:s20], [sflag:$0x8], $0x4000, $0x38;
	[tilespmem:$0x18100] =	vst v63  }
0x262: {  	_ =	swait.ge [sflag:s25], $0x4000  }
0x263: {  	[sflag:s25] =	ssyncset.done $0x0  }
0x264: {  	s4 =	simm.s32 $0x4000;
	s19 =	rddreg [dreg:$0x18];
	[sflag:s25] =	ssyncadd.s32 $0xFFFFC000  }
0x265: {  	[tilespmem:s4], [sflag:$0x2] =	stream.linear.gather [hbm4b:s19+s2], $0x4000, $0x38;
	[tilespmem:$0x18100] =	vst v63  }
0x266: {  	v3 =	vld [tilespmem:$0x180A0];
	_ =	sdelay $0x4  }
0x267: {  	v4 =	vshll.u32 v3, $0x3  }
0x268: {  	v3 =	vand.u32 $0x7, v3;
	v4 =	vand.u32 $0xFFFFFFC0, v4  }
0x269: {  	v3 =	vor.u32 v3, v4  }
0x26a: {  	v4 =	vperm.xlane v3, v0;
	_ =	sdelay $0x1  }
0x26b: {  	v4 =	vadd.s32 v1, v4;
	_ =	sdelay $0x4  }
0x26c: {  	[tilespmem:s20], [sflag:$0x5] =	stream.indirect_vreg.gather [hbm4b:s31+s2], $0x80, v4, vm0, $0xb8;
	[tilespmem:$0x18100] =	vst v63  }
0x26d: {  	s4 =	simm.s32 $0x10800;
	v3 =	vperm.xlane v3, v2  }
0x26e: {  	[tilespmem:s4], [sflag:$0x5] =	stream.indirect_vreg.gather [hbm4b:s7+s2], $0x80, v4, vm0, $0xb8;
	[tilespmem:$0x18100] =	vst v63  }
0x26f: {  	s5 =	simm.s32 $0x11000;
	v3 =	vadd.s32 v1, v3  }
0x270: {  	[tilespmem:s5], [sflag:$0x5] =	stream.indirect_vreg.gather [hbm4b:s8+s2], $0x80, v4, vm0, $0xb8;
	[tilespmem:$0x18100] =	vst v63  }
0x271: {  	s6 =	simm.s32 $0x11800  }
0x272: {  	[tilespmem:s6], [sflag:$0x5] =	stream.indirect_vreg.gather [hbm4b:s9+s2], $0x80, v4, vm0, $0xb8;
	[tilespmem:$0x18100] =	vst v63  }
0x273: {  	s11 =	simm.s32 $0x12000  }
0x274: {  	[tilespmem:s11], [sflag:$0x5] =	stream.indirect_vreg.gather [hbm4b:s31+s2], $0x80, v3, vm0, $0xb8;
	[tilespmem:$0x18100] =	vst v63  }
0x275: {  	s13 =	simm.s32 $0x12800  }
0x276: {  	[tilespmem:s13], [sflag:$0x5] =	stream.indirect_vreg.gather [hbm4b:s7+s2], $0x80, v3, vm0, $0xb8;
	[tilespmem:$0x18100] =	vst v63  }
0x277: {  	s14 =	simm.s32 $0x13000  }
0x278: {  	[tilespmem:s14], [sflag:$0x5] =	stream.indirect_vreg.gather [hbm4b:s8+s2], $0x80, v3, vm0, $0xb8;
	[tilespmem:$0x18100] =	vst v63  }
0x279: {  	s15 =	simm.s32 $0x13800  }
0x27a: {  	[tilespmem:s15], [sflag:$0x5] =	stream.indirect_vreg.gather [hbm4b:s9+s2], $0x80, v3, vm0, $0xb8;
	[tilespmem:$0x18100] =	vst v63  }
0x27b: {  	_ =	swait.ge [sflag:s26], $0x4000  }
0x27c: {  	[sflag:s26] =	ssyncset.done $0x0  }
0x27d: {  	[sflag:s26] =	ssyncadd.s32 $0xFFFFC000  }
0x27e: {  	s16 =	sand.u32 $0x2000, s2;
	s17 =	sand.u32 $0x1C00, s2;
	_ =	swait.ge [sflag:s28], $0x4000  }
0x27f: {  	s3 =	sor.u32 s17, s16;
	s2 =	sand.u32 $0x380, s2;
	[sflag:s28] =	ssyncset.done $0x0  }
0x280: {  	s3 =	sor.u32 s2, s3;
	[sflag:s28] =	ssyncadd.s32 $0xFFFFC000  }
0x281: {  	v3 =	vld [tilespmem:s3+$0x8070]  }
0x282: {  	v6 =	vld [tilespmem:s3+$0x8000]  }
0x283: {  	v7 =	vld [tilespmem:s3+$0x8010]  }
0x284: {  	v8 =	vld [tilespmem:s3+$0x8020]  }
0x285: {  	v9 =	vld [tilespmem:s3+$0x8030]  }
0x286: {  	v5 =	vld [tilespmem:s3+$0x8040]  }
0x287: {  	s2 =	sor.u32 $0x14070, s3;
	v4 =	vld [tilespmem:s3+$0x8060]  }
0x288: {  	[tilespmem:s2+$0x0] =	vst.add.f32.msk $0xffff, v3  }
0x289: {  	s18 =	sor.u32 $0x14000, s3;
	v3 =	vld [tilespmem:s3+$0x8050]  }
0x28a: {  	s19 =	sor.u32 $0x14010, s3;
	[tilespmem:s18+$0x0] =	vst.add.f32.msk $0xffff, v6  }
0x28b: {  	s4 =	simm.s32 $0x400;
	s5 =	sor.u32 $0x14020, s3;
	s14 =	sor.u32 $0x14030, s3;
	[tilespmem:s19+$0x0] =	vst.add.f32.msk $0xffff, v7  }
0x28c: {  	s13 =	sor.u32 $0x14040, s3;
	s6 =	sor.u32 $0x14050, s3;
	s11 =	sor.u32 $0x14060, s3;
	[tilespmem:s5+$0x0] =	vst.add.f32.msk $0xffff, v8  }
0x28d: {  	s2 =	simm.s32 $0x0;
	[tilespmem:s14+$0x0] =	vst.add.f32.msk $0xffff, v9;
	s3 =	simm.s32 $0x10;
	s5 =	simm.s32 $0x80  }
.LBB2_18:
0x28e: {  	s14 =	sand.u32 $0x2000, s5;
	s15 =	sand.u32 $0x1C00, s4;
	s2 =	sadd.s32 $0x8, s2;
	[tilespmem:s13+$0x0] =	vst.add.f32.msk $0xffff, v5  }
0x28f: {  	s13 =	sor.u32 s15, s14;
	s14 =	sand.u32 $0x380, s3;
	p0 =	slt.u32 s2, $0x3F8;
	[tilespmem:s6+$0x0] =	vst.add.f32.msk $0xffff, v3  }
0x290: {  	s14 =	sor.u32 s14, s13;
	[tilespmem:s11+$0x0] =	vst.add.f32.msk $0xffff, v4  }
0x291: {  	s15 =	sor.u32 $0x14000, s14;
	s16 =	sor.u32 $0x14010, s14;
	s17 =	sor.u32 $0x14020, s14;
	v3 =	vld [tilespmem:s14+$0x8070]  }
0x292: {  	s18 =	sor.u32 $0x14030, s14;
	s13 =	sor.u32 $0x14040, s14;
	s6 =	sor.u32 $0x14050, s14;
	v6 =	vld [tilespmem:s14+$0x8000]  }
0x293: {  	s11 =	sor.u32 $0x14060, s14;
	v7 =	vld [tilespmem:s14+$0x8010]  }
0x294: {  	v8 =	vld [tilespmem:s14+$0x8020]  }
0x295: {  	s19 =	sor.u32 $0x14070, s14;
	v9 =	vld [tilespmem:s14+$0x8030]  }
0x296: {  	[tilespmem:s19+$0x0] =	vst.add.f32.msk $0xffff, v3  }
0x297: {  	v5 =	vld [tilespmem:s14+$0x8040]  }
0x298: {  	v3 =	vld [tilespmem:s14+$0x8050]  }
.Ltmp8:
0x299: {  	v4 =	vld [tilespmem:s14+$0x8060];
	(pc) =	sbr.rel @p0 .LBB2_18-.Ltmp8, $4  }
0x29a: {  	[tilespmem:s15+$0x0] =	vst.add.f32.msk $0xffff, v6  }
0x29b: {  	[tilespmem:s16+$0x0] =	vst.add.f32.msk $0xffff, v7  }
0x29c: {  	[tilespmem:s17+$0x0] =	vst.add.f32.msk $0xffff, v8  }
0x29d: {  	s4 =	sadd.s32 $0x400, s4;
	s5 =	sadd.s32 $0x80, s5;
	s3 =	sadd.s32 $0x10, s3;
	[tilespmem:s18+$0x0] =	vst.add.f32.msk $0xffff, v9  }
0x29e: {  	[tilespmem:s13+$0x0] =	vst.add.f32.msk $0xffff, v5  }
0x29f: {  	[tilespmem:s6+$0x0] =	vst.add.f32.msk $0xffff, v3  }
0x2a0: {  	[tilespmem:s11+$0x0] =	vst.add.f32.msk $0xffff, v4  }
0x2a1: {  	s2 =	simm.s32 $0x0;
	s3 =	rddreg [dreg:$0x16]  }
0x2a2: {  	[hbm4b:s3+s2] =	stream.linear.scatter [tilespmem:s30], [sflag:$0x9], $0x4000, $0x38;
	[tilespmem:$0x18100] =	vst v63  }
0x2a3: {  	_ =	swait.ge [sflag:s29], $0x4000  }
0x2a4: {  	[sflag:s29] =	ssyncset.done $0x0  }
0x2a5: {  	s4 =	simm.s32 $0x8000;
	s19 =	rddreg [dreg:$0x1a];
	[sflag:s29] =	ssyncadd.s32 $0xFFFFC000  }
0x2a6: {  	[tilespmem:s4], [sflag:$0x3] =	stream.linear.gather [hbm4b:s19+s2], $0x4000, $0x38;
	[tilespmem:$0x18100] =	vst v63  }
0x2a7: {  	v3 =	vld [tilespmem:$0x180B0];
	_ =	sdelay $0x4  }
0x2a8: {  	v4 =	vshll.u32 v3, $0x3  }
0x2a9: {  	v3 =	vand.u32 $0x7, v3;
	v4 =	vand.u32 $0xFFFFFFC0, v4  }
0x2aa: {  	v3 =	vor.u32 v3, v4  }
0x2ab: {  	v4 =	vperm.xlane v3, v0;
	_ =	sdelay $0x1  }
0x2ac: {  	v4 =	vadd.s32 v1, v4;
	_ =	sdelay $0x4  }
0x2ad: {  	[tilespmem:s30], [sflag:$0x6] =	stream.indirect_vreg.gather [hbm4b:s31+s2], $0x80, v4, vm0, $0xb8;
	[tilespmem:$0x18100] =	vst v63  }
0x2ae: {  	s4 =	simm.s32 $0x14800;
	v3 =	vperm.xlane v3, v2  }
0x2af: {  	[tilespmem:s4], [sflag:$0x6] =	stream.indirect_vreg.gather [hbm4b:s7+s2], $0x80, v4, vm0, $0xb8;
	[tilespmem:$0x18100] =	vst v63  }
0x2b0: {  	s5 =	simm.s32 $0x15000;
	v3 =	vadd.s32 v1, v3  }
0x2b1: {  	[tilespmem:s5], [sflag:$0x6] =	stream.indirect_vreg.gather [hbm4b:s8+s2], $0x80, v4, vm0, $0xb8;
	[tilespmem:$0x18100] =	vst v63  }
0x2b2: {  	s6 =	simm.s32 $0x15800  }
0x2b3: {  	[tilespmem:s6], [sflag:$0x6] =	stream.indirect_vreg.gather [hbm4b:s9+s2], $0x80, v4, vm0, $0xb8;
	[tilespmem:$0x18100] =	vst v63  }
0x2b4: {  	s11 =	simm.s32 $0x16000  }
0x2b5: {  	[tilespmem:s11], [sflag:$0x6] =	stream.indirect_vreg.gather [hbm4b:s31+s2], $0x80, v3, vm0, $0xb8;
	[tilespmem:$0x18100] =	vst v63  }
0x2b6: {  	s13 =	simm.s32 $0x16800  }
0x2b7: {  	[tilespmem:s13], [sflag:$0x6] =	stream.indirect_vreg.gather [hbm4b:s7+s2], $0x80, v3, vm0, $0xb8;
	[tilespmem:$0x18100] =	vst v63  }
0x2b8: {  	s14 =	simm.s32 $0x17000  }
0x2b9: {  	[tilespmem:s14], [sflag:$0x6] =	stream.indirect_vreg.gather [hbm4b:s8+s2], $0x80, v3, vm0, $0xb8;
	[tilespmem:$0x18100] =	vst v63  }
0x2ba: {  	s15 =	simm.s32 $0x17800  }
0x2bb: {  	[tilespmem:s15], [sflag:$0x6] =	stream.indirect_vreg.gather [hbm4b:s9+s2], $0x80, v3, vm0, $0xb8;
	[tilespmem:$0x18100] =	vst v63  }
0x2bc: {  	_ =	swait.ge [sflag:s10], $0x4000  }
0x2bd: {  	[sflag:s10] =	ssyncset.done $0x0  }
0x2be: {  	[sflag:s10] =	ssyncadd.s32 $0xFFFFC000  }
0x2bf: {  	s16 =	sand.u32 $0x2000, s2;
	s17 =	sand.u32 $0x1C00, s2;
	_ =	swait.ge [sflag:s21], $0x4000  }
0x2c0: {  	s3 =	sor.u32 s17, s16;
	s2 =	sand.u32 $0x380, s2;
	[sflag:s21] =	ssyncset.done $0x0  }
0x2c1: {  	s3 =	sor.u32 s2, s3;
	[sflag:s21] =	ssyncadd.s32 $0xFFFFC000  }
0x2c2: {  	v3 =	vld [tilespmem:s3+$0x70]  }
0x2c3: {  	v6 =	vld [tilespmem:s3+$0x0]  }
0x2c4: {  	v7 =	vld [tilespmem:s3+$0x10]  }
0x2c5: {  	v8 =	vld [tilespmem:s3+$0x20]  }
0x2c6: {  	v9 =	vld [tilespmem:s3+$0x30]  }
0x2c7: {  	v5 =	vld [tilespmem:s3+$0x40]  }
0x2c8: {  	s2 =	sor.u32 $0xC070, s3;
	v4 =	vld [tilespmem:s3+$0x60]  }
0x2c9: {  	[tilespmem:s2+$0x0] =	vst.add.f32.msk $0xffff, v3  }
0x2ca: {  	s18 =	sor.u32 $0xC000, s3;
	v3 =	vld [tilespmem:s3+$0x50]  }
0x2cb: {  	s19 =	sor.u32 $0xC010, s3;
	[tilespmem:s18+$0x0] =	vst.add.f32.msk $0xffff, v6  }
0x2cc: {  	s4 =	simm.s32 $0x400;
	s5 =	sor.u32 $0xC020, s3;
	s14 =	sor.u32 $0xC030, s3;
	[tilespmem:s19+$0x0] =	vst.add.f32.msk $0xffff, v7  }
0x2cd: {  	s13 =	sor.u32 $0xC040, s3;
	s6 =	sor.u32 $0xC050, s3;
	s11 =	sor.u32 $0xC060, s3;
	[tilespmem:s5+$0x0] =	vst.add.f32.msk $0xffff, v8  }
0x2ce: {  	s2 =	simm.s32 $0x0;
	[tilespmem:s14+$0x0] =	vst.add.f32.msk $0xffff, v9;
	s3 =	simm.s32 $0x10;
	s5 =	simm.s32 $0x80  }
.LBB2_20:
0x2cf: {  	s14 =	sand.u32 $0x2000, s5;
	s15 =	sand.u32 $0x1C00, s4;
	s2 =	sadd.s32 $0x8, s2;
	[tilespmem:s13+$0x0] =	vst.add.f32.msk $0xffff, v5  }
0x2d0: {  	s13 =	sor.u32 s15, s14;
	s14 =	sand.u32 $0x380, s3;
	p0 =	slt.u32 s2, $0x3F8;
	[tilespmem:s6+$0x0] =	vst.add.f32.msk $0xffff, v3  }
0x2d1: {  	s14 =	sor.u32 s14, s13;
	[tilespmem:s11+$0x0] =	vst.add.f32.msk $0xffff, v4  }
0x2d2: {  	s15 =	sor.u32 $0xC000, s14;
	s16 =	sor.u32 $0xC010, s14;
	s17 =	sor.u32 $0xC020, s14;
	v3 =	vld [tilespmem:s14+$0x70]  }
0x2d3: {  	s18 =	sor.u32 $0xC030, s14;
	s13 =	sor.u32 $0xC040, s14;
	s6 =	sor.u32 $0xC050, s14;
	v6 =	vld [tilespmem:s14+$0x0]  }
0x2d4: {  	s11 =	sor.u32 $0xC060, s14;
	v7 =	vld [tilespmem:s14+$0x10]  }
0x2d5: {  	v8 =	vld [tilespmem:s14+$0x20]  }
0x2d6: {  	s19 =	sor.u32 $0xC070, s14;
	v9 =	vld [tilespmem:s14+$0x30]  }
0x2d7: {  	[tilespmem:s19+$0x0] =	vst.add.f32.msk $0xffff, v3  }
0x2d8: {  	v5 =	vld [tilespmem:s14+$0x40]  }
0x2d9: {  	v3 =	vld [tilespmem:s14+$0x50]  }
.Ltmp9:
0x2da: {  	v4 =	vld [tilespmem:s14+$0x60];
	(pc) =	sbr.rel @p0 .LBB2_20-.Ltmp9, $4  }
0x2db: {  	[tilespmem:s15+$0x0] =	vst.add.f32.msk $0xffff, v6  }
0x2dc: {  	[tilespmem:s16+$0x0] =	vst.add.f32.msk $0xffff, v7  }
0x2dd: {  	[tilespmem:s17+$0x0] =	vst.add.f32.msk $0xffff, v8  }
0x2de: {  	s4 =	sadd.s32 $0x400, s4;
	s5 =	sadd.s32 $0x80, s5;
	s3 =	sadd.s32 $0x10, s3;
	[tilespmem:s18+$0x0] =	vst.add.f32.msk $0xffff, v9  }
0x2df: {  	[tilespmem:s13+$0x0] =	vst.add.f32.msk $0xffff, v5  }
0x2e0: {  	[tilespmem:s6+$0x0] =	vst.add.f32.msk $0xffff, v3  }
0x2e1: {  	[tilespmem:s11+$0x0] =	vst.add.f32.msk $0xffff, v4  }
0x2e2: {  	s2 =	simm.s32 $0x0;
	s3 =	rddreg [dreg:$0x17]  }
0x2e3: {  	[hbm4b:s3+s2] =	stream.linear.scatter [tilespmem:s12], [sflag:$0x7], $0x4000, $0x38;
	[tilespmem:$0x18100] =	vst v63  }
0x2e4: {  	_ =	swait.ge [sflag:s22], $0x4000  }
0x2e5: {  	[sflag:s22] =	ssyncset.done $0x0  }
0x2e6: {  	s4 =	rddreg [dreg:$0x1c];
	[sflag:s22] =	ssyncadd.s32 $0xFFFFC000  }
0x2e7: {  	[tilespmem:s2], [sflag:$0x1] =	stream.linear.gather [hbm4b:s4+s2], $0x4000, $0x38;
	[tilespmem:$0x18100] =	vst v63  }
0x2e8: {  	v3 =	vld [tilespmem:$0x180C0];
	_ =	sdelay $0x4  }
0x2e9: {  	v4 =	vshll.u32 v3, $0x3  }
0x2ea: {  	v3 =	vand.u32 $0x7, v3;
	v4 =	vand.u32 $0xFFFFFFC0, v4  }
0x2eb: {  	v3 =	vor.u32 v3, v4  }
0x2ec: {  	v4 =	vperm.xlane v3, v0;
	_ =	sdelay $0x1  }
0x2ed: {  	v4 =	vadd.s32 v1, v4;
	_ =	sdelay $0x4  }
0x2ee: {  	[tilespmem:s12], [sflag:$0x4] =	stream.indirect_vreg.gather [hbm4b:s31+s2], $0x80, v4, vm0, $0xb8;
	[tilespmem:$0x18100] =	vst v63  }
0x2ef: {  	s5 =	simm.s32 $0xC800;
	v3 =	vperm.xlane v3, v2  }
0x2f0: {  	[tilespmem:s5], [sflag:$0x4] =	stream.indirect_vreg.gather [hbm4b:s7+s2], $0x80, v4, vm0, $0xb8;
	[tilespmem:$0x18100] =	vst v63  }
0x2f1: {  	s6 =	simm.s32 $0xD000;
	v3 =	vadd.s32 v1, v3  }
0x2f2: {  	[tilespmem:s6], [sflag:$0x4] =	stream.indirect_vreg.gather [hbm4b:s8+s2], $0x80, v4, vm0, $0xb8;
	[tilespmem:$0x18100] =	vst v63  }
0x2f3: {  	s11 =	simm.s32 $0xD800  }
0x2f4: {  	[tilespmem:s11], [sflag:$0x4] =	stream.indirect_vreg.gather [hbm4b:s9+s2], $0x80, v4, vm0, $0xb8;
	[tilespmem:$0x18100] =	vst v63  }
0x2f5: {  	s13 =	simm.s32 $0xE000  }
0x2f6: {  	[tilespmem:s13], [sflag:$0x4] =	stream.indirect_vreg.gather [hbm4b:s31+s2], $0x80, v3, vm0, $0xb8;
	[tilespmem:$0x18100] =	vst v63  }
0x2f7: {  	s14 =	simm.s32 $0xE800  }
0x2f8: {  	[tilespmem:s14], [sflag:$0x4] =	stream.indirect_vreg.gather [hbm4b:s7+s2], $0x80, v3, vm0, $0xb8;
	[tilespmem:$0x18100] =	vst v63  }
0x2f9: {  	s15 =	simm.s32 $0xF000  }
0x2fa: {  	[tilespmem:s15], [sflag:$0x4] =	stream.indirect_vreg.gather [hbm4b:s8+s2], $0x80, v3, vm0, $0xb8;
	[tilespmem:$0x18100] =	vst v63  }
0x2fb: {  	s16 =	simm.s32 $0xF800  }
0x2fc: {  	[tilespmem:s16], [sflag:$0x4] =	stream.indirect_vreg.gather [hbm4b:s9+s2], $0x80, v3, vm0, $0xb8;
	[tilespmem:$0x18100] =	vst v63  }
0x2fd: {  	_ =	swait.ge [sflag:s23], $0x4000  }
0x2fe: {  	[sflag:s23] =	ssyncset.done $0x0  }
0x2ff: {  	[sflag:s23] =	ssyncadd.s32 $0xFFFFC000  }
0x300: {  	s17 =	sand.u32 $0x2000, s2;
	s4 =	sand.u32 $0x1C00, s2;
	_ =	swait.ge [sflag:s24], $0x4000  }
0x301: {  	s3 =	sor.u32 s4, s17;
	s2 =	sand.u32 $0x380, s2;
	[sflag:s24] =	ssyncset.done $0x0  }
0x302: {  	s3 =	sor.u32 s2, s3;
	[sflag:s24] =	ssyncadd.s32 $0xFFFFC000  }
0x303: {  	v3 =	vld [tilespmem:s3+$0x4070]  }
0x304: {  	v6 =	vld [tilespmem:s3+$0x4000]  }
0x305: {  	v7 =	vld [tilespmem:s3+$0x4010]  }
0x306: {  	v8 =	vld [tilespmem:s3+$0x4020]  }
0x307: {  	v9 =	vld [tilespmem:s3+$0x4030]  }
0x308: {  	v5 =	vld [tilespmem:s3+$0x4040]  }
0x309: {  	s2 =	sor.u32 $0x10070, s3;
	v4 =	vld [tilespmem:s3+$0x4060]  }
0x30a: {  	[tilespmem:s2+$0x0] =	vst.add.f32.msk $0xffff, v3  }
0x30b: {  	s18 =	sor.u32 $0x10000, s3;
	v3 =	vld [tilespmem:s3+$0x4050]  }
0x30c: {  	s19 =	sor.u32 $0x10010, s3;
	[tilespmem:s18+$0x0] =	vst.add.f32.msk $0xffff, v6  }
0x30d: {  	s4 =	simm.s32 $0x400;
	s5 =	sor.u32 $0x10020, s3;
	s14 =	sor.u32 $0x10030, s3;
	[tilespmem:s19+$0x0] =	vst.add.f32.msk $0xffff, v7  }
0x30e: {  	s13 =	sor.u32 $0x10040, s3;
	s6 =	sor.u32 $0x10050, s3;
	s11 =	sor.u32 $0x10060, s3;
	[tilespmem:s5+$0x0] =	vst.add.f32.msk $0xffff, v8  }
0x30f: {  	s2 =	simm.s32 $0x0;
	[tilespmem:s14+$0x0] =	vst.add.f32.msk $0xffff, v9;
	s3 =	simm.s32 $0x10;
	s5 =	simm.s32 $0x80  }
.LBB2_22:
0x310: {  	s14 =	sand.u32 $0x2000, s5;
	s15 =	sand.u32 $0x1C00, s4;
	s2 =	sadd.s32 $0x8, s2;
	[tilespmem:s13+$0x0] =	vst.add.f32.msk $0xffff, v5  }
0x311: {  	s13 =	sor.u32 s15, s14;
	s14 =	sand.u32 $0x380, s3;
	p0 =	slt.u32 s2, $0x3F8;
	[tilespmem:s6+$0x0] =	vst.add.f32.msk $0xffff, v3  }
0x312: {  	s14 =	sor.u32 s14, s13;
	[tilespmem:s11+$0x0] =	vst.add.f32.msk $0xffff, v4  }
0x313: {  	s15 =	sor.u32 $0x10000, s14;
	s16 =	sor.u32 $0x10010, s14;
	s17 =	sor.u32 $0x10020, s14;
	v3 =	vld [tilespmem:s14+$0x4070]  }
0x314: {  	s18 =	sor.u32 $0x10030, s14;
	s13 =	sor.u32 $0x10040, s14;
	s6 =	sor.u32 $0x10050, s14;
	v6 =	vld [tilespmem:s14+$0x4000]  }
0x315: {  	s11 =	sor.u32 $0x10060, s14;
	v7 =	vld [tilespmem:s14+$0x4010]  }
0x316: {  	v8 =	vld [tilespmem:s14+$0x4020]  }
0x317: {  	s19 =	sor.u32 $0x10070, s14;
	v9 =	vld [tilespmem:s14+$0x4030]  }
0x318: {  	[tilespmem:s19+$0x0] =	vst.add.f32.msk $0xffff, v3  }
0x319: {  	v5 =	vld [tilespmem:s14+$0x4040]  }
0x31a: {  	v3 =	vld [tilespmem:s14+$0x4050]  }
.Ltmp10:
0x31b: {  	v4 =	vld [tilespmem:s14+$0x4060];
	(pc) =	sbr.rel @p0 .LBB2_22-.Ltmp10, $4  }
0x31c: {  	[tilespmem:s15+$0x0] =	vst.add.f32.msk $0xffff, v6  }
0x31d: {  	[tilespmem:s16+$0x0] =	vst.add.f32.msk $0xffff, v7  }
0x31e: {  	[tilespmem:s17+$0x0] =	vst.add.f32.msk $0xffff, v8  }
0x31f: {  	s4 =	sadd.s32 $0x400, s4;
	s5 =	sadd.s32 $0x80, s5;
	s3 =	sadd.s32 $0x10, s3;
	[tilespmem:s18+$0x0] =	vst.add.f32.msk $0xffff, v9  }
0x320: {  	[tilespmem:s13+$0x0] =	vst.add.f32.msk $0xffff, v5  }
0x321: {  	[tilespmem:s6+$0x0] =	vst.add.f32.msk $0xffff, v3  }
0x322: {  	[tilespmem:s11+$0x0] =	vst.add.f32.msk $0xffff, v4  }
0x323: {  	s2 =	simm.s32 $0x0;
	s3 =	rddreg [dreg:$0x19]  }
0x324: {  	[hbm4b:s3+s2] =	stream.linear.scatter [tilespmem:s20], [sflag:$0x8], $0x4000, $0x38;
	[tilespmem:$0x18100] =	vst v63  }
0x325: {  	_ =	swait.ge [sflag:s25], $0x4000  }
0x326: {  	s19 =	sld [smem:$0x7F7]  }
0x327: {  	[sflag:s25] =	ssyncset.done $0x0  }
0x328: {  	s4 =	simm.s32 $0x4000;
	[sflag:s25] =	ssyncadd.s32 $0xFFFFC000  }
0x329: {  	[tilespmem:s4], [sflag:$0x2] =	stream.linear.gather [hbm4b:s19+s2], $0x4000, $0x38;
	[tilespmem:$0x18100] =	vst v63  }
0x32a: {  	v3 =	vld [tilespmem:$0x180D0];
	_ =	sdelay $0x4  }
0x32b: {  	v4 =	vshll.u32 v3, $0x3  }
0x32c: {  	v3 =	vand.u32 $0x7, v3;
	v4 =	vand.u32 $0xFFFFFFC0, v4  }
0x32d: {  	v3 =	vor.u32 v3, v4  }
0x32e: {  	v4 =	vperm.xlane v3, v0;
	_ =	sdelay $0x1  }
0x32f: {  	v4 =	vadd.s32 v1, v4;
	_ =	sdelay $0x4  }
0x330: {  	[tilespmem:s20], [sflag:$0x5] =	stream.indirect_vreg.gather [hbm4b:s31+s2], $0x80, v4, vm0, $0xb8;
	[tilespmem:$0x18100] =	vst v63  }
0x331: {  	s4 =	simm.s32 $0x10800;
	v3 =	vperm.xlane v3, v2  }
0x332: {  	[tilespmem:s4], [sflag:$0x5] =	stream.indirect_vreg.gather [hbm4b:s7+s2], $0x80, v4, vm0, $0xb8;
	[tilespmem:$0x18100] =	vst v63  }
0x333: {  	s5 =	simm.s32 $0x11000;
	v3 =	vadd.s32 v1, v3  }
0x334: {  	[tilespmem:s5], [sflag:$0x5] =	stream.indirect_vreg.gather [hbm4b:s8+s2], $0x80, v4, vm0, $0xb8;
	[tilespmem:$0x18100] =	vst v63  }
0x335: {  	s6 =	simm.s32 $0x11800  }
0x336: {  	[tilespmem:s6], [sflag:$0x5] =	stream.indirect_vreg.gather [hbm4b:s9+s2], $0x80, v4, vm0, $0xb8;
	[tilespmem:$0x18100] =	vst v63  }
0x337: {  	s11 =	simm.s32 $0x12000  }
0x338: {  	[tilespmem:s11], [sflag:$0x5] =	stream.indirect_vreg.gather [hbm4b:s31+s2], $0x80, v3, vm0, $0xb8;
	[tilespmem:$0x18100] =	vst v63  }
0x339: {  	s13 =	simm.s32 $0x12800  }
0x33a: {  	[tilespmem:s13], [sflag:$0x5] =	stream.indirect_vreg.gather [hbm4b:s7+s2], $0x80, v3, vm0, $0xb8;
	[tilespmem:$0x18100] =	vst v63  }
0x33b: {  	s14 =	simm.s32 $0x13000  }
0x33c: {  	[tilespmem:s14], [sflag:$0x5] =	stream.indirect_vreg.gather [hbm4b:s8+s2], $0x80, v3, vm0, $0xb8;
	[tilespmem:$0x18100] =	vst v63  }
0x33d: {  	s15 =	simm.s32 $0x13800  }
0x33e: {  	[tilespmem:s15], [sflag:$0x5] =	stream.indirect_vreg.gather [hbm4b:s9+s2], $0x80, v3, vm0, $0xb8;
	[tilespmem:$0x18100] =	vst v63  }
0x33f: {  	_ =	swait.ge [sflag:s26], $0x4000  }
0x340: {  	[sflag:s26] =	ssyncset.done $0x0  }
0x341: {  	[sflag:s26] =	ssyncadd.s32 $0xFFFFC000  }
0x342: {  	s16 =	sand.u32 $0x2000, s2;
	s17 =	sand.u32 $0x1C00, s2;
	_ =	swait.ge [sflag:s28], $0x4000  }
0x343: {  	s3 =	sor.u32 s17, s16;
	s2 =	sand.u32 $0x380, s2;
	[sflag:s28] =	ssyncset.done $0x0  }
0x344: {  	s3 =	sor.u32 s2, s3;
	[sflag:s28] =	ssyncadd.s32 $0xFFFFC000  }
0x345: {  	v3 =	vld [tilespmem:s3+$0x8070]  }
0x346: {  	v6 =	vld [tilespmem:s3+$0x8000]  }
0x347: {  	v7 =	vld [tilespmem:s3+$0x8010]  }
0x348: {  	v8 =	vld [tilespmem:s3+$0x8020]  }
0x349: {  	v9 =	vld [tilespmem:s3+$0x8030]  }
0x34a: {  	v5 =	vld [tilespmem:s3+$0x8040]  }
0x34b: {  	s2 =	sor.u32 $0x14070, s3;
	v4 =	vld [tilespmem:s3+$0x8060]  }
0x34c: {  	[tilespmem:s2+$0x0] =	vst.add.f32.msk $0xffff, v3  }
0x34d: {  	s18 =	sor.u32 $0x14000, s3;
	v3 =	vld [tilespmem:s3+$0x8050]  }
0x34e: {  	s19 =	sor.u32 $0x14010, s3;
	[tilespmem:s18+$0x0] =	vst.add.f32.msk $0xffff, v6  }
0x34f: {  	s4 =	simm.s32 $0x400;
	s5 =	sor.u32 $0x14020, s3;
	s14 =	sor.u32 $0x14030, s3;
	[tilespmem:s19+$0x0] =	vst.add.f32.msk $0xffff, v7  }
0x350: {  	s13 =	sor.u32 $0x14040, s3;
	s6 =	sor.u32 $0x14050, s3;
	s11 =	sor.u32 $0x14060, s3;
	[tilespmem:s5+$0x0] =	vst.add.f32.msk $0xffff, v8  }
0x351: {  	s2 =	simm.s32 $0x0;
	[tilespmem:s14+$0x0] =	vst.add.f32.msk $0xffff, v9;
	s3 =	simm.s32 $0x10;
	s5 =	simm.s32 $0x80  }
.LBB2_24:
0x352: {  	s14 =	sand.u32 $0x2000, s5;
	s15 =	sand.u32 $0x1C00, s4;
	s2 =	sadd.s32 $0x8, s2;
	[tilespmem:s13+$0x0] =	vst.add.f32.msk $0xffff, v5  }
0x353: {  	s13 =	sor.u32 s15, s14;
	s14 =	sand.u32 $0x380, s3;
	p0 =	slt.u32 s2, $0x3F8;
	[tilespmem:s6+$0x0] =	vst.add.f32.msk $0xffff, v3  }
0x354: {  	s14 =	sor.u32 s14, s13;
	[tilespmem:s11+$0x0] =	vst.add.f32.msk $0xffff, v4  }
0x355: {  	s15 =	sor.u32 $0x14000, s14;
	s16 =	sor.u32 $0x14010, s14;
	s17 =	sor.u32 $0x14020, s14;
	v3 =	vld [tilespmem:s14+$0x8070]  }
0x356: {  	s18 =	sor.u32 $0x14030, s14;
	s13 =	sor.u32 $0x14040, s14;
	s6 =	sor.u32 $0x14050, s14;
	v6 =	vld [tilespmem:s14+$0x8000]  }
0x357: {  	s11 =	sor.u32 $0x14060, s14;
	v7 =	vld [tilespmem:s14+$0x8010]  }
0x358: {  	v8 =	vld [tilespmem:s14+$0x8020]  }
0x359: {  	s19 =	sor.u32 $0x14070, s14;
	v9 =	vld [tilespmem:s14+$0x8030]  }
0x35a: {  	[tilespmem:s19+$0x0] =	vst.add.f32.msk $0xffff, v3  }
0x35b: {  	v5 =	vld [tilespmem:s14+$0x8040]  }
0x35c: {  	v3 =	vld [tilespmem:s14+$0x8050]  }
.Ltmp11:
0x35d: {  	v4 =	vld [tilespmem:s14+$0x8060];
	(pc) =	sbr.rel @p0 .LBB2_24-.Ltmp11, $4  }
0x35e: {  	[tilespmem:s15+$0x0] =	vst.add.f32.msk $0xffff, v6  }
0x35f: {  	[tilespmem:s16+$0x0] =	vst.add.f32.msk $0xffff, v7  }
0x360: {  	[tilespmem:s17+$0x0] =	vst.add.f32.msk $0xffff, v8  }
0x361: {  	s4 =	sadd.s32 $0x400, s4;
	s5 =	sadd.s32 $0x80, s5;
	s3 =	sadd.s32 $0x10, s3;
	[tilespmem:s18+$0x0] =	vst.add.f32.msk $0xffff, v9  }
0x362: {  	[tilespmem:s13+$0x0] =	vst.add.f32.msk $0xffff, v5  }
0x363: {  	[tilespmem:s6+$0x0] =	vst.add.f32.msk $0xffff, v3  }
0x364: {  	[tilespmem:s11+$0x0] =	vst.add.f32.msk $0xffff, v4  }
0x365: {  	s2 =	simm.s32 $0x0;
	s3 =	rddreg [dreg:$0x1b]  }
0x366: {  	[hbm4b:s3+s2] =	stream.linear.scatter [tilespmem:s30], [sflag:$0x9], $0x4000, $0x38;
	[tilespmem:$0x18100] =	vst v63  }
0x367: {  	_ =	swait.ge [sflag:s29], $0x4000  }
0x368: {  	s19 =	sld [smem:$0x7F8]  }
0x369: {  	[sflag:s29] =	ssyncset.done $0x0  }
0x36a: {  	s4 =	simm.s32 $0x8000;
	[sflag:s29] =	ssyncadd.s32 $0xFFFFC000  }
0x36b: {  	[tilespmem:s4], [sflag:$0x3] =	stream.linear.gather [hbm4b:s19+s2], $0x4000, $0x38;
	[tilespmem:$0x18100] =	vst v63  }
0x36c: {  	v3 =	vld [tilespmem:$0x180E0];
	_ =	sdelay $0x4  }
0x36d: {  	v4 =	vshll.u32 v3, $0x3  }
0x36e: {  	v3 =	vand.u32 $0x7, v3;
	v4 =	vand.u32 $0xFFFFFFC0, v4  }
0x36f: {  	v3 =	vor.u32 v3, v4  }
0x370: {  	v4 =	vperm.xlane v3, v0;
	_ =	sdelay $0x1  }
0x371: {  	v4 =	vadd.s32 v1, v4;
	_ =	sdelay $0x4  }
0x372: {  	[tilespmem:s30], [sflag:$0x6] =	stream.indirect_vreg.gather [hbm4b:s31+s2], $0x80, v4, vm0, $0xb8;
	[tilespmem:$0x18100] =	vst v63  }
0x373: {  	s4 =	simm.s32 $0x14800;
	v3 =	vperm.xlane v3, v2  }
0x374: {  	[tilespmem:s4], [sflag:$0x6] =	stream.indirect_vreg.gather [hbm4b:s7+s2], $0x80, v4, vm0, $0xb8;
	[tilespmem:$0x18100] =	vst v63  }
0x375: {  	s5 =	simm.s32 $0x15000;
	v3 =	vadd.s32 v1, v3  }
0x376: {  	[tilespmem:s5], [sflag:$0x6] =	stream.indirect_vreg.gather [hbm4b:s8+s2], $0x80, v4, vm0, $0xb8;
	[tilespmem:$0x18100] =	vst v63  }
0x377: {  	s6 =	simm.s32 $0x15800  }
0x378: {  	[tilespmem:s6], [sflag:$0x6] =	stream.indirect_vreg.gather [hbm4b:s9+s2], $0x80, v4, vm0, $0xb8;
	[tilespmem:$0x18100] =	vst v63  }
0x379: {  	s11 =	simm.s32 $0x16000  }
0x37a: {  	[tilespmem:s11], [sflag:$0x6] =	stream.indirect_vreg.gather [hbm4b:s31+s2], $0x80, v3, vm0, $0xb8;
	[tilespmem:$0x18100] =	vst v63  }
0x37b: {  	s13 =	simm.s32 $0x16800  }
0x37c: {  	[tilespmem:s13], [sflag:$0x6] =	stream.indirect_vreg.gather [hbm4b:s7+s2], $0x80, v3, vm0, $0xb8;
	[tilespmem:$0x18100] =	vst v63  }
0x37d: {  	s14 =	simm.s32 $0x17000  }
0x37e: {  	[tilespmem:s14], [sflag:$0x6] =	stream.indirect_vreg.gather [hbm4b:s8+s2], $0x80, v3, vm0, $0xb8;
	[tilespmem:$0x18100] =	vst v63  }
0x37f: {  	s15 =	simm.s32 $0x17800  }
0x380: {  	[tilespmem:s15], [sflag:$0x6] =	stream.indirect_vreg.gather [hbm4b:s9+s2], $0x80, v3, vm0, $0xb8;
	[tilespmem:$0x18100] =	vst v63  }
0x381: {  	_ =	swait.ge [sflag:s10], $0x4000  }
0x382: {  	[sflag:s10] =	ssyncset.done $0x0  }
0x383: {  	[sflag:s10] =	ssyncadd.s32 $0xFFFFC000  }
0x384: {  	s16 =	sand.u32 $0x2000, s2;
	s17 =	sand.u32 $0x1C00, s2;
	_ =	swait.ge [sflag:s21], $0x4000  }
0x385: {  	s3 =	sor.u32 s17, s16;
	s2 =	sand.u32 $0x380, s2;
	[sflag:s21] =	ssyncset.done $0x0  }
0x386: {  	s3 =	sor.u32 s2, s3;
	[sflag:s21] =	ssyncadd.s32 $0xFFFFC000  }
0x387: {  	v3 =	vld [tilespmem:s3+$0x70]  }
0x388: {  	v6 =	vld [tilespmem:s3+$0x0]  }
0x389: {  	v7 =	vld [tilespmem:s3+$0x10]  }
0x38a: {  	v8 =	vld [tilespmem:s3+$0x20]  }
0x38b: {  	v9 =	vld [tilespmem:s3+$0x30]  }
0x38c: {  	v5 =	vld [tilespmem:s3+$0x40]  }
0x38d: {  	s2 =	sor.u32 $0xC070, s3;
	v4 =	vld [tilespmem:s3+$0x60]  }
0x38e: {  	[tilespmem:s2+$0x0] =	vst.add.f32.msk $0xffff, v3  }
0x38f: {  	s18 =	sor.u32 $0xC000, s3;
	v3 =	vld [tilespmem:s3+$0x50]  }
0x390: {  	s19 =	sor.u32 $0xC010, s3;
	[tilespmem:s18+$0x0] =	vst.add.f32.msk $0xffff, v6  }
0x391: {  	s4 =	simm.s32 $0x400;
	s5 =	sor.u32 $0xC020, s3;
	s14 =	sor.u32 $0xC030, s3;
	[tilespmem:s19+$0x0] =	vst.add.f32.msk $0xffff, v7  }
0x392: {  	s13 =	sor.u32 $0xC040, s3;
	s6 =	sor.u32 $0xC050, s3;
	s11 =	sor.u32 $0xC060, s3;
	[tilespmem:s5+$0x0] =	vst.add.f32.msk $0xffff, v8  }
0x393: {  	s2 =	simm.s32 $0x0;
	[tilespmem:s14+$0x0] =	vst.add.f32.msk $0xffff, v9;
	s3 =	simm.s32 $0x10;
	s5 =	simm.s32 $0x80  }
.LBB2_26:
0x394: {  	s14 =	sand.u32 $0x2000, s5;
	s15 =	sand.u32 $0x1C00, s4;
	s2 =	sadd.s32 $0x8, s2;
	[tilespmem:s13+$0x0] =	vst.add.f32.msk $0xffff, v5  }
0x395: {  	s13 =	sor.u32 s15, s14;
	s14 =	sand.u32 $0x380, s3;
	p0 =	slt.u32 s2, $0x3F8;
	[tilespmem:s6+$0x0] =	vst.add.f32.msk $0xffff, v3  }
0x396: {  	s14 =	sor.u32 s14, s13;
	[tilespmem:s11+$0x0] =	vst.add.f32.msk $0xffff, v4  }
0x397: {  	s15 =	sor.u32 $0xC000, s14;
	s16 =	sor.u32 $0xC010, s14;
	s17 =	sor.u32 $0xC020, s14;
	v3 =	vld [tilespmem:s14+$0x70]  }
0x398: {  	s18 =	sor.u32 $0xC030, s14;
	s13 =	sor.u32 $0xC040, s14;
	s6 =	sor.u32 $0xC050, s14;
	v6 =	vld [tilespmem:s14+$0x0]  }
0x399: {  	s11 =	sor.u32 $0xC060, s14;
	v7 =	vld [tilespmem:s14+$0x10]  }
0x39a: {  	v8 =	vld [tilespmem:s14+$0x20]  }
0x39b: {  	s19 =	sor.u32 $0xC070, s14;
	v9 =	vld [tilespmem:s14+$0x30]  }
0x39c: {  	[tilespmem:s19+$0x0] =	vst.add.f32.msk $0xffff, v3  }
0x39d: {  	v5 =	vld [tilespmem:s14+$0x40]  }
0x39e: {  	v3 =	vld [tilespmem:s14+$0x50]  }
.Ltmp12:
0x39f: {  	v4 =	vld [tilespmem:s14+$0x60];
	(pc) =	sbr.rel @p0 .LBB2_26-.Ltmp12, $4  }
0x3a0: {  	[tilespmem:s15+$0x0] =	vst.add.f32.msk $0xffff, v6  }
0x3a1: {  	[tilespmem:s16+$0x0] =	vst.add.f32.msk $0xffff, v7  }
0x3a2: {  	[tilespmem:s17+$0x0] =	vst.add.f32.msk $0xffff, v8  }
0x3a3: {  	s4 =	sadd.s32 $0x400, s4;
	s5 =	sadd.s32 $0x80, s5;
	s3 =	sadd.s32 $0x10, s3;
	[tilespmem:s18+$0x0] =	vst.add.f32.msk $0xffff, v9  }
0x3a4: {  	[tilespmem:s13+$0x0] =	vst.add.f32.msk $0xffff, v5  }
0x3a5: {  	[tilespmem:s6+$0x0] =	vst.add.f32.msk $0xffff, v3  }
0x3a6: {  	[tilespmem:s11+$0x0] =	vst.add.f32.msk $0xffff, v4  }
0x3a7: {  	s2 =	simm.s32 $0x0;
	s3 =	rddreg [dreg:$0x1d]  }
0x3a8: {  	[hbm4b:s3+s2] =	stream.linear.scatter [tilespmem:s12], [sflag:$0x7], $0x4000, $0x38;
	[tilespmem:$0x18100] =	vst v63  }
0x3a9: {  	_ =	swait.ge [sflag:s22], $0x4000  }
0x3aa: {  	s4 =	sld [smem:$0x7F9]  }
0x3ab: {  	[sflag:s22] =	ssyncset.done $0x0  }
0x3ac: {  	[sflag:s22] =	ssyncadd.s32 $0xFFFFC000  }
0x3ad: {  	[tilespmem:s2], [sflag:$0x1] =	stream.linear.gather [hbm4b:s4+s2], $0x4000, $0x38;
	[tilespmem:$0x18100] =	vst v63  }
0x3ae: {  	v3 =	vld [tilespmem:$0x180F0];
	_ =	sdelay $0x4  }
0x3af: {  	v4 =	vshll.u32 v3, $0x3  }
0x3b0: {  	v3 =	vand.u32 $0x7, v3;
	v4 =	vand.u32 $0xFFFFFFC0, v4  }
0x3b1: {  	v3 =	vor.u32 v3, v4  }
0x3b2: {  	v4 =	vperm.xlane v3, v0;
	_ =	sdelay $0x1  }
0x3b3: {  	v4 =	vadd.s32 v1, v4;
	_ =	sdelay $0x4  }
0x3b4: {  	[tilespmem:s12], [sflag:$0x4] =	stream.indirect_vreg.gather [hbm4b:s31+s2], $0x80, v4, vm0, $0xb8;
	[tilespmem:$0x18100] =	vst v63  }
0x3b5: {  	s5 =	simm.s32 $0xC800;
	v3 =	vperm.xlane v3, v2  }
0x3b6: {  	[tilespmem:s5], [sflag:$0x4] =	stream.indirect_vreg.gather [hbm4b:s7+s2], $0x80, v4, vm0, $0xb8;
	[tilespmem:$0x18100] =	vst v63  }
0x3b7: {  	s6 =	simm.s32 $0xD000;
	v3 =	vadd.s32 v1, v3  }
0x3b8: {  	[tilespmem:s6], [sflag:$0x4] =	stream.indirect_vreg.gather [hbm4b:s8+s2], $0x80, v4, vm0, $0xb8;
	[tilespmem:$0x18100] =	vst v63  }
0x3b9: {  	s11 =	simm.s32 $0xD800  }
0x3ba: {  	[tilespmem:s11], [sflag:$0x4] =	stream.indirect_vreg.gather [hbm4b:s9+s2], $0x80, v4, vm0, $0xb8;
	[tilespmem:$0x18100] =	vst v63  }
0x3bb: {  	s13 =	simm.s32 $0xE000  }
0x3bc: {  	[tilespmem:s13], [sflag:$0x4] =	stream.indirect_vreg.gather [hbm4b:s31+s2], $0x80, v3, vm0, $0xb8;
	[tilespmem:$0x18100] =	vst v63  }
0x3bd: {  	s14 =	simm.s32 $0xE800  }
0x3be: {  	[tilespmem:s14], [sflag:$0x4] =	stream.indirect_vreg.gather [hbm4b:s7+s2], $0x80, v3, vm0, $0xb8;
	[tilespmem:$0x18100] =	vst v63  }
0x3bf: {  	s15 =	simm.s32 $0xF000  }
0x3c0: {  	[tilespmem:s15], [sflag:$0x4] =	stream.indirect_vreg.gather [hbm4b:s8+s2], $0x80, v3, vm0, $0xb8;
	[tilespmem:$0x18100] =	vst v63  }
0x3c1: {  	s16 =	simm.s32 $0xF800  }
0x3c2: {  	[tilespmem:s16], [sflag:$0x4] =	stream.indirect_vreg.gather [hbm4b:s9+s2], $0x80, v3, vm0, $0xb8;
	[tilespmem:$0x18100] =	vst v63  }
0x3c3: {  	_ =	swait.ge [sflag:s23], $0x4000  }
0x3c4: {  	[sflag:s23] =	ssyncset.done $0x0  }
0x3c5: {  	[sflag:s23] =	ssyncadd.s32 $0xFFFFC000  }
0x3c6: {  	s17 =	sand.u32 $0x2000, s2;
	s4 =	sand.u32 $0x1C00, s2;
	_ =	swait.ge [sflag:s24], $0x4000  }
0x3c7: {  	s3 =	sor.u32 s4, s17;
	s2 =	sand.u32 $0x380, s2;
	[sflag:s24] =	ssyncset.done $0x0  }
0x3c8: {  	s3 =	sor.u32 s2, s3;
	[sflag:s24] =	ssyncadd.s32 $0xFFFFC000  }
0x3c9: {  	v3 =	vld [tilespmem:s3+$0x4070]  }
0x3ca: {  	v6 =	vld [tilespmem:s3+$0x4000]  }
0x3cb: {  	v7 =	vld [tilespmem:s3+$0x4010]  }
0x3cc: {  	v8 =	vld [tilespmem:s3+$0x4020]  }
0x3cd: {  	v9 =	vld [tilespmem:s3+$0x4030]  }
0x3ce: {  	v5 =	vld [tilespmem:s3+$0x4040]  }
0x3cf: {  	s2 =	sor.u32 $0x10070, s3;
	v4 =	vld [tilespmem:s3+$0x4060]  }
0x3d0: {  	[tilespmem:s2+$0x0] =	vst.add.f32.msk $0xffff, v3  }
0x3d1: {  	s18 =	sor.u32 $0x10000, s3;
	v3 =	vld [tilespmem:s3+$0x4050]  }
0x3d2: {  	s19 =	sor.u32 $0x10010, s3;
	[tilespmem:s18+$0x0] =	vst.add.f32.msk $0xffff, v6  }
0x3d3: {  	s4 =	simm.s32 $0x400;
	s5 =	sor.u32 $0x10020, s3;
	s14 =	sor.u32 $0x10030, s3;
	[tilespmem:s19+$0x0] =	vst.add.f32.msk $0xffff, v7  }
0x3d4: {  	s13 =	sor.u32 $0x10040, s3;
	s6 =	sor.u32 $0x10050, s3;
	s11 =	sor.u32 $0x10060, s3;
	[tilespmem:s5+$0x0] =	vst.add.f32.msk $0xffff, v8  }
0x3d5: {  	s2 =	simm.s32 $0x0;
	[tilespmem:s14+$0x0] =	vst.add.f32.msk $0xffff, v9;
	s3 =	simm.s32 $0x10;
	s5 =	simm.s32 $0x80  }
.LBB2_28:
0x3d6: {  	s14 =	sand.u32 $0x2000, s5;
	s15 =	sand.u32 $0x1C00, s4;
	s2 =	sadd.s32 $0x8, s2;
	[tilespmem:s13+$0x0] =	vst.add.f32.msk $0xffff, v5  }
0x3d7: {  	s13 =	sor.u32 s15, s14;
	s14 =	sand.u32 $0x380, s3;
	p0 =	slt.u32 s2, $0x3F8;
	[tilespmem:s6+$0x0] =	vst.add.f32.msk $0xffff, v3  }
0x3d8: {  	s14 =	sor.u32 s14, s13;
	[tilespmem:s11+$0x0] =	vst.add.f32.msk $0xffff, v4  }
0x3d9: {  	s15 =	sor.u32 $0x10000, s14;
	s16 =	sor.u32 $0x10010, s14;
	s17 =	sor.u32 $0x10020, s14;
	v3 =	vld [tilespmem:s14+$0x4070]  }
0x3da: {  	s18 =	sor.u32 $0x10030, s14;
	s13 =	sor.u32 $0x10040, s14;
	s6 =	sor.u32 $0x10050, s14;
	v6 =	vld [tilespmem:s14+$0x4000]  }
0x3db: {  	s11 =	sor.u32 $0x10060, s14;
	v7 =	vld [tilespmem:s14+$0x4010]  }
0x3dc: {  	v8 =	vld [tilespmem:s14+$0x4020]  }
0x3dd: {  	s19 =	sor.u32 $0x10070, s14;
	v9 =	vld [tilespmem:s14+$0x4030]  }
0x3de: {  	[tilespmem:s19+$0x0] =	vst.add.f32.msk $0xffff, v3  }
0x3df: {  	v5 =	vld [tilespmem:s14+$0x4040]  }
0x3e0: {  	v3 =	vld [tilespmem:s14+$0x4050]  }
.Ltmp13:
0x3e1: {  	v4 =	vld [tilespmem:s14+$0x4060];
	(pc) =	sbr.rel @p0 .LBB2_28-.Ltmp13, $4  }
0x3e2: {  	[tilespmem:s15+$0x0] =	vst.add.f32.msk $0xffff, v6  }
0x3e3: {  	[tilespmem:s16+$0x0] =	vst.add.f32.msk $0xffff, v7  }
0x3e4: {  	[tilespmem:s17+$0x0] =	vst.add.f32.msk $0xffff, v8  }
0x3e5: {  	s4 =	sadd.s32 $0x400, s4;
	s5 =	sadd.s32 $0x80, s5;
	s3 =	sadd.s32 $0x10, s3;
	[tilespmem:s18+$0x0] =	vst.add.f32.msk $0xffff, v9  }
0x3e6: {  	[tilespmem:s13+$0x0] =	vst.add.f32.msk $0xffff, v5  }
0x3e7: {  	[tilespmem:s6+$0x0] =	vst.add.f32.msk $0xffff, v3  }
0x3e8: {  	[tilespmem:s11+$0x0] =	vst.add.f32.msk $0xffff, v4  }
0x3e9: {  	s3 =	sld [smem:$0x7FA];
	_ =	sdelay $0x1  }
0x3ea: {  	s2 =	simm.s32 $0x0  }
0x3eb: {  	[hbm4b:s3+s2] =	stream.linear.scatter [tilespmem:s20], [sflag:$0x8], $0x4000, $0x38;
	[tilespmem:$0x18100] =	vst v63  }
0x3ec: {  	_ =	swait.ge [sflag:s26], $0x4000  }
0x3ed: {  	[sflag:s26] =	ssyncset.done $0x0  }
0x3ee: {  	[sflag:s26] =	ssyncadd.s32 $0xFFFFC000  }
0x3ef: {  	s17 =	sand.u32 $0x2000, s2;
	s4 =	sand.u32 $0x1C00, s2;
	_ =	swait.ge [sflag:s28], $0x4000  }
0x3f0: {  	s3 =	sor.u32 s4, s17;
	s2 =	sand.u32 $0x380, s2;
	[sflag:s28] =	ssyncset.done $0x0  }
0x3f1: {  	s3 =	sor.u32 s2, s3;
	[sflag:s28] =	ssyncadd.s32 $0xFFFFC000  }
0x3f2: {  	v3 =	vld [tilespmem:s3+$0x8070]  }
0x3f3: {  	v6 =	vld [tilespmem:s3+$0x8000]  }
0x3f4: {  	v7 =	vld [tilespmem:s3+$0x8010]  }
0x3f5: {  	v8 =	vld [tilespmem:s3+$0x8020]  }
0x3f6: {  	v9 =	vld [tilespmem:s3+$0x8030]  }
0x3f7: {  	v5 =	vld [tilespmem:s3+$0x8040]  }
0x3f8: {  	s2 =	sor.u32 $0x14070, s3;
	v4 =	vld [tilespmem:s3+$0x8060]  }
0x3f9: {  	[tilespmem:s2+$0x0] =	vst.add.f32.msk $0xffff, v3  }
0x3fa: {  	s18 =	sor.u32 $0x14000, s3;
	v3 =	vld [tilespmem:s3+$0x8050]  }
0x3fb: {  	s19 =	sor.u32 $0x14010, s3;
	[tilespmem:s18+$0x0] =	vst.add.f32.msk $0xffff, v6  }
0x3fc: {  	s4 =	simm.s32 $0x400;
	s5 =	sor.u32 $0x14020, s3;
	s14 =	sor.u32 $0x14030, s3;
	[tilespmem:s19+$0x0] =	vst.add.f32.msk $0xffff, v7  }
0x3fd: {  	s13 =	sor.u32 $0x14040, s3;
	s6 =	sor.u32 $0x14050, s3;
	s11 =	sor.u32 $0x14060, s3;
	[tilespmem:s5+$0x0] =	vst.add.f32.msk $0xffff, v8  }
0x3fe: {  	s2 =	simm.s32 $0x0;
	[tilespmem:s14+$0x0] =	vst.add.f32.msk $0xffff, v9;
	s3 =	simm.s32 $0x10;
	s5 =	simm.s32 $0x80  }
.LBB2_30:
0x3ff: {  	s14 =	sand.u32 $0x2000, s5;
	s15 =	sand.u32 $0x1C00, s4;
	s2 =	sadd.s32 $0x8, s2;
	[tilespmem:s13+$0x0] =	vst.add.f32.msk $0xffff, v5  }
0x400: {  	s13 =	sor.u32 s15, s14;
	s14 =	sand.u32 $0x380, s3;
	p0 =	slt.u32 s2, $0x3F8;
	[tilespmem:s6+$0x0] =	vst.add.f32.msk $0xffff, v3  }
0x401: {  	s14 =	sor.u32 s14, s13;
	[tilespmem:s11+$0x0] =	vst.add.f32.msk $0xffff, v4  }
0x402: {  	s15 =	sor.u32 $0x14000, s14;
	s16 =	sor.u32 $0x14010, s14;
	s17 =	sor.u32 $0x14020, s14;
	v3 =	vld [tilespmem:s14+$0x8070]  }
0x403: {  	s18 =	sor.u32 $0x14030, s14;
	s13 =	sor.u32 $0x14040, s14;
	s6 =	sor.u32 $0x14050, s14;
	v6 =	vld [tilespmem:s14+$0x8000]  }
0x404: {  	s11 =	sor.u32 $0x14060, s14;
	v7 =	vld [tilespmem:s14+$0x8010]  }
0x405: {  	v8 =	vld [tilespmem:s14+$0x8020]  }
0x406: {  	s19 =	sor.u32 $0x14070, s14;
	v9 =	vld [tilespmem:s14+$0x8030]  }
0x407: {  	[tilespmem:s19+$0x0] =	vst.add.f32.msk $0xffff, v3  }
0x408: {  	v5 =	vld [tilespmem:s14+$0x8040]  }
0x409: {  	v3 =	vld [tilespmem:s14+$0x8050]  }
.Ltmp14:
0x40a: {  	v4 =	vld [tilespmem:s14+$0x8060];
	(pc) =	sbr.rel @p0 .LBB2_30-.Ltmp14, $4  }
0x40b: {  	[tilespmem:s15+$0x0] =	vst.add.f32.msk $0xffff, v6  }
0x40c: {  	[tilespmem:s16+$0x0] =	vst.add.f32.msk $0xffff, v7  }
0x40d: {  	[tilespmem:s17+$0x0] =	vst.add.f32.msk $0xffff, v8  }
0x40e: {  	s4 =	sadd.s32 $0x400, s4;
	s5 =	sadd.s32 $0x80, s5;
	s3 =	sadd.s32 $0x10, s3;
	[tilespmem:s18+$0x0] =	vst.add.f32.msk $0xffff, v9  }
0x40f: {  	[tilespmem:s13+$0x0] =	vst.add.f32.msk $0xffff, v5  }
0x410: {  	[tilespmem:s6+$0x0] =	vst.add.f32.msk $0xffff, v3  }
0x411: {  	[tilespmem:s11+$0x0] =	vst.add.f32.msk $0xffff, v4  }
0x412: {  	s3 =	sld [smem:$0x7FB];
	_ =	sdelay $0x1  }
0x413: {  	s2 =	simm.s32 $0x0  }
0x414: {  	[hbm4b:s3+s2] =	stream.linear.scatter [tilespmem:s30], [sflag:$0x9], $0x4000, $0x38;
	[tilespmem:$0x18100] =	vst v63  }
0x415: {  	_ =	swait.ge [sflag:s10], $0x4000  }
0x416: {  	[sflag:s10] =	ssyncset.done $0x0  }
0x417: {  	[sflag:s10] =	ssyncadd.s32 $0xFFFFC000  }
0x418: {  	s17 =	sand.u32 $0x2000, s2;
	s4 =	sand.u32 $0x1C00, s2;
	_ =	swait.ge [sflag:s21], $0x4000  }
0x419: {  	s3 =	sor.u32 s4, s17;
	s2 =	sand.u32 $0x380, s2;
	[sflag:s21] =	ssyncset.done $0x0  }
0x41a: {  	s3 =	sor.u32 s2, s3;
	[sflag:s21] =	ssyncadd.s32 $0xFFFFC000  }
0x41b: {  	v3 =	vld [tilespmem:s3+$0x70]  }
0x41c: {  	v6 =	vld [tilespmem:s3+$0x0]  }
0x41d: {  	v7 =	vld [tilespmem:s3+$0x10]  }
0x41e: {  	v8 =	vld [tilespmem:s3+$0x20]  }
0x41f: {  	v9 =	vld [tilespmem:s3+$0x30]  }
0x420: {  	v5 =	vld [tilespmem:s3+$0x40]  }
0x421: {  	s2 =	sor.u32 $0xC070, s3;
	v4 =	vld [tilespmem:s3+$0x60]  }
0x422: {  	[tilespmem:s2+$0x0] =	vst.add.f32.msk $0xffff, v3  }
0x423: {  	s18 =	sor.u32 $0xC000, s3;
	v3 =	vld [tilespmem:s3+$0x50]  }
0x424: {  	s19 =	sor.u32 $0xC010, s3;
	[tilespmem:s18+$0x0] =	vst.add.f32.msk $0xffff, v6  }
0x425: {  	s4 =	simm.s32 $0x400;
	s5 =	sor.u32 $0xC020, s3;
	s14 =	sor.u32 $0xC030, s3;
	[tilespmem:s19+$0x0] =	vst.add.f32.msk $0xffff, v7  }
0x426: {  	s13 =	sor.u32 $0xC040, s3;
	s6 =	sor.u32 $0xC050, s3;
	s11 =	sor.u32 $0xC060, s3;
	[tilespmem:s5+$0x0] =	vst.add.f32.msk $0xffff, v8  }
0x427: {  	s2 =	simm.s32 $0x0;
	[tilespmem:s14+$0x0] =	vst.add.f32.msk $0xffff, v9;
	s3 =	simm.s32 $0x10;
	s5 =	simm.s32 $0x80  }
.LBB2_32:
0x428: {  	s14 =	sand.u32 $0x2000, s5;
	s15 =	sand.u32 $0x1C00, s4;
	s2 =	sadd.s32 $0x8, s2;
	[tilespmem:s13+$0x0] =	vst.add.f32.msk $0xffff, v5  }
0x429: {  	s13 =	sor.u32 s15, s14;
	s14 =	sand.u32 $0x380, s3;
	p0 =	slt.u32 s2, $0x3F8;
	[tilespmem:s6+$0x0] =	vst.add.f32.msk $0xffff, v3  }
0x42a: {  	s14 =	sor.u32 s14, s13;
	[tilespmem:s11+$0x0] =	vst.add.f32.msk $0xffff, v4  }
0x42b: {  	s15 =	sor.u32 $0xC000, s14;
	s16 =	sor.u32 $0xC010, s14;
	s17 =	sor.u32 $0xC020, s14;
	v3 =	vld [tilespmem:s14+$0x70]  }
0x42c: {  	s18 =	sor.u32 $0xC030, s14;
	s13 =	sor.u32 $0xC040, s14;
	s6 =	sor.u32 $0xC050, s14;
	v6 =	vld [tilespmem:s14+$0x0]  }
0x42d: {  	s11 =	sor.u32 $0xC060, s14;
	v7 =	vld [tilespmem:s14+$0x10]  }
0x42e: {  	v8 =	vld [tilespmem:s14+$0x20]  }
0x42f: {  	s19 =	sor.u32 $0xC070, s14;
	v9 =	vld [tilespmem:s14+$0x30]  }
0x430: {  	[tilespmem:s19+$0x0] =	vst.add.f32.msk $0xffff, v3  }
0x431: {  	v5 =	vld [tilespmem:s14+$0x40]  }
0x432: {  	v3 =	vld [tilespmem:s14+$0x50]  }
.Ltmp15:
0x433: {  	v4 =	vld [tilespmem:s14+$0x60];
	(pc) =	sbr.rel @p0 .LBB2_32-.Ltmp15, $4  }
0x434: {  	[tilespmem:s15+$0x0] =	vst.add.f32.msk $0xffff, v6  }
0x435: {  	[tilespmem:s16+$0x0] =	vst.add.f32.msk $0xffff, v7  }
0x436: {  	[tilespmem:s17+$0x0] =	vst.add.f32.msk $0xffff, v8  }
0x437: {  	s4 =	sadd.s32 $0x400, s4;
	s5 =	sadd.s32 $0x80, s5;
	s3 =	sadd.s32 $0x10, s3;
	[tilespmem:s18+$0x0] =	vst.add.f32.msk $0xffff, v9  }
0x438: {  	[tilespmem:s13+$0x0] =	vst.add.f32.msk $0xffff, v5  }
0x439: {  	[tilespmem:s6+$0x0] =	vst.add.f32.msk $0xffff, v3  }
0x43a: {  	[tilespmem:s11+$0x0] =	vst.add.f32.msk $0xffff, v4  }
0x43b: {  	s2 =	sld [smem:$0x7FC];
	_ =	sdelay $0x2  }
0x43c: {  	[hbm4b:s2+s1] =	stream.linear.scatter [tilespmem:s12], [sflag:$0x7], $0x4000, $0x38;
	[tilespmem:$0x18100] =	vst v63  }
0x43d: {  	_ =	swait.ge [sflag:s25], $0x4000  }
0x43e: {  	[sflag:s25] =	ssyncset.done $0x0  }
0x43f: {  	[sflag:s25] =	ssyncadd.s32 $0xFFFFC000  }
0x440: {  	_ =	swait.ge [sflag:s29], $0x4000  }
0x441: {  	[sflag:s29] =	ssyncset.done $0x0  }
0x442: {  	[sflag:s29] =	ssyncadd.s32 $0xFFFFC000  }
0x443: {  	_ =	swait.ge [sflag:s22], $0x4000  }
0x444: {  	s19 =	sld [smem:$0x7FD];
	_ =	sdelay $0x1  }
0x445: {  	s0 =	sadd.s32 $0x1, s0  }
0x446: {  	p0 =	sne.s32 s0, s19  }
.Ltmp16:
0x447: {  	_ = 	snop;
	(pc) =	sbr.rel @p0 .LBB2_1-.Ltmp16, $3  }
0x448: {  	_ =	sdelay $0x1  }
0x449: {  	[sflag:s22] =	ssyncset.done $0x0  }
0x44a: {  	[sflag:s22] =	ssyncadd.s32 $0xFFFFC000  }
0x44b: {  	_ =	sfence.sel $0x180000  }
0x44c: {  	[bflag:$0x0] =	sbarrier.arrive $0xFFFF  }
0x44d: {  	_ =	strace $0x90000047  }
0x44e: {  	s0 =	stileid.u32;
	[bflag:$0x2] =	sbarrier.arrive $0xFFFF  }
0x44f: {  	p0 =	sne.s32 s0, $0x0;
	s0 =	rddreg [dreg:$0x4]  }
0x450: {  	s0 =	sadd.s32 @!p0 $0x100000, s0  }
0x451: {  	[sflag:s0] =	ssyncadd.tile.s32 @!p0 $0x1;
	_ =	shalt  }
.Lfunc_end2:
_tile_overlayer_lowered:
.L_overlay_start_2:
0x452: {  	(tag) =	ssettag $0x2  }
0x453: {  	s0 =	rddreg [dreg:$0x0];
	s2 =	stileid.u32  }
0x454: {  	s1 =	rddreg [dreg:$0x1];
	p0 =	sne.s32 s2, $0x0  }
0x455: {  	s3 =	rddreg [dreg:$0x2];
	[bflag:$0x3] =	sbarrier.arrive $0xFFFF;
	s2 =	simm.s32 @!p0 $0x1C0B  }
0x456: {  	[timem:s3], [sflag:s2] =	dma.local @!p0 [hbm:s0], s1  }
0x457: {  	s0 =	simm.s32 @!p0 $0xB  }
0x458: {  	_ =	swait.ge @!p0 [sflag:s0], s1  }
0x459: {  	s1 =	ssub.s32 @!p0 $0x0, s1;
	[sflag:s0] =	ssyncset.done @!p0 $0x0  }
0x45a: {  	[sflag:s0] =	ssyncadd.s32 @!p0 s1  }
0x45b: {  	[bflag:$0x3] =	sbarrier.arrive $0xFFFF  }
0x45c: {  	_ =	shalt  }

</sc_bundles>
